<compile_context>
chip_gen: v7x
topology: tpu7x:2x2x1
jax: 0.10.2.dev20260603
libtpu: 0.0.44.dev20260713+nightly
codegen_flags: <defaults>
</compile_context>

<pallas_src>
import functools

import jax
import jax.numpy as jnp
from jax import lax
from jax.experimental import pallas as pl
from jax.experimental.pallas import tpu as pltpu
from jax.experimental.pallas import tpu_sc as plsc

N = 10000
NP = 10240
E = 320000
IN_FEATS = 128
HF = IN_FEATS // 2
NUM_CLASSES = 16
NC = 2
NS = 16
NW = NC * NS
EPW = E // NW
CHUNK = 128
NCH = 80
EPWP = NCH * CHUNK
NBUF = 4
RPT = NP // NS
BR = 320
GRID = NP // BR

_mesh = plsc.VectorSubcoreMesh(core_axis_name="c", subcore_axis_name="s")
_params = pltpu.CompilerParams(use_tc_tiling_on_sc=False)


def _fill(ref, rows, cols, val):
    v = jnp.full((16,), val, jnp.float32)

    def outer(i, c):
        def inner(k, c2):
            ref[i, pl.ds(k * 16, 16)] = v
            return c2

        return lax.fori_loop(0, cols // 16, inner, c)

    lax.fori_loop(0, rows, outer, 0)


@functools.partial(
    pl.kernel,
    out_type=[
        jax.ShapeDtypeStruct((NC, NP, 16), jnp.float32),
        jax.ShapeDtypeStruct((NC, NP, 16), jnp.float32),
    ],
    mesh=_mesh,
    compiler_params=_params,
    scratch_types=[
        pltpu.VMEM((NCH, CHUNK), jnp.int32),
        pltpu.VMEM((CHUNK, 16), jnp.float32),
        pltpu.VMEM((CHUNK, 16), jnp.float32),
        pltpu.VMEM_SHARED((NP, 16), jnp.float32),
        pltpu.VMEM_SHARED((NP, 16), jnp.float32),
    ],
)
def _degrees(src_hbm, dst_hbm, dout_hbm, din_hbm, idx_v, ones_v, zeros_v, acc_o, acc_i):
    c = lax.axis_index("c")
    s = lax.axis_index("s")
    w = c * NS + s
    _fill(ones_v, CHUNK, 16, 1.0)
    _fill(zeros_v, CHUNK, 16, 0.0)
    base = s * RPT

    def zacc(k, carry):
        pltpu.sync_copy(zeros_v, acc_o.at[pl.ds(base + k * CHUNK, CHUNK)])
        pltpu.sync_copy(zeros_v, acc_i.at[pl.ds(base + k * CHUNK, CHUNK)])
        return carry

    lax.fori_loop(0, RPT // CHUNK, zacc, 0)
    plsc.subcore_barrier()

    pltpu.sync_copy(src_hbm.at[w], idx_v)

    def scat_o(j, carry):
        pltpu.sync_copy(ones_v, acc_o.at[idx_v.at[j]], add=True)
        return carry

    lax.fori_loop(0, NCH, scat_o, 0)
    pltpu.sync_copy(dst_hbm.at[w], idx_v)

    def scat_i(j, carry):
        pltpu.sync_copy(ones_v, acc_i.at[idx_v.at[j]], add=True)
        return carry

    lax.fori_loop(0, NCH, scat_i, 0)
    plsc.subcore_barrier()

    pltpu.sync_copy(acc_o.at[pl.ds(base, RPT)], dout_hbm.at[c, pl.ds(base, RPT)])
    pltpu.sync_copy(acc_i.at[pl.ds(base, RPT)], din_hbm.at[c, pl.ds(base, RPT)])


def _make_propagate(D, CHUNK, NCH):

    @functools.partial(
        pl.kernel,
        out_type=jax.ShapeDtypeStruct((NC, NP, D), jnp.float32),
        mesh=_mesh,
        compiler_params=_params,
        scratch_types=[
            pltpu.VMEM((NCH, CHUNK), jnp.int32),
            pltpu.VMEM((NCH, CHUNK), jnp.int32),
            [pltpu.VMEM((CHUNK, D), jnp.float32) for _ in range(NBUF)],
            pltpu.VMEM((CHUNK, D), jnp.float32),
            pltpu.VMEM_SHARED((NP, D), jnp.float32),
            [pltpu.SemaphoreType.DMA for _ in range(NBUF)],
        ],
    )
    def prop(table_hbm, src_hbm, dst_hbm, out_hbm, idx_s, idx_d, bufs, zeros_v, acc, sems):
        c = lax.axis_index("c")
        s = lax.axis_index("s")
        w = c * NS + s
        _fill(zeros_v, CHUNK, D, 0.0)
        base = s * RPT

        def zacc(k, carry):
            pltpu.sync_copy(zeros_v, acc.at[pl.ds(base + k * CHUNK, CHUNK)])
            return carry

        lax.fori_loop(0, RPT // CHUNK, zacc, 0)
        plsc.subcore_barrier()

        pltpu.sync_copy(src_hbm.at[w], idx_s)
        pltpu.sync_copy(dst_hbm.at[w], idx_d)

        for b in range(NBUF):
            pltpu.async_copy(table_hbm.at[idx_s.at[b]], bufs[b], sems[b])

        def ring(q, carry):
            j0 = q * NBUF
            for b in range(NBUF):
                j = j0 + b
                pltpu.make_async_copy(table_hbm.at[idx_s.at[j]], bufs[b], sems[b]).wait()
                pltpu.sync_copy(bufs[b], acc.at[idx_d.at[j]], add=True)
                nxt = j + NBUF

                @pl.when(nxt < NCH)
                def _issue():
                    pltpu.async_copy(table_hbm.at[idx_s.at[nxt]], bufs[b], sems[b])

            return carry

        lax.fori_loop(0, NCH // NBUF, ring, 0)
        plsc.subcore_barrier()

        pltpu.sync_copy(acc.at[pl.ds(base, RPT)], out_hbm.at[c, pl.ds(base, RPT)])

    return prop


CH64 = 128
_prop64 = _make_propagate(HF, CH64, EPWP // CH64)
_prop16 = _make_propagate(NUM_CLASSES, CHUNK, NCH)


def _norm(dp_block):
    deg = dp_block[0, :, 0] + dp_block[1, :, 0]
    return lax.rsqrt(jnp.where(deg > 0, deg, 1.0))


def _tc_prep(xp, doutp, W1):

    def body(x_ref, d_ref, w_ref, ya_ref, yb_ref):
        nsrc = _norm(d_ref[...])
        y = jnp.dot(
            x_ref[...] * nsrc[:, None], w_ref[...], preferred_element_type=jnp.float32
        )
        ya_ref[...] = y[:, :HF]
        yb_ref[...] = y[:, HF:]

    return pl.pallas_call(
        body,
        grid=(GRID,),
        in_specs=[
            pl.BlockSpec((BR, IN_FEATS), lambda i: (i, 0)),
            pl.BlockSpec((NC, BR, 16), lambda i: (0, i, 0)),
            pl.BlockSpec((IN_FEATS, IN_FEATS), lambda i: (0, 0)),
        ],
        out_specs=[
            pl.BlockSpec((BR, HF), lambda i: (i, 0)),
            pl.BlockSpec((BR, HF), lambda i: (i, 0)),
        ],
        out_shape=[
            jax.ShapeDtypeStruct((NP, HF), jnp.float32),
            jax.ShapeDtypeStruct((NP, HF), jnp.float32),
        ],
    )(xp, doutp, W1)


def _tc_mid(Pa, Pb, doutp, dinp, b1, W2):

    def body(pa_ref, pb_ref, do_ref, di_ref, b_ref, w_ref, y_ref):
        ndst = _norm(di_ref[...])
        nsrc = _norm(do_ref[...])
        b = b_ref[...]
        w = w_ref[...]
        ha = jnp.maximum((pa_ref[0] + pa_ref[1]) * ndst[:, None] + b[:, :HF], 0.0)
        hb = jnp.maximum((pb_ref[0] + pb_ref[1]) * ndst[:, None] + b[:, HF:], 0.0)
        y_ref[...] = jnp.dot(
            ha * nsrc[:, None], w[:HF], preferred_element_type=jnp.float32
        ) + jnp.dot(hb * nsrc[:, None], w[HF:], preferred_element_type=jnp.float32)

    return pl.pallas_call(
        body,
        grid=(GRID,),
        in_specs=[
            pl.BlockSpec((NC, BR, HF), lambda i: (0, i, 0)),
            pl.BlockSpec((NC, BR, HF), lambda i: (0, i, 0)),
            pl.BlockSpec((NC, BR, 16), lambda i: (0, i, 0)),
            pl.BlockSpec((NC, BR, 16), lambda i: (0, i, 0)),
            pl.BlockSpec((1, IN_FEATS), lambda i: (0, 0)),
            pl.BlockSpec((IN_FEATS, NUM_CLASSES), lambda i: (0, 0)),
        ],
        out_specs=pl.BlockSpec((BR, NUM_CLASSES), lambda i: (i, 0)),
        out_shape=jax.ShapeDtypeStruct((NP, NUM_CLASSES), jnp.float32),
    )(Pa, Pb, doutp, dinp, b1, W2)


def _tc_fin(Q, dinp, b2):

    def body(q_ref, di_ref, b_ref, o_ref):
        ndst = _norm(di_ref[...])
        o_ref[...] = (q_ref[0] + q_ref[1]) * ndst[:, None] + b_ref[...]

    return pl.pallas_call(
        body,
        grid=(GRID,),
        in_specs=[
            pl.BlockSpec((NC, BR, NUM_CLASSES), lambda i: (0, i, 0)),
            pl.BlockSpec((NC, BR, 16), lambda i: (0, i, 0)),
            pl.BlockSpec((1, NUM_CLASSES), lambda i: (0, 0)),
        ],
        out_specs=pl.BlockSpec((BR, NUM_CLASSES), lambda i: (i, 0)),
        out_shape=jax.ShapeDtypeStruct((NP, NUM_CLASSES), jnp.float32),
    )(Q, dinp, b2)


def kernel(x, edge_index, W1, b1, W2, b2):
    src = edge_index[0].reshape(NW, EPW)
    dst = edge_index[1].reshape(NW, EPW)
    srcp = jnp.pad(src, ((0, 0), (0, EPWP - EPW)), constant_values=N)
    srcp = srcp.reshape(NW, NCH, CHUNK)
    dstp = jnp.pad(dst, ((0, 0), (0, EPWP - EPW)), constant_values=NP - 1)
    dstp = dstp.reshape(NW, NCH, CHUNK)
    xp = jnp.pad(x, ((0, NP - N), (0, 0)))

    srcp64 = srcp.reshape(NW, EPWP // CH64, CH64)
    dstp64 = dstp.reshape(NW, EPWP // CH64, CH64)
    doutp, dinp = _degrees(srcp, dstp)
    y1a, y1b = _tc_prep(xp, doutp, W1)
    Pa = _prop64(y1a, srcp64, dstp64)
    Pb = _prop64(y1b, srcp64, dstp64)
    y2 = _tc_mid(Pa, Pb, doutp, dinp, b1.reshape(1, IN_FEATS), W2)
    Q = _prop16(y2, srcp, dstp)
    out = _tc_fin(Q, dinp, b2.reshape(1, NUM_CLASSES))
    return out[:N]

# --- scband reference (transcript-rebuilt; emitter-appended) ---
"""Pipeline reference for scband-gcn-37735582662791 (READ-ONLY COPY).

The authoritative reference and input builder live on the scoring server;
editing this copy changes nothing except your own understanding.
"""

import jax, jax.numpy as jnp
import numpy as np

N = 10000
E = 320000
IN_FEATS = 128
H_FEATS = 128
NUM_CLASSES = 16


def setup_inputs(seed: int = 0) -> dict:
    key = jax.random.key(seed)
    k1, k2, k3, k4, k5, k6 = jax.random.split(key, 6)
    x = jax.random.normal(k1, (N, IN_FEATS), dtype=jnp.float32)
    edge_index = jax.random.randint(k2, (2, E), 0, N, dtype=jnp.int32)
    # GraphConv layer 1 params (glorot-like init)
    W1 = jax.random.normal(k3, (IN_FEATS, H_FEATS), dtype=jnp.float32) * (1.0 / np.sqrt(IN_FEATS))
    b1 = jnp.zeros((H_FEATS,), dtype=jnp.float32)
    # GraphConv layer 2 params
    W2 = jax.random.normal(k4, (H_FEATS, NUM_CLASSES), dtype=jnp.float32) * (1.0 / np.sqrt(H_FEATS))
    b2 = jnp.zeros((NUM_CLASSES,), dtype=jnp.float32)
    return {"x": x, "edge_index": edge_index, "W1": W1, "b1": b1, "W2": W2, "b2": b2}


def _graph_conv(h, src, dst, norm_src, norm_dst, W, b, n_nodes):
    # DGL GraphConv with norm='both': D_dst^{-1/2} A D_src^{-1/2} H W + b
    h = h * norm_src[:, None]
    msgs = jnp.take(h, src, axis=0)          # gather (SparseCore)
    agg = jax.ops.segment_sum(msgs, dst, num_segments=n_nodes)  # scatter-add
    agg = agg * norm_dst[:, None]
    return agg @ W + b


def reference(x, edge_index, W1, b1, W2, b2):
    src = edge_index[0]
    dst = edge_index[1]
    n_nodes = x.shape[0]
    ones = jnp.ones(src.shape[0], dtype=jnp.float32)
    deg_out = jax.ops.segment_sum(ones, src, num_segments=n_nodes)
    deg_in = jax.ops.segment_sum(ones, dst, num_segments=n_nodes)
    norm_src = jnp.where(deg_out > 0, deg_out, 1.0) ** -0.5
    norm_dst = jnp.where(deg_in > 0, deg_in, 1.0) ** -0.5
    h = _graph_conv(x, src, dst, norm_src, norm_dst, W1, b1, n_nodes)
    h = jax.nn.relu(h)
    h = _graph_conv(h, src, dst, norm_src, norm_dst, W2, b2, n_nodes)
    return h

if __name__ == "__main__":
    import jax
    _d = setup_inputs()
    print(jax.jit(kernel)(*tuple(_d.values())))

</pallas_src>

<mosaic_0001>
#map = affine_map<(d0, d1) -> (0, 0)>
#map1 = affine_map<(d0, d1) -> (0, 0, 0)>
module attributes {stable_mosaic.version = 14 : i64} {
  func.func @prop(%arg0: i32, %arg1: i32, %arg2: memref<10240x16xf32, #tpu.memory_space<hbm>>, %arg3: memref<32x80x128xi32, #tpu.memory_space<hbm>>, %arg4: memref<32x80x128xi32, #tpu.memory_space<hbm>>, %arg5: memref<2x10240x16xf32, #tpu.memory_space<hbm>>, %arg6: memref<80x128xi32, #tpu.memory_space<vmem>>, %arg7: memref<80x128xi32, #tpu.memory_space<vmem>>, %arg8: memref<128x16xf32, #tpu.memory_space<vmem>>, %arg9: memref<128x16xf32, #tpu.memory_space<vmem>>, %arg10: memref<128x16xf32, #tpu.memory_space<vmem>>, %arg11: memref<128x16xf32, #tpu.memory_space<vmem>>, %arg12: memref<128x16xf32, #tpu.memory_space<vmem>>, %arg13: memref<10240x16xf32, #tpu.memory_space<vmem_shared>>, %arg14: memref<!tpu.dma_semaphore, #tpu.memory_space<semaphore_mem>>, %arg15: memref<!tpu.dma_semaphore, #tpu.memory_space<semaphore_mem>>, %arg16: memref<!tpu.dma_semaphore, #tpu.memory_space<semaphore_mem>>, %arg17: memref<!tpu.dma_semaphore, #tpu.memory_space<semaphore_mem>>) attributes {dimension_semantics = [#tpu.dimension_semantics<core_parallel>, #tpu.dimension_semantics<subcore_parallel>], iteration_bounds = array<i64: 2, 16>, scalar_prefetch = 0 : i64, scratch_operands = 12 : i64, tpu.core_type = #tpu.core_type<sc_vector_subcore>, window_params = [{transform_indices = #map}, {transform_indices = #map1}, {transform_indices = #map1}, {transform_indices = #map1}]} {
    %mul3A = arith.constant 16 : i32
    %mul3A_0 = arith.muli %arg0, %mul3A : i32
    %add3A = arith.addi %mul3A_0, %arg1 : i32
    %broadcast_in_dim3A = arith.constant 0.000000e+00 : f32
    %broadcast_in_dim3A_1 = vector.broadcast %broadcast_in_dim3A : f32 to vector<16xf32>
    %scan3A = arith.constant 0 : i32
    %scan3A_2 = arith.constant 0 : i32
    %scan3A_3 = arith.constant 128 : i32
    %scan3A_4 = arith.addi %scan3A_2, %scan3A_3 : i32
    %scan3A_5 = arith.constant 1 : i32
    scf.for %scan3A_49 = %scan3A_2 to %scan3A_4 step %scan3A_5  : i32 {
      %scan3A_50 = arith.constant 0 : i32
      %mul3A_51 = arith.constant 16 : i32
      %mul3A_52 = arith.muli %scan3A_50, %mul3A_51 : i32
      %swap3A = arith.index_cast %scan3A_49 : i32 to index
      %swap3A_53 = arith.index_cast %mul3A_52 : i32 to index
      %swap3A_54 = tpu.vector_load %arg12[%swap3A, %swap3A_53] {strides = array<i32>} : memref<128x16xf32, #tpu.memory_space<vmem>>, vector<1x16xf32>,
      %swap3A_55 = vector.shape_cast %swap3A_54 : vector<1x16xf32> to vector<16xf32>
      %swap3A_56 = vector.shape_cast %broadcast_in_dim3A_1 : vector<16xf32> to vector<1x16xf32>
      tpu.vector_store %arg12[%swap3A, %swap3A_53], %swap3A_56 {strides = array<i32>} : memref<128x16xf32, #tpu.memory_space<vmem>>, vector<1x16xf32>,
      %scan3A_57 = arith.constant 1 : i32
    }
    %scan3A_6 = arith.constant 128 : i32
    %mul3A_7 = arith.constant 640 : i32
    %mul3A_8 = arith.muli %arg1, %mul3A_7 : i32
    %scan3A_9 = arith.constant 0 : i32
    %scan3A_10 = arith.constant 0 : i32
    %scan3A_11 = arith.constant 5 : i32
    %scan3A_12 = arith.addi %scan3A_10, %scan3A_11 : i32
    %scan3A_13 = arith.constant 1 : i32
    scf.for %scan3A_49 = %scan3A_10 to %scan3A_12 step %scan3A_13  : i32 {
      %mul3A_50 = arith.constant 128 : i32
      %mul3A_51 = arith.muli %scan3A_49, %mul3A_50 : i32
      %add3A_52 = arith.addi %mul3A_8, %mul3A_51 : i32
      "tpu.region"() ({
        %run_scoped3A = tpu.sem_alloc : memref<!tpu.dma_semaphore, #tpu.memory_space<semaphore_mem>>
        %dma_start3A_53 = arith.constant 0 : i32
        %dma_start3A_54 = tpu.memref_slice %arg13[%add3A_52, %dma_start3A_53] : memref<10240x16xf32, #tpu.memory_space<vmem_shared>> -> memref<128x16xf32, #tpu.memory_space<vmem_shared>>
        %dma_start3A_55 = arith.constant 0 : i32
        %dma_start3A_56 = tpu.memref_slice %arg13[%add3A_52, %dma_start3A_55] : memref<10240x16xf32, #tpu.memory_space<vmem_shared>> -> memref<128x16xf32, #tpu.memory_space<vmem_shared>>
        tpu.enqueue_dma source(%arg12 : memref<128x16xf32, #tpu.memory_space<vmem>>) target(%dma_start3A_56 : memref<128x16xf32, #tpu.memory_space<vmem_shared>>) target_semaphore(%run_scoped3A : memref<!tpu.dma_semaphore, #tpu.memory_space<semaphore_mem>>)
        %dma_wait3A = arith.constant 0 : i32
        %dma_wait3A_57 = tpu.memref_slice %arg13[%add3A_52, %dma_wait3A] : memref<10240x16xf32, #tpu.memory_space<vmem_shared>> -> memref<128x16xf32, #tpu.memory_space<vmem_shared>>
        %dma_wait3A_58 = arith.constant 0 : i32
        %dma_wait3A_59 = tpu.memref_slice %arg13[%add3A_52, %dma_wait3A_58] : memref<10240x16xf32, #tpu.memory_space<vmem_shared>> -> memref<128x16xf32, #tpu.memory_space<vmem_shared>>
        tpu.wait_dma2 semaphore(%run_scoped3A : memref<!tpu.dma_semaphore, #tpu.memory_space<semaphore_mem>>) src(%arg12 : memref<128x16xf32, #tpu.memory_space<vmem>>) dst(%dma_wait3A_59 : memref<128x16xf32, #tpu.memory_space<vmem_shared>>)
        tpu.yield
      }) : () -> ()
    }
    %scan3A_14 = arith.constant 5 : i32
    %barrier3A = arith.constant 0 : index
    tpu.barrier barrier_id(%barrier3A)
    "tpu.region"() ({
      %run_scoped3A = tpu.sem_alloc : memref<!tpu.dma_semaphore, #tpu.memory_space<semaphore_mem>>
      %dma_start3A_49 = arith.constant 0 : i32
      %dma_start3A_50 = arith.constant 0 : i32
      %dma_start3A_51 = tpu.memref_slice %arg3[%add3A, %dma_start3A_49, %dma_start3A_50] : memref<32x80x128xi32, #tpu.memory_space<hbm>> -> memref<1x80x128xi32, #tpu.memory_space<hbm>>
      %dma_start3A_52 = tpu.memref_squeeze %dma_start3A_51 : memref<1x80x128xi32, #tpu.memory_space<hbm>> -> memref<80x128xi32, #tpu.memory_space<hbm>>
      %dma_start3A_53 = arith.constant 0 : i32
      %dma_start3A_54 = arith.constant 0 : i32
      %dma_start3A_55 = tpu.memref_slice %arg3[%add3A, %dma_start3A_53, %dma_start3A_54] : memref<32x80x128xi32, #tpu.memory_space<hbm>> -> memref<1x80x128xi32, #tpu.memory_space<hbm>>
      %dma_start3A_56 = tpu.memref_squeeze %dma_start3A_55 : memref<1x80x128xi32, #tpu.memory_space<hbm>> -> memref<80x128xi32, #tpu.memory_space<hbm>>
      tpu.enqueue_dma source(%dma_start3A_56 : memref<80x128xi32, #tpu.memory_space<hbm>>) target(%arg6 : memref<80x128xi32, #tpu.memory_space<vmem>>) target_semaphore(%run_scoped3A : memref<!tpu.dma_semaphore, #tpu.memory_space<semaphore_mem>>)
      %dma_wait3A = arith.constant 0 : i32
      %dma_wait3A_57 = arith.constant 0 : i32
      %dma_wait3A_58 = tpu.memref_slice %arg3[%add3A, %dma_wait3A, %dma_wait3A_57] : memref<32x80x128xi32, #tpu.memory_space<hbm>> -> memref<1x80x128xi32, #tpu.memory_space<hbm>>
      %dma_wait3A_59 = tpu.memref_squeeze %dma_wait3A_58 : memref<1x80x128xi32, #tpu.memory_space<hbm>> -> memref<80x128xi32, #tpu.memory_space<hbm>>
      %dma_wait3A_60 = arith.constant 0 : i32
      %dma_wait3A_61 = arith.constant 0 : i32
      %dma_wait3A_62 = tpu.memref_slice %arg3[%add3A, %dma_wait3A_60, %dma_wait3A_61] : memref<32x80x128xi32, #tpu.memory_space<hbm>> -> memref<1x80x128xi32, #tpu.memory_space<hbm>>
      %dma_wait3A_63 = tpu.memref_squeeze %dma_wait3A_62 : memref<1x80x128xi32, #tpu.memory_space<hbm>> -> memref<80x128xi32, #tpu.memory_space<hbm>>
      tpu.wait_dma2 semaphore(%run_scoped3A : memref<!tpu.dma_semaphore, #tpu.memory_space<semaphore_mem>>) src(%dma_wait3A_63 : memref<80x128xi32, #tpu.memory_space<hbm>>) dst(%arg6 : memref<80x128xi32, #tpu.memory_space<vmem>>)
      tpu.yield
    }) : () -> ()
    "tpu.region"() ({
      %run_scoped3A = tpu.sem_alloc : memref<!tpu.dma_semaphore, #tpu.memory_space<semaphore_mem>>
      %dma_start3A_49 = arith.constant 0 : i32
      %dma_start3A_50 = arith.constant 0 : i32
      %dma_start3A_51 = tpu.memref_slice %arg4[%add3A, %dma_start3A_49, %dma_start3A_50] : memref<32x80x128xi32, #tpu.memory_space<hbm>> -> memref<1x80x128xi32, #tpu.memory_space<hbm>>
      %dma_start3A_52 = tpu.memref_squeeze %dma_start3A_51 : memref<1x80x128xi32, #tpu.memory_space<hbm>> -> memref<80x128xi32, #tpu.memory_space<hbm>>
      %dma_start3A_53 = arith.constant 0 : i32
      %dma_start3A_54 = arith.constant 0 : i32
      %dma_start3A_55 = tpu.memref_slice %arg4[%add3A, %dma_start3A_53, %dma_start3A_54] : memref<32x80x128xi32, #tpu.memory_space<hbm>> -> memref<1x80x128xi32, #tpu.memory_space<hbm>>
      %dma_start3A_56 = tpu.memref_squeeze %dma_start3A_55 : memref<1x80x128xi32, #tpu.memory_space<hbm>> -> memref<80x128xi32, #tpu.memory_space<hbm>>
      tpu.enqueue_dma source(%dma_start3A_56 : memref<80x128xi32, #tpu.memory_space<hbm>>) target(%arg7 : memref<80x128xi32, #tpu.memory_space<vmem>>) target_semaphore(%run_scoped3A : memref<!tpu.dma_semaphore, #tpu.memory_space<semaphore_mem>>)
      %dma_wait3A = arith.constant 0 : i32
      %dma_wait3A_57 = arith.constant 0 : i32
      %dma_wait3A_58 = tpu.memref_slice %arg4[%add3A, %dma_wait3A, %dma_wait3A_57] : memref<32x80x128xi32, #tpu.memory_space<hbm>> -> memref<1x80x128xi32, #tpu.memory_space<hbm>>
      %dma_wait3A_59 = tpu.memref_squeeze %dma_wait3A_58 : memref<1x80x128xi32, #tpu.memory_space<hbm>> -> memref<80x128xi32, #tpu.memory_space<hbm>>
      %dma_wait3A_60 = arith.constant 0 : i32
      %dma_wait3A_61 = arith.constant 0 : i32
      %dma_wait3A_62 = tpu.memref_slice %arg4[%add3A, %dma_wait3A_60, %dma_wait3A_61] : memref<32x80x128xi32, #tpu.memory_space<hbm>> -> memref<1x80x128xi32, #tpu.memory_space<hbm>>
      %dma_wait3A_63 = tpu.memref_squeeze %dma_wait3A_62 : memref<1x80x128xi32, #tpu.memory_space<hbm>> -> memref<80x128xi32, #tpu.memory_space<hbm>>
      tpu.wait_dma2 semaphore(%run_scoped3A : memref<!tpu.dma_semaphore, #tpu.memory_space<semaphore_mem>>) src(%dma_wait3A_63 : memref<80x128xi32, #tpu.memory_space<hbm>>) dst(%arg7 : memref<80x128xi32, #tpu.memory_space<vmem>>)
      tpu.yield
    }) : () -> ()
    %dma_start3A = arith.constant 0 : i32
    %dma_start3A_15 = arith.constant 0 : i32
    %dma_start3A_16 = tpu.memref_slice %arg6[%dma_start3A, %dma_start3A_15] : memref<80x128xi32, #tpu.memory_space<vmem>> -> memref<1x128xi32, #tpu.memory_space<vmem>>
    %dma_start3A_17 = tpu.memref_squeeze %dma_start3A_16 : memref<1x128xi32, #tpu.memory_space<vmem>> -> memref<128xi32, #tpu.memory_space<vmem>>
    %dma_start3A_18 = arith.constant 0 : i32
    %dma_start3A_19 = arith.constant 0 : i32
    %dma_start3A_20 = tpu.memref_slice %arg2[%dma_start3A_18, %dma_start3A_19] : memref<10240x16xf32, #tpu.memory_space<hbm>> -> memref<10240x16xf32, #tpu.memory_space<hbm>>
    tpu.enqueue_indirect_dma source(%dma_start3A_20 : memref<10240x16xf32, #tpu.memory_space<hbm>>) target(%arg8 : memref<128x16xf32, #tpu.memory_space<vmem>>) offsets(%dma_start3A_17 : memref<128xi32, #tpu.memory_space<vmem>>) semaphore(%arg14 : memref<!tpu.dma_semaphore, #tpu.memory_space<semaphore_mem>>)
    %dma_start3A_21 = arith.constant 1 : i32
    %dma_start3A_22 = arith.constant 0 : i32
    %dma_start3A_23 = tpu.memref_slice %arg6[%dma_start3A_21, %dma_start3A_22] : memref<80x128xi32, #tpu.memory_space<vmem>> -> memref<1x128xi32, #tpu.memory_space<vmem>>
    %dma_start3A_24 = tpu.memref_squeeze %dma_start3A_23 : memref<1x128xi32, #tpu.memory_space<vmem>> -> memref<128xi32, #tpu.memory_space<vmem>>
    %dma_start3A_25 = arith.constant 0 : i32
    %dma_start3A_26 = arith.constant 0 : i32
    %dma_start3A_27 = tpu.memref_slice %arg2[%dma_start3A_25, %dma_start3A_26] : memref<10240x16xf32, #tpu.memory_space<hbm>> -> memref<10240x16xf32, #tpu.memory_space<hbm>>
    tpu.enqueue_indirect_dma source(%dma_start3A_27 : memref<10240x16xf32, #tpu.memory_space<hbm>>) target(%arg9 : memref<128x16xf32, #tpu.memory_space<vmem>>) offsets(%dma_start3A_24 : memref<128xi32, #tpu.memory_space<vmem>>) semaphore(%arg15 : memref<!tpu.dma_semaphore, #tpu.memory_space<semaphore_mem>>)
    %dma_start3A_28 = arith.constant 2 : i32
    %dma_start3A_29 = arith.constant 0 : i32
    %dma_start3A_30 = tpu.memref_slice %arg6[%dma_start3A_28, %dma_start3A_29] : memref<80x128xi32, #tpu.memory_space<vmem>> -> memref<1x128xi32, #tpu.memory_space<vmem>>
    %dma_start3A_31 = tpu.memref_squeeze %dma_start3A_30 : memref<1x128xi32, #tpu.memory_space<vmem>> -> memref<128xi32, #tpu.memory_space<vmem>>
    %dma_start3A_32 = arith.constant 0 : i32
    %dma_start3A_33 = arith.constant 0 : i32
    %dma_start3A_34 = tpu.memref_slice %arg2[%dma_start3A_32, %dma_start3A_33] : memref<10240x16xf32, #tpu.memory_space<hbm>> -> memref<10240x16xf32, #tpu.memory_space<hbm>>
    tpu.enqueue_indirect_dma source(%dma_start3A_34 : memref<10240x16xf32, #tpu.memory_space<hbm>>) target(%arg10 : memref<128x16xf32, #tpu.memory_space<vmem>>) offsets(%dma_start3A_31 : memref<128xi32, #tpu.memory_space<vmem>>) semaphore(%arg16 : memref<!tpu.dma_semaphore, #tpu.memory_space<semaphore_mem>>)
    %dma_start3A_35 = arith.constant 3 : i32
    %dma_start3A_36 = arith.constant 0 : i32
    %dma_start3A_37 = tpu.memref_slice %arg6[%dma_start3A_35, %dma_start3A_36] : memref<80x128xi32, #tpu.memory_space<vmem>> -> memref<1x128xi32, #tpu.memory_space<vmem>>
    %dma_start3A_38 = tpu.memref_squeeze %dma_start3A_37 : memref<1x128xi32, #tpu.memory_space<vmem>> -> memref<128xi32, #tpu.memory_space<vmem>>
    %dma_start3A_39 = arith.constant 0 : i32
    %dma_start3A_40 = arith.constant 0 : i32
    %dma_start3A_41 = tpu.memref_slice %arg2[%dma_start3A_39, %dma_start3A_40] : memref<10240x16xf32, #tpu.memory_space<hbm>> -> memref<10240x16xf32, #tpu.memory_space<hbm>>
    tpu.enqueue_indirect_dma source(%dma_start3A_41 : memref<10240x16xf32, #tpu.memory_space<hbm>>) target(%arg11 : memref<128x16xf32, #tpu.memory_space<vmem>>) offsets(%dma_start3A_38 : memref<128xi32, #tpu.memory_space<vmem>>) semaphore(%arg17 : memref<!tpu.dma_semaphore, #tpu.memory_space<semaphore_mem>>)
    %scan3A_42 = arith.constant 0 : i32
    %scan3A_43 = arith.constant 0 : i32
    %scan3A_44 = arith.constant 20 : i32
    %scan3A_45 = arith.addi %scan3A_43, %scan3A_44 : i32
    %scan3A_46 = arith.constant 1 : i32
    scf.for %scan3A_49 = %scan3A_43 to %scan3A_45 step %scan3A_46  : i32 {
      %mul3A_50 = arith.constant 4 : i32
      %mul3A_51 = arith.muli %scan3A_49, %mul3A_50 : i32
      %add3A_52 = arith.constant 0 : i32
      %add3A_53 = arith.addi %mul3A_51, %add3A_52 : i32
      %dma_wait3A = arith.constant 0 : i32
      %dma_wait3A_54 = tpu.memref_slice %arg6[%add3A_53, %dma_wait3A] : memref<80x128xi32, #tpu.memory_space<vmem>> -> memref<1x128xi32, #tpu.memory_space<vmem>>
      %dma_wait3A_55 = tpu.memref_squeeze %dma_wait3A_54 : memref<1x128xi32, #tpu.memory_space<vmem>> -> memref<128xi32, #tpu.memory_space<vmem>>
      %dma_wait3A_56 = arith.constant 0 : i32
      %dma_wait3A_57 = arith.constant 0 : i32
      %dma_wait3A_58 = tpu.memref_slice %arg2[%dma_wait3A_56, %dma_wait3A_57] : memref<10240x16xf32, #tpu.memory_space<hbm>> -> memref<10240x16xf32, #tpu.memory_space<hbm>>
      tpu.wait_indirect_dma semaphore(%arg14 : memref<!tpu.dma_semaphore, #tpu.memory_space<semaphore_mem>>) src(%dma_wait3A_58 : memref<10240x16xf32, #tpu.memory_space<hbm>>) dst(%arg8 : memref<128x16xf32, #tpu.memory_space<vmem>>)
      "tpu.region"() ({
        %run_scoped3A = tpu.sem_alloc : memref<!tpu.dma_semaphore, #tpu.memory_space<semaphore_mem>>
        %dma_start3A_108 = arith.constant 0 : i32
        %dma_start3A_109 = tpu.memref_slice %arg7[%add3A_53, %dma_start3A_108] : memref<80x128xi32, #tpu.memory_space<vmem>> -> memref<1x128xi32, #tpu.memory_space<vmem>>
        %dma_start3A_110 = tpu.memref_squeeze %dma_start3A_109 : memref<1x128xi32, #tpu.memory_space<vmem>> -> memref<128xi32, #tpu.memory_space<vmem>>
        %dma_start3A_111 = arith.constant 0 : i32
        %dma_start3A_112 = arith.constant 0 : i32
        %dma_start3A_113 = tpu.memref_slice %arg13[%dma_start3A_111, %dma_start3A_112] : memref<10240x16xf32, #tpu.memory_space<vmem_shared>> -> memref<10240x16xf32, #tpu.memory_space<vmem_shared>>
        tpu.enqueue_indirect_dma source(%arg8 : memref<128x16xf32, #tpu.memory_space<vmem>>) target(%dma_start3A_113 : memref<10240x16xf32, #tpu.memory_space<vmem_shared>>) offsets(%dma_start3A_110 : memref<128xi32, #tpu.memory_space<vmem>>) semaphore(%run_scoped3A : memref<!tpu.dma_semaphore, #tpu.memory_space<semaphore_mem>>) {add = true}
        %dma_wait3A_114 = arith.constant 0 : i32
        %dma_wait3A_115 = tpu.memref_slice %arg7[%add3A_53, %dma_wait3A_114] : memref<80x128xi32, #tpu.memory_space<vmem>> -> memref<1x128xi32, #tpu.memory_space<vmem>>
        %dma_wait3A_116 = tpu.memref_squeeze %dma_wait3A_115 : memref<1x128xi32, #tpu.memory_space<vmem>> -> memref<128xi32, #tpu.memory_space<vmem>>
        %dma_wait3A_117 = arith.constant 0 : i32
        %dma_wait3A_118 = arith.constant 0 : i32
        %dma_wait3A_119 = tpu.memref_slice %arg13[%dma_wait3A_117, %dma_wait3A_118] : memref<10240x16xf32, #tpu.memory_space<vmem_shared>> -> memref<10240x16xf32, #tpu.memory_space<vmem_shared>>
        tpu.wait_indirect_dma semaphore(%run_scoped3A : memref<!tpu.dma_semaphore, #tpu.memory_space<semaphore_mem>>) src(%arg8 : memref<128x16xf32, #tpu.memory_space<vmem>>) dst(%dma_wait3A_119 : memref<10240x16xf32, #tpu.memory_space<vmem_shared>>)
        tpu.yield
      }) : () -> ()
      %add3A_59 = arith.constant 4 : i32
      %add3A_60 = arith.addi %add3A_53, %add3A_59 : i32
      %lt3A = arith.constant 80 : i32
      %lt3A_61 = arith.cmpi slt, %add3A_60, %lt3A : i32
      %convert_element_type3A = arith.extui %lt3A_61 : i1 to i32
      %cond3A = arith.constant 0 : i32
      %cond3A_62 = arith.cmpi ne, %convert_element_type3A, %cond3A : i32
      scf.if %cond3A_62 {
        %dma_start3A_108 = arith.constant 0 : i32
        %dma_start3A_109 = tpu.memref_slice %arg6[%add3A_60, %dma_start3A_108] : memref<80x128xi32, #tpu.memory_space<vmem>> -> memref<1x128xi32, #tpu.memory_space<vmem>>
        %dma_start3A_110 = tpu.memref_squeeze %dma_start3A_109 : memref<1x128xi32, #tpu.memory_space<vmem>> -> memref<128xi32, #tpu.memory_space<vmem>>
        %dma_start3A_111 = arith.constant 0 : i32
        %dma_start3A_112 = arith.constant 0 : i32
        %dma_start3A_113 = tpu.memref_slice %arg2[%dma_start3A_111, %dma_start3A_112] : memref<10240x16xf32, #tpu.memory_space<hbm>> -> memref<10240x16xf32, #tpu.memory_space<hbm>>
        tpu.enqueue_indirect_dma source(%dma_start3A_113 : memref<10240x16xf32, #tpu.memory_space<hbm>>) target(%arg8 : memref<128x16xf32, #tpu.memory_space<vmem>>) offsets(%dma_start3A_110 : memref<128xi32, #tpu.memory_space<vmem>>) semaphore(%arg14 : memref<!tpu.dma_semaphore, #tpu.memory_space<semaphore_mem>>)
      } else {
      }
      %add3A_63 = arith.constant 1 : i32
      %add3A_64 = arith.addi %mul3A_51, %add3A_63 : i32
      %dma_wait3A_65 = arith.constant 0 : i32
      %dma_wait3A_66 = tpu.memref_slice %arg6[%add3A_64, %dma_wait3A_65] : memref<80x128xi32, #tpu.memory_space<vmem>> -> memref<1x128xi32, #tpu.memory_space<vmem>>
      %dma_wait3A_67 = tpu.memref_squeeze %dma_wait3A_66 : memref<1x128xi32, #tpu.memory_space<vmem>> -> memref<128xi32, #tpu.memory_space<vmem>>
      %dma_wait3A_68 = arith.constant 0 : i32
      %dma_wait3A_69 = arith.constant 0 : i32
      %dma_wait3A_70 = tpu.memref_slice %arg2[%dma_wait3A_68, %dma_wait3A_69] : memref<10240x16xf32, #tpu.memory_space<hbm>> -> memref<10240x16xf32, #tpu.memory_space<hbm>>
      tpu.wait_indirect_dma semaphore(%arg15 : memref<!tpu.dma_semaphore, #tpu.memory_space<semaphore_mem>>) src(%dma_wait3A_70 : memref<10240x16xf32, #tpu.memory_space<hbm>>) dst(%arg9 : memref<128x16xf32, #tpu.memory_space<vmem>>)
      "tpu.region"() ({
        %run_scoped3A = tpu.sem_alloc : memref<!tpu.dma_semaphore, #tpu.memory_space<semaphore_mem>>
        %dma_start3A_108 = arith.constant 0 : i32
        %dma_start3A_109 = tpu.memref_slice %arg7[%add3A_64, %dma_start3A_108] : memref<80x128xi32, #tpu.memory_space<vmem>> -> memref<1x128xi32, #tpu.memory_space<vmem>>
        %dma_start3A_110 = tpu.memref_squeeze %dma_start3A_109 : memref<1x128xi32, #tpu.memory_space<vmem>> -> memref<128xi32, #tpu.memory_space<vmem>>
        %dma_start3A_111 = arith.constant 0 : i32
        %dma_start3A_112 = arith.constant 0 : i32
        %dma_start3A_113 = tpu.memref_slice %arg13[%dma_start3A_111, %dma_start3A_112] : memref<10240x16xf32, #tpu.memory_space<vmem_shared>> -> memref<10240x16xf32, #tpu.memory_space<vmem_shared>>
        tpu.enqueue_indirect_dma source(%arg9 : memref<128x16xf32, #tpu.memory_space<vmem>>) target(%dma_start3A_113 : memref<10240x16xf32, #tpu.memory_space<vmem_shared>>) offsets(%dma_start3A_110 : memref<128xi32, #tpu.memory_space<vmem>>) semaphore(%run_scoped3A : memref<!tpu.dma_semaphore, #tpu.memory_space<semaphore_mem>>) {add = true}
        %dma_wait3A_114 = arith.constant 0 : i32
        %dma_wait3A_115 = tpu.memref_slice %arg7[%add3A_64, %dma_wait3A_114] : memref<80x128xi32, #tpu.memory_space<vmem>> -> memref<1x128xi32, #tpu.memory_space<vmem>>
        %dma_wait3A_116 = tpu.memref_squeeze %dma_wait3A_115 : memref<1x128xi32, #tpu.memory_space<vmem>> -> memref<128xi32, #tpu.memory_space<vmem>>
        %dma_wait3A_117 = arith.constant 0 : i32
        %dma_wait3A_118 = arith.constant 0 : i32
        %dma_wait3A_119 = tpu.memref_slice %arg13[%dma_wait3A_117, %dma_wait3A_118] : memref<10240x16xf32, #tpu.memory_space<vmem_shared>> -> memref<10240x16xf32, #tpu.memory_space<vmem_shared>>
        tpu.wait_indirect_dma semaphore(%run_scoped3A : memref<!tpu.dma_semaphore, #tpu.memory_space<semaphore_mem>>) src(%arg9 : memref<128x16xf32, #tpu.memory_space<vmem>>) dst(%dma_wait3A_119 : memref<10240x16xf32, #tpu.memory_space<vmem_shared>>)
        tpu.yield
      }) : () -> ()
      %add3A_71 = arith.constant 4 : i32
      %add3A_72 = arith.addi %add3A_64, %add3A_71 : i32
      %lt3A_73 = arith.constant 80 : i32
      %lt3A_74 = arith.cmpi slt, %add3A_72, %lt3A_73 : i32
      %convert_element_type3A_75 = arith.extui %lt3A_74 : i1 to i32
      %cond3A_76 = arith.constant 0 : i32
      %cond3A_77 = arith.cmpi ne, %convert_element_type3A_75, %cond3A_76 : i32
      scf.if %cond3A_77 {
        %dma_start3A_108 = arith.constant 0 : i32
        %dma_start3A_109 = tpu.memref_slice %arg6[%add3A_72, %dma_start3A_108] : memref<80x128xi32, #tpu.memory_space<vmem>> -> memref<1x128xi32, #tpu.memory_space<vmem>>
        %dma_start3A_110 = tpu.memref_squeeze %dma_start3A_109 : memref<1x128xi32, #tpu.memory_space<vmem>> -> memref<128xi32, #tpu.memory_space<vmem>>
        %dma_start3A_111 = arith.constant 0 : i32
        %dma_start3A_112 = arith.constant 0 : i32
        %dma_start3A_113 = tpu.memref_slice %arg2[%dma_start3A_111, %dma_start3A_112] : memref<10240x16xf32, #tpu.memory_space<hbm>> -> memref<10240x16xf32, #tpu.memory_space<hbm>>
        tpu.enqueue_indirect_dma source(%dma_start3A_113 : memref<10240x16xf32, #tpu.memory_space<hbm>>) target(%arg9 : memref<128x16xf32, #tpu.memory_space<vmem>>) offsets(%dma_start3A_110 : memref<128xi32, #tpu.memory_space<vmem>>) semaphore(%arg15 : memref<!tpu.dma_semaphore, #tpu.memory_space<semaphore_mem>>)
      } else {
      }
      %add3A_78 = arith.constant 2 : i32
      %add3A_79 = arith.addi %mul3A_51, %add3A_78 : i32
      %dma_wait3A_80 = arith.constant 0 : i32
      %dma_wait3A_81 = tpu.memref_slice %arg6[%add3A_79, %dma_wait3A_80] : memref<80x128xi32, #tpu.memory_space<vmem>> -> memref<1x128xi32, #tpu.memory_space<vmem>>
      %dma_wait3A_82 = tpu.memref_squeeze %dma_wait3A_81 : memref<1x128xi32, #tpu.memory_space<vmem>> -> memref<128xi32, #tpu.memory_space<vmem>>
      %dma_wait3A_83 = arith.constant 0 : i32
      %dma_wait3A_84 = arith.constant 0 : i32
      %dma_wait3A_85 = tpu.memref_slice %arg2[%dma_wait3A_83, %dma_wait3A_84] : memref<10240x16xf32, #tpu.memory_space<hbm>> -> memref<10240x16xf32, #tpu.memory_space<hbm>>
      tpu.wait_indirect_dma semaphore(%arg16 : memref<!tpu.dma_semaphore, #tpu.memory_space<semaphore_mem>>) src(%dma_wait3A_85 : memref<10240x16xf32, #tpu.memory_space<hbm>>) dst(%arg10 : memref<128x16xf32, #tpu.memory_space<vmem>>)
      "tpu.region"() ({
        %run_scoped3A = tpu.sem_alloc : memref<!tpu.dma_semaphore, #tpu.memory_space<semaphore_mem>>
        %dma_start3A_108 = arith.constant 0 : i32
        %dma_start3A_109 = tpu.memref_slice %arg7[%add3A_79, %dma_start3A_108] : memref<80x128xi32, #tpu.memory_space<vmem>> -> memref<1x128xi32, #tpu.memory_space<vmem>>
        %dma_start3A_110 = tpu.memref_squeeze %dma_start3A_109 : memref<1x128xi32, #tpu.memory_space<vmem>> -> memref<128xi32, #tpu.memory_space<vmem>>
        %dma_start3A_111 = arith.constant 0 : i32
        %dma_start3A_112 = arith.constant 0 : i32
        %dma_start3A_113 = tpu.memref_slice %arg13[%dma_start3A_111, %dma_start3A_112] : memref<10240x16xf32, #tpu.memory_space<vmem_shared>> -> memref<10240x16xf32, #tpu.memory_space<vmem_shared>>
        tpu.enqueue_indirect_dma source(%arg10 : memref<128x16xf32, #tpu.memory_space<vmem>>) target(%dma_start3A_113 : memref<10240x16xf32, #tpu.memory_space<vmem_shared>>) offsets(%dma_start3A_110 : memref<128xi32, #tpu.memory_space<vmem>>) semaphore(%run_scoped3A : memref<!tpu.dma_semaphore, #tpu.memory_space<semaphore_mem>>) {add = true}
        %dma_wait3A_114 = arith.constant 0 : i32
        %dma_wait3A_115 = tpu.memref_slice %arg7[%add3A_79, %dma_wait3A_114] : memref<80x128xi32, #tpu.memory_space<vmem>> -> memref<1x128xi32, #tpu.memory_space<vmem>>
        %dma_wait3A_116 = tpu.memref_squeeze %dma_wait3A_115 : memref<1x128xi32, #tpu.memory_space<vmem>> -> memref<128xi32, #tpu.memory_space<vmem>>
        %dma_wait3A_117 = arith.constant 0 : i32
        %dma_wait3A_118 = arith.constant 0 : i32
        %dma_wait3A_119 = tpu.memref_slice %arg13[%dma_wait3A_117, %dma_wait3A_118] : memref<10240x16xf32, #tpu.memory_space<vmem_shared>> -> memref<10240x16xf32, #tpu.memory_space<vmem_shared>>
        tpu.wait_indirect_dma semaphore(%run_scoped3A : memref<!tpu.dma_semaphore, #tpu.memory_space<semaphore_mem>>) src(%arg10 : memref<128x16xf32, #tpu.memory_space<vmem>>) dst(%dma_wait3A_119 : memref<10240x16xf32, #tpu.memory_space<vmem_shared>>)
        tpu.yield
      }) : () -> ()
      %add3A_86 = arith.constant 4 : i32
      %add3A_87 = arith.addi %add3A_79, %add3A_86 : i32
      %lt3A_88 = arith.constant 80 : i32
      %lt3A_89 = arith.cmpi slt, %add3A_87, %lt3A_88 : i32
      %convert_element_type3A_90 = arith.extui %lt3A_89 : i1 to i32
      %cond3A_91 = arith.constant 0 : i32
      %cond3A_92 = arith.cmpi ne, %convert_element_type3A_90, %cond3A_91 : i32
      scf.if %cond3A_92 {
        %dma_start3A_108 = arith.constant 0 : i32
        %dma_start3A_109 = tpu.memref_slice %arg6[%add3A_87, %dma_start3A_108] : memref<80x128xi32, #tpu.memory_space<vmem>> -> memref<1x128xi32, #tpu.memory_space<vmem>>
        %dma_start3A_110 = tpu.memref_squeeze %dma_start3A_109 : memref<1x128xi32, #tpu.memory_space<vmem>> -> memref<128xi32, #tpu.memory_space<vmem>>
        %dma_start3A_111 = arith.constant 0 : i32
        %dma_start3A_112 = arith.constant 0 : i32
        %dma_start3A_113 = tpu.memref_slice %arg2[%dma_start3A_111, %dma_start3A_112] : memref<10240x16xf32, #tpu.memory_space<hbm>> -> memref<10240x16xf32, #tpu.memory_space<hbm>>
        tpu.enqueue_indirect_dma source(%dma_start3A_113 : memref<10240x16xf32, #tpu.memory_space<hbm>>) target(%arg10 : memref<128x16xf32, #tpu.memory_space<vmem>>) offsets(%dma_start3A_110 : memref<128xi32, #tpu.memory_space<vmem>>) semaphore(%arg16 : memref<!tpu.dma_semaphore, #tpu.memory_space<semaphore_mem>>)
      } else {
      }
      %add3A_93 = arith.constant 3 : i32
      %add3A_94 = arith.addi %mul3A_51, %add3A_93 : i32
      %dma_wait3A_95 = arith.constant 0 : i32
      %dma_wait3A_96 = tpu.memref_slice %arg6[%add3A_94, %dma_wait3A_95] : memref<80x128xi32, #tpu.memory_space<vmem>> -> memref<1x128xi32, #tpu.memory_space<vmem>>
      %dma_wait3A_97 = tpu.memref_squeeze %dma_wait3A_96 : memref<1x128xi32, #tpu.memory_space<vmem>> -> memref<128xi32, #tpu.memory_space<vmem>>
      %dma_wait3A_98 = arith.constant 0 : i32
      %dma_wait3A_99 = arith.constant 0 : i32
      %dma_wait3A_100 = tpu.memref_slice %arg2[%dma_wait3A_98, %dma_wait3A_99] : memref<10240x16xf32, #tpu.memory_space<hbm>> -> memref<10240x16xf32, #tpu.memory_space<hbm>>
      tpu.wait_indirect_dma semaphore(%arg17 : memref<!tpu.dma_semaphore, #tpu.memory_space<semaphore_mem>>) src(%dma_wait3A_100 : memref<10240x16xf32, #tpu.memory_space<hbm>>) dst(%arg11 : memref<128x16xf32, #tpu.memory_space<vmem>>)
      "tpu.region"() ({
        %run_scoped3A = tpu.sem_alloc : memref<!tpu.dma_semaphore, #tpu.memory_space<semaphore_mem>>
        %dma_start3A_108 = arith.constant 0 : i32
        %dma_start3A_109 = tpu.memref_slice %arg7[%add3A_94, %dma_start3A_108] : memref<80x128xi32, #tpu.memory_space<vmem>> -> memref<1x128xi32, #tpu.memory_space<vmem>>
        %dma_start3A_110 = tpu.memref_squeeze %dma_start3A_109 : memref<1x128xi32, #tpu.memory_space<vmem>> -> memref<128xi32, #tpu.memory_space<vmem>>
        %dma_start3A_111 = arith.constant 0 : i32
        %dma_start3A_112 = arith.constant 0 : i32
        %dma_start3A_113 = tpu.memref_slice %arg13[%dma_start3A_111, %dma_start3A_112] : memref<10240x16xf32, #tpu.memory_space<vmem_shared>> -> memref<10240x16xf32, #tpu.memory_space<vmem_shared>>
        tpu.enqueue_indirect_dma source(%arg11 : memref<128x16xf32, #tpu.memory_space<vmem>>) target(%dma_start3A_113 : memref<10240x16xf32, #tpu.memory_space<vmem_shared>>) offsets(%dma_start3A_110 : memref<128xi32, #tpu.memory_space<vmem>>) semaphore(%run_scoped3A : memref<!tpu.dma_semaphore, #tpu.memory_space<semaphore_mem>>) {add = true}
        %dma_wait3A_114 = arith.constant 0 : i32
        %dma_wait3A_115 = tpu.memref_slice %arg7[%add3A_94, %dma_wait3A_114] : memref<80x128xi32, #tpu.memory_space<vmem>> -> memref<1x128xi32, #tpu.memory_space<vmem>>
        %dma_wait3A_116 = tpu.memref_squeeze %dma_wait3A_115 : memref<1x128xi32, #tpu.memory_space<vmem>> -> memref<128xi32, #tpu.memory_space<vmem>>
        %dma_wait3A_117 = arith.constant 0 : i32
        %dma_wait3A_118 = arith.constant 0 : i32
        %dma_wait3A_119 = tpu.memref_slice %arg13[%dma_wait3A_117, %dma_wait3A_118] : memref<10240x16xf32, #tpu.memory_space<vmem_shared>> -> memref<10240x16xf32, #tpu.memory_space<vmem_shared>>
        tpu.wait_indirect_dma semaphore(%run_scoped3A : memref<!tpu.dma_semaphore, #tpu.memory_space<semaphore_mem>>) src(%arg11 : memref<128x16xf32, #tpu.memory_space<vmem>>) dst(%dma_wait3A_119 : memref<10240x16xf32, #tpu.memory_space<vmem_shared>>)
        tpu.yield
      }) : () -> ()
      %add3A_101 = arith.constant 4 : i32
      %add3A_102 = arith.addi %add3A_94, %add3A_101 : i32
      %lt3A_103 = arith.constant 80 : i32
      %lt3A_104 = arith.cmpi slt, %add3A_102, %lt3A_103 : i32
      %convert_element_type3A_105 = arith.extui %lt3A_104 : i1 to i32
      %cond3A_106 = arith.constant 0 : i32
      %cond3A_107 = arith.cmpi ne, %convert_element_type3A_105, %cond3A_106 : i32
      scf.if %cond3A_107 {
        %dma_start3A_108 = arith.constant 0 : i32
        %dma_start3A_109 = tpu.memref_slice %arg6[%add3A_102, %dma_start3A_108] : memref<80x128xi32, #tpu.memory_space<vmem>> -> memref<1x128xi32, #tpu.memory_space<vmem>>
        %dma_start3A_110 = tpu.memref_squeeze %dma_start3A_109 : memref<1x128xi32, #tpu.memory_space<vmem>> -> memref<128xi32, #tpu.memory_space<vmem>>
        %dma_start3A_111 = arith.constant 0 : i32
        %dma_start3A_112 = arith.constant 0 : i32
        %dma_start3A_113 = tpu.memref_slice %arg2[%dma_start3A_111, %dma_start3A_112] : memref<10240x16xf32, #tpu.memory_space<hbm>> -> memref<10240x16xf32, #tpu.memory_space<hbm>>
        tpu.enqueue_indirect_dma source(%dma_start3A_113 : memref<10240x16xf32, #tpu.memory_space<hbm>>) target(%arg11 : memref<128x16xf32, #tpu.memory_space<vmem>>) offsets(%dma_start3A_110 : memref<128xi32, #tpu.memory_space<vmem>>) semaphore(%arg17 : memref<!tpu.dma_semaphore, #tpu.memory_space<semaphore_mem>>)
      } else {
      }
    }
    %scan3A_47 = arith.constant 20 : i32
    %barrier3A_48 = arith.constant 0 : index
    tpu.barrier barrier_id(%barrier3A_48)
    "tpu.region"() ({
      %run_scoped3A = tpu.sem_alloc : memref<!tpu.dma_semaphore, #tpu.memory_space<semaphore_mem>>
      %dma_start3A_49 = arith.constant 0 : i32
      %dma_start3A_50 = tpu.memref_slice %arg5[%arg0, %mul3A_8, %dma_start3A_49] : memref<2x10240x16xf32, #tpu.memory_space<hbm>> -> memref<1x640x16xf32, #tpu.memory_space<hbm>>
      %dma_start3A_51 = tpu.memref_squeeze %dma_start3A_50 : memref<1x640x16xf32, #tpu.memory_space<hbm>> -> memref<640x16xf32, #tpu.memory_space<hbm>>
      %dma_start3A_52 = arith.constant 0 : i32
      %dma_start3A_53 = tpu.memref_slice %arg13[%mul3A_8, %dma_start3A_52] : memref<10240x16xf32, #tpu.memory_space<vmem_shared>> -> memref<640x16xf32, #tpu.memory_space<vmem_shared>>
      tpu.enqueue_dma source(%dma_start3A_53 : memref<640x16xf32, #tpu.memory_space<vmem_shared>>) target(%dma_start3A_51 : memref<640x16xf32, #tpu.memory_space<hbm>>) target_semaphore(%run_scoped3A : memref<!tpu.dma_semaphore, #tpu.memory_space<semaphore_mem>>)
      %dma_wait3A = arith.constant 0 : i32
      %dma_wait3A_54 = tpu.memref_slice %arg5[%arg0, %mul3A_8, %dma_wait3A] : memref<2x10240x16xf32, #tpu.memory_space<hbm>> -> memref<1x640x16xf32, #tpu.memory_space<hbm>>
      %dma_wait3A_55 = tpu.memref_squeeze %dma_wait3A_54 : memref<1x640x16xf32, #tpu.memory_space<hbm>> -> memref<640x16xf32, #tpu.memory_space<hbm>>
      %dma_wait3A_56 = arith.constant 0 : i32
      %dma_wait3A_57 = tpu.memref_slice %arg13[%mul3A_8, %dma_wait3A_56] : memref<10240x16xf32, #tpu.memory_space<vmem_shared>> -> memref<640x16xf32, #tpu.memory_space<vmem_shared>>
      tpu.wait_dma2 semaphore(%run_scoped3A : memref<!tpu.dma_semaphore, #tpu.memory_space<semaphore_mem>>) src(%dma_wait3A_57 : memref<640x16xf32, #tpu.memory_space<vmem_shared>>) dst(%dma_wait3A_55 : memref<640x16xf32, #tpu.memory_space<hbm>>)
      tpu.yield
    }) : () -> ()
    return
  }
}

#map = affine_map<(d0, d1) -> (0, 0, 0)>
module attributes {stable_mosaic.version = 14 : i64} {
  func.func @_degrees(%arg0: i32, %arg1: i32, %arg2: memref<32x80x128xi32, #tpu.memory_space<hbm>>, %arg3: memref<32x80x128xi32, #tpu.memory_space<hbm>>, %arg4: memref<2x10240x16xf32, #tpu.memory_space<hbm>>, %arg5: memref<2x10240x16xf32, #tpu.memory_space<hbm>>, %arg6: memref<80x128xi32, #tpu.memory_space<vmem>>, %arg7: memref<128x16xf32, #tpu.memory_space<vmem>>, %arg8: memref<128x16xf32, #tpu.memory_space<vmem>>, %arg9: memref<10240x16xf32, #tpu.memory_space<vmem_shared>>, %arg10: memref<10240x16xf32, #tpu.memory_space<vmem_shared>>) attributes {dimension_semantics = [#tpu.dimension_semantics<core_parallel>, #tpu.dimension_semantics<subcore_parallel>], iteration_bounds = array<i64: 2, 16>, scalar_prefetch = 0 : i64, scratch_operands = 5 : i64, tpu.core_type = #tpu.core_type<sc_vector_subcore>, window_params = [{transform_indices = #map}, {transform_indices = #map}, {transform_indices = #map}, {transform_indices = #map}]} {
    %mul3A = arith.constant 16 : i32
    %mul3A_0 = arith.muli %arg0, %mul3A : i32
    %add3A = arith.addi %mul3A_0, %arg1 : i32
    %broadcast_in_dim3A = arith.constant 1.000000e+00 : f32
    %broadcast_in_dim3A_1 = vector.broadcast %broadcast_in_dim3A : f32 to vector<16xf32>
    %scan3A = arith.constant 0 : i32
    %scan3A_2 = arith.constant 0 : i32
    %scan3A_3 = arith.constant 128 : i32
    %scan3A_4 = arith.addi %scan3A_2, %scan3A_3 : i32
    %scan3A_5 = arith.constant 1 : i32
    scf.for %scan3A_36 = %scan3A_2 to %scan3A_4 step %scan3A_5  : i32 {
      %scan3A_37 = arith.constant 0 : i32
      %mul3A_38 = arith.constant 16 : i32
      %mul3A_39 = arith.muli %scan3A_37, %mul3A_38 : i32
      %swap3A = arith.index_cast %scan3A_36 : i32 to index
      %swap3A_40 = arith.index_cast %mul3A_39 : i32 to index
      %swap3A_41 = tpu.vector_load %arg7[%swap3A, %swap3A_40] {strides = array<i32>} : memref<128x16xf32, #tpu.memory_space<vmem>>, vector<1x16xf32>,
      %swap3A_42 = vector.shape_cast %swap3A_41 : vector<1x16xf32> to vector<16xf32>
      %swap3A_43 = vector.shape_cast %broadcast_in_dim3A_1 : vector<16xf32> to vector<1x16xf32>
      tpu.vector_store %arg7[%swap3A, %swap3A_40], %swap3A_43 {strides = array<i32>} : memref<128x16xf32, #tpu.memory_space<vmem>>, vector<1x16xf32>,
      %scan3A_44 = arith.constant 1 : i32
    }
    %scan3A_6 = arith.constant 128 : i32
    %broadcast_in_dim3A_7 = arith.constant 0.000000e+00 : f32
    %broadcast_in_dim3A_8 = vector.broadcast %broadcast_in_dim3A_7 : f32 to vector<16xf32>
    %scan3A_9 = arith.constant 0 : i32
    %scan3A_10 = arith.constant 0 : i32
    %scan3A_11 = arith.constant 128 : i32
    %scan3A_12 = arith.addi %scan3A_10, %scan3A_11 : i32
    %scan3A_13 = arith.constant 1 : i32
    scf.for %scan3A_36 = %scan3A_10 to %scan3A_12 step %scan3A_13  : i32 {
      %scan3A_37 = arith.constant 0 : i32
      %mul3A_38 = arith.constant 16 : i32
      %mul3A_39 = arith.muli %scan3A_37, %mul3A_38 : i32
      %swap3A = arith.index_cast %scan3A_36 : i32 to index
      %swap3A_40 = arith.index_cast %mul3A_39 : i32 to index
      %swap3A_41 = tpu.vector_load %arg8[%swap3A, %swap3A_40] {strides = array<i32>} : memref<128x16xf32, #tpu.memory_space<vmem>>, vector<1x16xf32>,
      %swap3A_42 = vector.shape_cast %swap3A_41 : vector<1x16xf32> to vector<16xf32>
      %swap3A_43 = vector.shape_cast %broadcast_in_dim3A_8 : vector<16xf32> to vector<1x16xf32>
      tpu.vector_store %arg8[%swap3A, %swap3A_40], %swap3A_43 {strides = array<i32>} : memref<128x16xf32, #tpu.memory_space<vmem>>, vector<1x16xf32>,
      %scan3A_44 = arith.constant 1 : i32
    }
    %scan3A_14 = arith.constant 128 : i32
    %mul3A_15 = arith.constant 640 : i32
    %mul3A_16 = arith.muli %arg1, %mul3A_15 : i32
    %scan3A_17 = arith.constant 0 : i32
    %scan3A_18 = arith.constant 0 : i32
    %scan3A_19 = arith.constant 5 : i32
    %scan3A_20 = arith.addi %scan3A_18, %scan3A_19 : i32
    %scan3A_21 = arith.constant 1 : i32
    scf.for %scan3A_36 = %scan3A_18 to %scan3A_20 step %scan3A_21  : i32 {
      %mul3A_37 = arith.constant 128 : i32
      %mul3A_38 = arith.muli %scan3A_36, %mul3A_37 : i32
      %add3A_39 = arith.addi %mul3A_16, %mul3A_38 : i32
      "tpu.region"() ({
        %run_scoped3A = tpu.sem_alloc : memref<!tpu.dma_semaphore, #tpu.memory_space<semaphore_mem>>
        %dma_start3A = arith.constant 0 : i32
        %dma_start3A_43 = tpu.memref_slice %arg9[%add3A_39, %dma_start3A] : memref<10240x16xf32, #tpu.memory_space<vmem_shared>> -> memref<128x16xf32, #tpu.memory_space<vmem_shared>>
        %dma_start3A_44 = arith.constant 0 : i32
        %dma_start3A_45 = tpu.memref_slice %arg9[%add3A_39, %dma_start3A_44] : memref<10240x16xf32, #tpu.memory_space<vmem_shared>> -> memref<128x16xf32, #tpu.memory_space<vmem_shared>>
        tpu.enqueue_dma source(%arg8 : memref<128x16xf32, #tpu.memory_space<vmem>>) target(%dma_start3A_45 : memref<128x16xf32, #tpu.memory_space<vmem_shared>>) target_semaphore(%run_scoped3A : memref<!tpu.dma_semaphore, #tpu.memory_space<semaphore_mem>>)
        %dma_wait3A = arith.constant 0 : i32
        %dma_wait3A_46 = tpu.memref_slice %arg9[%add3A_39, %dma_wait3A] : memref<10240x16xf32, #tpu.memory_space<vmem_shared>> -> memref<128x16xf32, #tpu.memory_space<vmem_shared>>
        %dma_wait3A_47 = arith.constant 0 : i32
        %dma_wait3A_48 = tpu.memref_slice %arg9[%add3A_39, %dma_wait3A_47] : memref<10240x16xf32, #tpu.memory_space<vmem_shared>> -> memref<128x16xf32, #tpu.memory_space<vmem_shared>>
        tpu.wait_dma2 semaphore(%run_scoped3A : memref<!tpu.dma_semaphore, #tpu.memory_space<semaphore_mem>>) src(%arg8 : memref<128x16xf32, #tpu.memory_space<vmem>>) dst(%dma_wait3A_48 : memref<128x16xf32, #tpu.memory_space<vmem_shared>>)
        tpu.yield
      }) : () -> ()
      %mul3A_40 = arith.constant 128 : i32
      %mul3A_41 = arith.muli %scan3A_36, %mul3A_40 : i32
      %add3A_42 = arith.addi %mul3A_16, %mul3A_41 : i32
      "tpu.region"() ({
        %run_scoped3A = tpu.sem_alloc : memref<!tpu.dma_semaphore, #tpu.memory_space<semaphore_mem>>
        %dma_start3A = arith.constant 0 : i32
        %dma_start3A_43 = tpu.memref_slice %arg10[%add3A_42, %dma_start3A] : memref<10240x16xf32, #tpu.memory_space<vmem_shared>> -> memref<128x16xf32, #tpu.memory_space<vmem_shared>>
        %dma_start3A_44 = arith.constant 0 : i32
        %dma_start3A_45 = tpu.memref_slice %arg10[%add3A_42, %dma_start3A_44] : memref<10240x16xf32, #tpu.memory_space<vmem_shared>> -> memref<128x16xf32, #tpu.memory_space<vmem_shared>>
        tpu.enqueue_dma source(%arg8 : memref<128x16xf32, #tpu.memory_space<vmem>>) target(%dma_start3A_45 : memref<128x16xf32, #tpu.memory_space<vmem_shared>>) target_semaphore(%run_scoped3A : memref<!tpu.dma_semaphore, #tpu.memory_space<semaphore_mem>>)
        %dma_wait3A = arith.constant 0 : i32
        %dma_wait3A_46 = tpu.memref_slice %arg10[%add3A_42, %dma_wait3A] : memref<10240x16xf32, #tpu.memory_space<vmem_shared>> -> memref<128x16xf32, #tpu.memory_space<vmem_shared>>
        %dma_wait3A_47 = arith.constant 0 : i32
        %dma_wait3A_48 = tpu.memref_slice %arg10[%add3A_42, %dma_wait3A_47] : memref<10240x16xf32, #tpu.memory_space<vmem_shared>> -> memref<128x16xf32, #tpu.memory_space<vmem_shared>>
        tpu.wait_dma2 semaphore(%run_scoped3A : memref<!tpu.dma_semaphore, #tpu.memory_space<semaphore_mem>>) src(%arg8 : memref<128x16xf32, #tpu.memory_space<vmem>>) dst(%dma_wait3A_48 : memref<128x16xf32, #tpu.memory_space<vmem_shared>>)
        tpu.yield
      }) : () -> ()
    }
    %scan3A_22 = arith.constant 5 : i32
    %barrier3A = arith.constant 0 : index
    tpu.barrier barrier_id(%barrier3A)
    "tpu.region"() ({
      %run_scoped3A = tpu.sem_alloc : memref<!tpu.dma_semaphore, #tpu.memory_space<semaphore_mem>>
      %dma_start3A = arith.constant 0 : i32
      %dma_start3A_36 = arith.constant 0 : i32
      %dma_start3A_37 = tpu.memref_slice %arg2[%add3A, %dma_start3A, %dma_start3A_36] : memref<32x80x128xi32, #tpu.memory_space<hbm>> -> memref<1x80x128xi32, #tpu.memory_space<hbm>>
      %dma_start3A_38 = tpu.memref_squeeze %dma_start3A_37 : memref<1x80x128xi32, #tpu.memory_space<hbm>> -> memref<80x128xi32, #tpu.memory_space<hbm>>
      %dma_start3A_39 = arith.constant 0 : i32
      %dma_start3A_40 = arith.constant 0 : i32
      %dma_start3A_41 = tpu.memref_slice %arg2[%add3A, %dma_start3A_39, %dma_start3A_40] : memref<32x80x128xi32, #tpu.memory_space<hbm>> -> memref<1x80x128xi32, #tpu.memory_space<hbm>>
      %dma_start3A_42 = tpu.memref_squeeze %dma_start3A_41 : memref<1x80x128xi32, #tpu.memory_space<hbm>> -> memref<80x128xi32, #tpu.memory_space<hbm>>
      tpu.enqueue_dma source(%dma_start3A_42 : memref<80x128xi32, #tpu.memory_space<hbm>>) target(%arg6 : memref<80x128xi32, #tpu.memory_space<vmem>>) target_semaphore(%run_scoped3A : memref<!tpu.dma_semaphore, #tpu.memory_space<semaphore_mem>>)
      %dma_wait3A = arith.constant 0 : i32
      %dma_wait3A_43 = arith.constant 0 : i32
      %dma_wait3A_44 = tpu.memref_slice %arg2[%add3A, %dma_wait3A, %dma_wait3A_43] : memref<32x80x128xi32, #tpu.memory_space<hbm>> -> memref<1x80x128xi32, #tpu.memory_space<hbm>>
      %dma_wait3A_45 = tpu.memref_squeeze %dma_wait3A_44 : memref<1x80x128xi32, #tpu.memory_space<hbm>> -> memref<80x128xi32, #tpu.memory_space<hbm>>
      %dma_wait3A_46 = arith.constant 0 : i32
      %dma_wait3A_47 = arith.constant 0 : i32
      %dma_wait3A_48 = tpu.memref_slice %arg2[%add3A, %dma_wait3A_46, %dma_wait3A_47] : memref<32x80x128xi32, #tpu.memory_space<hbm>> -> memref<1x80x128xi32, #tpu.memory_space<hbm>>
      %dma_wait3A_49 = tpu.memref_squeeze %dma_wait3A_48 : memref<1x80x128xi32, #tpu.memory_space<hbm>> -> memref<80x128xi32, #tpu.memory_space<hbm>>
      tpu.wait_dma2 semaphore(%run_scoped3A : memref<!tpu.dma_semaphore, #tpu.memory_space<semaphore_mem>>) src(%dma_wait3A_49 : memref<80x128xi32, #tpu.memory_space<hbm>>) dst(%arg6 : memref<80x128xi32, #tpu.memory_space<vmem>>)
      tpu.yield
    }) : () -> ()
    %scan3A_23 = arith.constant 0 : i32
    %scan3A_24 = arith.constant 0 : i32
    %scan3A_25 = arith.constant 80 : i32
    %scan3A_26 = arith.addi %scan3A_24, %scan3A_25 : i32
    %scan3A_27 = arith.constant 1 : i32
    scf.for %scan3A_36 = %scan3A_24 to %scan3A_26 step %scan3A_27  : i32 {
      "tpu.region"() ({
        %run_scoped3A = tpu.sem_alloc : memref<!tpu.dma_semaphore, #tpu.memory_space<semaphore_mem>>
        %dma_start3A = arith.constant 0 : i32
        %dma_start3A_37 = tpu.memref_slice %arg6[%scan3A_36, %dma_start3A] : memref<80x128xi32, #tpu.memory_space<vmem>> -> memref<1x128xi32, #tpu.memory_space<vmem>>
        %dma_start3A_38 = tpu.memref_squeeze %dma_start3A_37 : memref<1x128xi32, #tpu.memory_space<vmem>> -> memref<128xi32, #tpu.memory_space<vmem>>
        %dma_start3A_39 = arith.constant 0 : i32
        %dma_start3A_40 = arith.constant 0 : i32
        %dma_start3A_41 = tpu.memref_slice %arg9[%dma_start3A_39, %dma_start3A_40] : memref<10240x16xf32, #tpu.memory_space<vmem_shared>> -> memref<10240x16xf32, #tpu.memory_space<vmem_shared>>
        tpu.enqueue_indirect_dma source(%arg7 : memref<128x16xf32, #tpu.memory_space<vmem>>) target(%dma_start3A_41 : memref<10240x16xf32, #tpu.memory_space<vmem_shared>>) offsets(%dma_start3A_38 : memref<128xi32, #tpu.memory_space<vmem>>) semaphore(%run_scoped3A : memref<!tpu.dma_semaphore, #tpu.memory_space<semaphore_mem>>) {add = true}
        %dma_wait3A = arith.constant 0 : i32
        %dma_wait3A_42 = tpu.memref_slice %arg6[%scan3A_36, %dma_wait3A] : memref<80x128xi32, #tpu.memory_space<vmem>> -> memref<1x128xi32, #tpu.memory_space<vmem>>
        %dma_wait3A_43 = tpu.memref_squeeze %dma_wait3A_42 : memref<1x128xi32, #tpu.memory_space<vmem>> -> memref<128xi32, #tpu.memory_space<vmem>>
        %dma_wait3A_44 = arith.constant 0 : i32
        %dma_wait3A_45 = arith.constant 0 : i32
        %dma_wait3A_46 = tpu.memref_slice %arg9[%dma_wait3A_44, %dma_wait3A_45] : memref<10240x16xf32, #tpu.memory_space<vmem_shared>> -> memref<10240x16xf32, #tpu.memory_space<vmem_shared>>
        tpu.wait_indirect_dma semaphore(%run_scoped3A : memref<!tpu.dma_semaphore, #tpu.memory_space<semaphore_mem>>) src(%arg7 : memref<128x16xf32, #tpu.memory_space<vmem>>) dst(%dma_wait3A_46 : memref<10240x16xf32, #tpu.memory_space<vmem_shared>>)
        tpu.yield
      }) : () -> ()
    }
    %scan3A_28 = arith.constant 80 : i32
    "tpu.region"() ({
      %run_scoped3A = tpu.sem_alloc : memref<!tpu.dma_semaphore, #tpu.memory_space<semaphore_mem>>
      %dma_start3A = arith.constant 0 : i32
      %dma_start3A_36 = arith.constant 0 : i32
      %dma_start3A_37 = tpu.memref_slice %arg3[%add3A, %dma_start3A, %dma_start3A_36] : memref<32x80x128xi32, #tpu.memory_space<hbm>> -> memref<1x80x128xi32, #tpu.memory_space<hbm>>
      %dma_start3A_38 = tpu.memref_squeeze %dma_start3A_37 : memref<1x80x128xi32, #tpu.memory_space<hbm>> -> memref<80x128xi32, #tpu.memory_space<hbm>>
      %dma_start3A_39 = arith.constant 0 : i32
      %dma_start3A_40 = arith.constant 0 : i32
      %dma_start3A_41 = tpu.memref_slice %arg3[%add3A, %dma_start3A_39, %dma_start3A_40] : memref<32x80x128xi32, #tpu.memory_space<hbm>> -> memref<1x80x128xi32, #tpu.memory_space<hbm>>
      %dma_start3A_42 = tpu.memref_squeeze %dma_start3A_41 : memref<1x80x128xi32, #tpu.memory_space<hbm>> -> memref<80x128xi32, #tpu.memory_space<hbm>>
      tpu.enqueue_dma source(%dma_start3A_42 : memref<80x128xi32, #tpu.memory_space<hbm>>) target(%arg6 : memref<80x128xi32, #tpu.memory_space<vmem>>) target_semaphore(%run_scoped3A : memref<!tpu.dma_semaphore, #tpu.memory_space<semaphore_mem>>)
      %dma_wait3A = arith.constant 0 : i32
      %dma_wait3A_43 = arith.constant 0 : i32
      %dma_wait3A_44 = tpu.memref_slice %arg3[%add3A, %dma_wait3A, %dma_wait3A_43] : memref<32x80x128xi32, #tpu.memory_space<hbm>> -> memref<1x80x128xi32, #tpu.memory_space<hbm>>
      %dma_wait3A_45 = tpu.memref_squeeze %dma_wait3A_44 : memref<1x80x128xi32, #tpu.memory_space<hbm>> -> memref<80x128xi32, #tpu.memory_space<hbm>>
      %dma_wait3A_46 = arith.constant 0 : i32
      %dma_wait3A_47 = arith.constant 0 : i32
      %dma_wait3A_48 = tpu.memref_slice %arg3[%add3A, %dma_wait3A_46, %dma_wait3A_47] : memref<32x80x128xi32, #tpu.memory_space<hbm>> -> memref<1x80x128xi32, #tpu.memory_space<hbm>>
      %dma_wait3A_49 = tpu.memref_squeeze %dma_wait3A_48 : memref<1x80x128xi32, #tpu.memory_space<hbm>> -> memref<80x128xi32, #tpu.memory_space<hbm>>
      tpu.wait_dma2 semaphore(%run_scoped3A : memref<!tpu.dma_semaphore, #tpu.memory_space<semaphore_mem>>) src(%dma_wait3A_49 : memref<80x128xi32, #tpu.memory_space<hbm>>) dst(%arg6 : memref<80x128xi32, #tpu.memory_space<vmem>>)
      tpu.yield
    }) : () -> ()
    %scan3A_29 = arith.constant 0 : i32
    %scan3A_30 = arith.constant 0 : i32
    %scan3A_31 = arith.constant 80 : i32
    %scan3A_32 = arith.addi %scan3A_30, %scan3A_31 : i32
    %scan3A_33 = arith.constant 1 : i32
    scf.for %scan3A_36 = %scan3A_30 to %scan3A_32 step %scan3A_33  : i32 {
      "tpu.region"() ({
        %run_scoped3A = tpu.sem_alloc : memref<!tpu.dma_semaphore, #tpu.memory_space<semaphore_mem>>
        %dma_start3A = arith.constant 0 : i32
        %dma_start3A_37 = tpu.memref_slice %arg6[%scan3A_36, %dma_start3A] : memref<80x128xi32, #tpu.memory_space<vmem>> -> memref<1x128xi32, #tpu.memory_space<vmem>>
        %dma_start3A_38 = tpu.memref_squeeze %dma_start3A_37 : memref<1x128xi32, #tpu.memory_space<vmem>> -> memref<128xi32, #tpu.memory_space<vmem>>
        %dma_start3A_39 = arith.constant 0 : i32
        %dma_start3A_40 = arith.constant 0 : i32
        %dma_start3A_41 = tpu.memref_slice %arg10[%dma_start3A_39, %dma_start3A_40] : memref<10240x16xf32, #tpu.memory_space<vmem_shared>> -> memref<10240x16xf32, #tpu.memory_space<vmem_shared>>
        tpu.enqueue_indirect_dma source(%arg7 : memref<128x16xf32, #tpu.memory_space<vmem>>) target(%dma_start3A_41 : memref<10240x16xf32, #tpu.memory_space<vmem_shared>>) offsets(%dma_start3A_38 : memref<128xi32, #tpu.memory_space<vmem>>) semaphore(%run_scoped3A : memref<!tpu.dma_semaphore, #tpu.memory_space<semaphore_mem>>) {add = true}
        %dma_wait3A = arith.constant 0 : i32
        %dma_wait3A_42 = tpu.memref_slice %arg6[%scan3A_36, %dma_wait3A] : memref<80x128xi32, #tpu.memory_space<vmem>> -> memref<1x128xi32, #tpu.memory_space<vmem>>
        %dma_wait3A_43 = tpu.memref_squeeze %dma_wait3A_42 : memref<1x128xi32, #tpu.memory_space<vmem>> -> memref<128xi32, #tpu.memory_space<vmem>>
        %dma_wait3A_44 = arith.constant 0 : i32
        %dma_wait3A_45 = arith.constant 0 : i32
        %dma_wait3A_46 = tpu.memref_slice %arg10[%dma_wait3A_44, %dma_wait3A_45] : memref<10240x16xf32, #tpu.memory_space<vmem_shared>> -> memref<10240x16xf32, #tpu.memory_space<vmem_shared>>
        tpu.wait_indirect_dma semaphore(%run_scoped3A : memref<!tpu.dma_semaphore, #tpu.memory_space<semaphore_mem>>) src(%arg7 : memref<128x16xf32, #tpu.memory_space<vmem>>) dst(%dma_wait3A_46 : memref<10240x16xf32, #tpu.memory_space<vmem_shared>>)
        tpu.yield
      }) : () -> ()
    }
    %scan3A_34 = arith.constant 80 : i32
    %barrier3A_35 = arith.constant 0 : index
    tpu.barrier barrier_id(%barrier3A_35)
    "tpu.region"() ({
      %run_scoped3A = tpu.sem_alloc : memref<!tpu.dma_semaphore, #tpu.memory_space<semaphore_mem>>
      %dma_start3A = arith.constant 0 : i32
      %dma_start3A_36 = tpu.memref_slice %arg4[%arg0, %mul3A_16, %dma_start3A] : memref<2x10240x16xf32, #tpu.memory_space<hbm>> -> memref<1x640x16xf32, #tpu.memory_space<hbm>>
      %dma_start3A_37 = tpu.memref_squeeze %dma_start3A_36 : memref<1x640x16xf32, #tpu.memory_space<hbm>> -> memref<640x16xf32, #tpu.memory_space<hbm>>
      %dma_start3A_38 = arith.constant 0 : i32
      %dma_start3A_39 = tpu.memref_slice %arg9[%mul3A_16, %dma_start3A_38] : memref<10240x16xf32, #tpu.memory_space<vmem_shared>> -> memref<640x16xf32, #tpu.memory_space<vmem_shared>>
      tpu.enqueue_dma source(%dma_start3A_39 : memref<640x16xf32, #tpu.memory_space<vmem_shared>>) target(%dma_start3A_37 : memref<640x16xf32, #tpu.memory_space<hbm>>) target_semaphore(%run_scoped3A : memref<!tpu.dma_semaphore, #tpu.memory_space<semaphore_mem>>)
      %dma_wait3A = arith.constant 0 : i32
      %dma_wait3A_40 = tpu.memref_slice %arg4[%arg0, %mul3A_16, %dma_wait3A] : memref<2x10240x16xf32, #tpu.memory_space<hbm>> -> memref<1x640x16xf32, #tpu.memory_space<hbm>>
      %dma_wait3A_41 = tpu.memref_squeeze %dma_wait3A_40 : memref<1x640x16xf32, #tpu.memory_space<hbm>> -> memref<640x16xf32, #tpu.memory_space<hbm>>
      %dma_wait3A_42 = arith.constant 0 : i32
      %dma_wait3A_43 = tpu.memref_slice %arg9[%mul3A_16, %dma_wait3A_42] : memref<10240x16xf32, #tpu.memory_space<vmem_shared>> -> memref<640x16xf32, #tpu.memory_space<vmem_shared>>
      tpu.wait_dma2 semaphore(%run_scoped3A : memref<!tpu.dma_semaphore, #tpu.memory_space<semaphore_mem>>) src(%dma_wait3A_43 : memref<640x16xf32, #tpu.memory_space<vmem_shared>>) dst(%dma_wait3A_41 : memref<640x16xf32, #tpu.memory_space<hbm>>)
      tpu.yield
    }) : () -> ()
    "tpu.region"() ({
      %run_scoped3A = tpu.sem_alloc : memref<!tpu.dma_semaphore, #tpu.memory_space<semaphore_mem>>
      %dma_start3A = arith.constant 0 : i32
      %dma_start3A_36 = tpu.memref_slice %arg5[%arg0, %mul3A_16, %dma_start3A] : memref<2x10240x16xf32, #tpu.memory_space<hbm>> -> memref<1x640x16xf32, #tpu.memory_space<hbm>>
      %dma_start3A_37 = tpu.memref_squeeze %dma_start3A_36 : memref<1x640x16xf32, #tpu.memory_space<hbm>> -> memref<640x16xf32, #tpu.memory_space<hbm>>
      %dma_start3A_38 = arith.constant 0 : i32
      %dma_start3A_39 = tpu.memref_slice %arg10[%mul3A_16, %dma_start3A_38] : memref<10240x16xf32, #tpu.memory_space<vmem_shared>> -> memref<640x16xf32, #tpu.memory_space<vmem_shared>>
      tpu.enqueue_dma source(%dma_start3A_39 : memref<640x16xf32, #tpu.memory_space<vmem_shared>>) target(%dma_start3A_37 : memref<640x16xf32, #tpu.memory_space<hbm>>) target_semaphore(%run_scoped3A : memref<!tpu.dma_semaphore, #tpu.memory_space<semaphore_mem>>)
      %dma_wait3A = arith.constant 0 : i32
      %dma_wait3A_40 = tpu.memref_slice %arg5[%arg0, %mul3A_16, %dma_wait3A] : memref<2x10240x16xf32, #tpu.memory_space<hbm>> -> memref<1x640x16xf32, #tpu.memory_space<hbm>>
      %dma_wait3A_41 = tpu.memref_squeeze %dma_wait3A_40 : memref<1x640x16xf32, #tpu.memory_space<hbm>> -> memref<640x16xf32, #tpu.memory_space<hbm>>
      %dma_wait3A_42 = arith.constant 0 : i32
      %dma_wait3A_43 = tpu.memref_slice %arg10[%mul3A_16, %dma_wait3A_42] : memref<10240x16xf32, #tpu.memory_space<vmem_shared>> -> memref<640x16xf32, #tpu.memory_space<vmem_shared>>
      tpu.wait_dma2 semaphore(%run_scoped3A : memref<!tpu.dma_semaphore, #tpu.memory_space<semaphore_mem>>) src(%dma_wait3A_43 : memref<640x16xf32, #tpu.memory_space<vmem_shared>>) dst(%dma_wait3A_41 : memref<640x16xf32, #tpu.memory_space<hbm>>)
      tpu.yield
    }) : () -> ()
    return
  }
}

#map = affine_map<(d0, d1) -> (0, 0)>
#map1 = affine_map<(d0, d1) -> (0, 0, 0)>
module attributes {stable_mosaic.version = 14 : i64} {
  func.func @prop(%arg0: i32, %arg1: i32, %arg2: memref<10240x64xf32, #tpu.memory_space<hbm>>, %arg3: memref<32x80x128xi32, #tpu.memory_space<hbm>>, %arg4: memref<32x80x128xi32, #tpu.memory_space<hbm>>, %arg5: memref<2x10240x64xf32, #tpu.memory_space<hbm>>, %arg6: memref<80x128xi32, #tpu.memory_space<vmem>>, %arg7: memref<80x128xi32, #tpu.memory_space<vmem>>, %arg8: memref<128x64xf32, #tpu.memory_space<vmem>>, %arg9: memref<128x64xf32, #tpu.memory_space<vmem>>, %arg10: memref<128x64xf32, #tpu.memory_space<vmem>>, %arg11: memref<128x64xf32, #tpu.memory_space<vmem>>, %arg12: memref<128x64xf32, #tpu.memory_space<vmem>>, %arg13: memref<10240x64xf32, #tpu.memory_space<vmem_shared>>, %arg14: memref<!tpu.dma_semaphore, #tpu.memory_space<semaphore_mem>>, %arg15: memref<!tpu.dma_semaphore, #tpu.memory_space<semaphore_mem>>, %arg16: memref<!tpu.dma_semaphore, #tpu.memory_space<semaphore_mem>>, %arg17: memref<!tpu.dma_semaphore, #tpu.memory_space<semaphore_mem>>) attributes {dimension_semantics = [#tpu.dimension_semantics<core_parallel>, #tpu.dimension_semantics<subcore_parallel>], iteration_bounds = array<i64: 2, 16>, scalar_prefetch = 0 : i64, scratch_operands = 12 : i64, tpu.core_type = #tpu.core_type<sc_vector_subcore>, window_params = [{transform_indices = #map}, {transform_indices = #map1}, {transform_indices = #map1}, {transform_indices = #map1}]} {
    %mul3A = arith.constant 16 : i32
    %mul3A_0 = arith.muli %arg0, %mul3A : i32
    %add3A = arith.addi %mul3A_0, %arg1 : i32
    %broadcast_in_dim3A = arith.constant 0.000000e+00 : f32
    %broadcast_in_dim3A_1 = vector.broadcast %broadcast_in_dim3A : f32 to vector<16xf32>
    %scan3A = arith.constant 0 : i32
    %scan3A_2 = arith.constant 0 : i32
    %scan3A_3 = arith.constant 128 : i32
    %scan3A_4 = arith.addi %scan3A_2, %scan3A_3 : i32
    %scan3A_5 = arith.constant 1 : i32
    scf.for %scan3A_49 = %scan3A_2 to %scan3A_4 step %scan3A_5  : i32 {
      %scan3A_50 = arith.constant 0 : i32
      %scan3A_51 = arith.constant 4 : i32
      %scan3A_52 = arith.addi %scan3A_50, %scan3A_51 : i32
      %scan3A_53 = arith.constant 1 : i32
      scf.for %scan3A_55 = %scan3A_50 to %scan3A_52 step %scan3A_53  : i32 {
        %mul3A_56 = arith.constant 16 : i32
        %mul3A_57 = arith.muli %scan3A_55, %mul3A_56 : i32
        %swap3A = arith.index_cast %scan3A_49 : i32 to index
        %swap3A_58 = arith.index_cast %mul3A_57 : i32 to index
        %swap3A_59 = tpu.vector_load %arg12[%swap3A, %swap3A_58] {strides = array<i32>} : memref<128x64xf32, #tpu.memory_space<vmem>>, vector<1x16xf32>,
        %swap3A_60 = vector.shape_cast %swap3A_59 : vector<1x16xf32> to vector<16xf32>
        %swap3A_61 = vector.shape_cast %broadcast_in_dim3A_1 : vector<16xf32> to vector<1x16xf32>
        tpu.vector_store %arg12[%swap3A, %swap3A_58], %swap3A_61 {strides = array<i32>} : memref<128x64xf32, #tpu.memory_space<vmem>>, vector<1x16xf32>,
      }
      %scan3A_54 = arith.constant 4 : i32
    }
    %scan3A_6 = arith.constant 128 : i32
    %mul3A_7 = arith.constant 640 : i32
    %mul3A_8 = arith.muli %arg1, %mul3A_7 : i32
    %scan3A_9 = arith.constant 0 : i32
    %scan3A_10 = arith.constant 0 : i32
    %scan3A_11 = arith.constant 5 : i32
    %scan3A_12 = arith.addi %scan3A_10, %scan3A_11 : i32
    %scan3A_13 = arith.constant 1 : i32
    scf.for %scan3A_49 = %scan3A_10 to %scan3A_12 step %scan3A_13  : i32 {
      %mul3A_50 = arith.constant 128 : i32
      %mul3A_51 = arith.muli %scan3A_49, %mul3A_50 : i32
      %add3A_52 = arith.addi %mul3A_8, %mul3A_51 : i32
      "tpu.region"() ({
        %run_scoped3A = tpu.sem_alloc : memref<!tpu.dma_semaphore, #tpu.memory_space<semaphore_mem>>
        %dma_start3A_53 = arith.constant 0 : i32
        %dma_start3A_54 = tpu.memref_slice %arg13[%add3A_52, %dma_start3A_53] : memref<10240x64xf32, #tpu.memory_space<vmem_shared>> -> memref<128x64xf32, #tpu.memory_space<vmem_shared>>
        %dma_start3A_55 = arith.constant 0 : i32
        %dma_start3A_56 = tpu.memref_slice %arg13[%add3A_52, %dma_start3A_55] : memref<10240x64xf32, #tpu.memory_space<vmem_shared>> -> memref<128x64xf32, #tpu.memory_space<vmem_shared>>
        tpu.enqueue_dma source(%arg12 : memref<128x64xf32, #tpu.memory_space<vmem>>) target(%dma_start3A_56 : memref<128x64xf32, #tpu.memory_space<vmem_shared>>) target_semaphore(%run_scoped3A : memref<!tpu.dma_semaphore, #tpu.memory_space<semaphore_mem>>)
        %dma_wait3A = arith.constant 0 : i32
        %dma_wait3A_57 = tpu.memref_slice %arg13[%add3A_52, %dma_wait3A] : memref<10240x64xf32, #tpu.memory_space<vmem_shared>> -> memref<128x64xf32, #tpu.memory_space<vmem_shared>>
        %dma_wait3A_58 = arith.constant 0 : i32
        %dma_wait3A_59 = tpu.memref_slice %arg13[%add3A_52, %dma_wait3A_58] : memref<10240x64xf32, #tpu.memory_space<vmem_shared>> -> memref<128x64xf32, #tpu.memory_space<vmem_shared>>
        tpu.wait_dma2 semaphore(%run_scoped3A : memref<!tpu.dma_semaphore, #tpu.memory_space<semaphore_mem>>) src(%arg12 : memref<128x64xf32, #tpu.memory_space<vmem>>) dst(%dma_wait3A_59 : memref<128x64xf32, #tpu.memory_space<vmem_shared>>)
        tpu.yield
      }) : () -> ()
    }
    %scan3A_14 = arith.constant 5 : i32
    %barrier3A = arith.constant 0 : index
    tpu.barrier barrier_id(%barrier3A)
    "tpu.region"() ({
      %run_scoped3A = tpu.sem_alloc : memref<!tpu.dma_semaphore, #tpu.memory_space<semaphore_mem>>
      %dma_start3A_49 = arith.constant 0 : i32
      %dma_start3A_50 = arith.constant 0 : i32
      %dma_start3A_51 = tpu.memref_slice %arg3[%add3A, %dma_start3A_49, %dma_start3A_50] : memref<32x80x128xi32, #tpu.memory_space<hbm>> -> memref<1x80x128xi32, #tpu.memory_space<hbm>>
      %dma_start3A_52 = tpu.memref_squeeze %dma_start3A_51 : memref<1x80x128xi32, #tpu.memory_space<hbm>> -> memref<80x128xi32, #tpu.memory_space<hbm>>
      %dma_start3A_53 = arith.constant 0 : i32
      %dma_start3A_54 = arith.constant 0 : i32
      %dma_start3A_55 = tpu.memref_slice %arg3[%add3A, %dma_start3A_53, %dma_start3A_54] : memref<32x80x128xi32, #tpu.memory_space<hbm>> -> memref<1x80x128xi32, #tpu.memory_space<hbm>>
      %dma_start3A_56 = tpu.memref_squeeze %dma_start3A_55 : memref<1x80x128xi32, #tpu.memory_space<hbm>> -> memref<80x128xi32, #tpu.memory_space<hbm>>
      tpu.enqueue_dma source(%dma_start3A_56 : memref<80x128xi32, #tpu.memory_space<hbm>>) target(%arg6 : memref<80x128xi32, #tpu.memory_space<vmem>>) target_semaphore(%run_scoped3A : memref<!tpu.dma_semaphore, #tpu.memory_space<semaphore_mem>>)
      %dma_wait3A = arith.constant 0 : i32
      %dma_wait3A_57 = arith.constant 0 : i32
      %dma_wait3A_58 = tpu.memref_slice %arg3[%add3A, %dma_wait3A, %dma_wait3A_57] : memref<32x80x128xi32, #tpu.memory_space<hbm>> -> memref<1x80x128xi32, #tpu.memory_space<hbm>>
      %dma_wait3A_59 = tpu.memref_squeeze %dma_wait3A_58 : memref<1x80x128xi32, #tpu.memory_space<hbm>> -> memref<80x128xi32, #tpu.memory_space<hbm>>
      %dma_wait3A_60 = arith.constant 0 : i32
      %dma_wait3A_61 = arith.constant 0 : i32
      %dma_wait3A_62 = tpu.memref_slice %arg3[%add3A, %dma_wait3A_60, %dma_wait3A_61] : memref<32x80x128xi32, #tpu.memory_space<hbm>> -> memref<1x80x128xi32, #tpu.memory_space<hbm>>
      %dma_wait3A_63 = tpu.memref_squeeze %dma_wait3A_62 : memref<1x80x128xi32, #tpu.memory_space<hbm>> -> memref<80x128xi32, #tpu.memory_space<hbm>>
      tpu.wait_dma2 semaphore(%run_scoped3A : memref<!tpu.dma_semaphore, #tpu.memory_space<semaphore_mem>>) src(%dma_wait3A_63 : memref<80x128xi32, #tpu.memory_space<hbm>>) dst(%arg6 : memref<80x128xi32, #tpu.memory_space<vmem>>)
      tpu.yield
    }) : () -> ()
    "tpu.region"() ({
      %run_scoped3A = tpu.sem_alloc : memref<!tpu.dma_semaphore, #tpu.memory_space<semaphore_mem>>
      %dma_start3A_49 = arith.constant 0 : i32
      %dma_start3A_50 = arith.constant 0 : i32
      %dma_start3A_51 = tpu.memref_slice %arg4[%add3A, %dma_start3A_49, %dma_start3A_50] : memref<32x80x128xi32, #tpu.memory_space<hbm>> -> memref<1x80x128xi32, #tpu.memory_space<hbm>>
      %dma_start3A_52 = tpu.memref_squeeze %dma_start3A_51 : memref<1x80x128xi32, #tpu.memory_space<hbm>> -> memref<80x128xi32, #tpu.memory_space<hbm>>
      %dma_start3A_53 = arith.constant 0 : i32
      %dma_start3A_54 = arith.constant 0 : i32
      %dma_start3A_55 = tpu.memref_slice %arg4[%add3A, %dma_start3A_53, %dma_start3A_54] : memref<32x80x128xi32, #tpu.memory_space<hbm>> -> memref<1x80x128xi32, #tpu.memory_space<hbm>>
      %dma_start3A_56 = tpu.memref_squeeze %dma_start3A_55 : memref<1x80x128xi32, #tpu.memory_space<hbm>> -> memref<80x128xi32, #tpu.memory_space<hbm>>
      tpu.enqueue_dma source(%dma_start3A_56 : memref<80x128xi32, #tpu.memory_space<hbm>>) target(%arg7 : memref<80x128xi32, #tpu.memory_space<vmem>>) target_semaphore(%run_scoped3A : memref<!tpu.dma_semaphore, #tpu.memory_space<semaphore_mem>>)
      %dma_wait3A = arith.constant 0 : i32
      %dma_wait3A_57 = arith.constant 0 : i32
      %dma_wait3A_58 = tpu.memref_slice %arg4[%add3A, %dma_wait3A, %dma_wait3A_57] : memref<32x80x128xi32, #tpu.memory_space<hbm>> -> memref<1x80x128xi32, #tpu.memory_space<hbm>>
      %dma_wait3A_59 = tpu.memref_squeeze %dma_wait3A_58 : memref<1x80x128xi32, #tpu.memory_space<hbm>> -> memref<80x128xi32, #tpu.memory_space<hbm>>
      %dma_wait3A_60 = arith.constant 0 : i32
      %dma_wait3A_61 = arith.constant 0 : i32
      %dma_wait3A_62 = tpu.memref_slice %arg4[%add3A, %dma_wait3A_60, %dma_wait3A_61] : memref<32x80x128xi32, #tpu.memory_space<hbm>> -> memref<1x80x128xi32, #tpu.memory_space<hbm>>
      %dma_wait3A_63 = tpu.memref_squeeze %dma_wait3A_62 : memref<1x80x128xi32, #tpu.memory_space<hbm>> -> memref<80x128xi32, #tpu.memory_space<hbm>>
      tpu.wait_dma2 semaphore(%run_scoped3A : memref<!tpu.dma_semaphore, #tpu.memory_space<semaphore_mem>>) src(%dma_wait3A_63 : memref<80x128xi32, #tpu.memory_space<hbm>>) dst(%arg7 : memref<80x128xi32, #tpu.memory_space<vmem>>)
      tpu.yield
    }) : () -> ()
    %dma_start3A = arith.constant 0 : i32
    %dma_start3A_15 = arith.constant 0 : i32
    %dma_start3A_16 = tpu.memref_slice %arg6[%dma_start3A, %dma_start3A_15] : memref<80x128xi32, #tpu.memory_space<vmem>> -> memref<1x128xi32, #tpu.memory_space<vmem>>
    %dma_start3A_17 = tpu.memref_squeeze %dma_start3A_16 : memref<1x128xi32, #tpu.memory_space<vmem>> -> memref<128xi32, #tpu.memory_space<vmem>>
    %dma_start3A_18 = arith.constant 0 : i32
    %dma_start3A_19 = arith.constant 0 : i32
    %dma_start3A_20 = tpu.memref_slice %arg2[%dma_start3A_18, %dma_start3A_19] : memref<10240x64xf32, #tpu.memory_space<hbm>> -> memref<10240x64xf32, #tpu.memory_space<hbm>>
    tpu.enqueue_indirect_dma source(%dma_start3A_20 : memref<10240x64xf32, #tpu.memory_space<hbm>>) target(%arg8 : memref<128x64xf32, #tpu.memory_space<vmem>>) offsets(%dma_start3A_17 : memref<128xi32, #tpu.memory_space<vmem>>) semaphore(%arg14 : memref<!tpu.dma_semaphore, #tpu.memory_space<semaphore_mem>>)
    %dma_start3A_21 = arith.constant 1 : i32
    %dma_start3A_22 = arith.constant 0 : i32
    %dma_start3A_23 = tpu.memref_slice %arg6[%dma_start3A_21, %dma_start3A_22] : memref<80x128xi32, #tpu.memory_space<vmem>> -> memref<1x128xi32, #tpu.memory_space<vmem>>
    %dma_start3A_24 = tpu.memref_squeeze %dma_start3A_23 : memref<1x128xi32, #tpu.memory_space<vmem>> -> memref<128xi32, #tpu.memory_space<vmem>>
    %dma_start3A_25 = arith.constant 0 : i32
    %dma_start3A_26 = arith.constant 0 : i32
    %dma_start3A_27 = tpu.memref_slice %arg2[%dma_start3A_25, %dma_start3A_26] : memref<10240x64xf32, #tpu.memory_space<hbm>> -> memref<10240x64xf32, #tpu.memory_space<hbm>>
    tpu.enqueue_indirect_dma source(%dma_start3A_27 : memref<10240x64xf32, #tpu.memory_space<hbm>>) target(%arg9 : memref<128x64xf32, #tpu.memory_space<vmem>>) offsets(%dma_start3A_24 : memref<128xi32, #tpu.memory_space<vmem>>) semaphore(%arg15 : memref<!tpu.dma_semaphore, #tpu.memory_space<semaphore_mem>>)
    %dma_start3A_28 = arith.constant 2 : i32
    %dma_start3A_29 = arith.constant 0 : i32
    %dma_start3A_30 = tpu.memref_slice %arg6[%dma_start3A_28, %dma_start3A_29] : memref<80x128xi32, #tpu.memory_space<vmem>> -> memref<1x128xi32, #tpu.memory_space<vmem>>
    %dma_start3A_31 = tpu.memref_squeeze %dma_start3A_30 : memref<1x128xi32, #tpu.memory_space<vmem>> -> memref<128xi32, #tpu.memory_space<vmem>>
    %dma_start3A_32 = arith.constant 0 : i32
    %dma_start3A_33 = arith.constant 0 : i32
    %dma_start3A_34 = tpu.memref_slice %arg2[%dma_start3A_32, %dma_start3A_33] : memref<10240x64xf32, #tpu.memory_space<hbm>> -> memref<10240x64xf32, #tpu.memory_space<hbm>>
    tpu.enqueue_indirect_dma source(%dma_start3A_34 : memref<10240x64xf32, #tpu.memory_space<hbm>>) target(%arg10 : memref<128x64xf32, #tpu.memory_space<vmem>>) offsets(%dma_start3A_31 : memref<128xi32, #tpu.memory_space<vmem>>) semaphore(%arg16 : memref<!tpu.dma_semaphore, #tpu.memory_space<semaphore_mem>>)
    %dma_start3A_35 = arith.constant 3 : i32
    %dma_start3A_36 = arith.constant 0 : i32
    %dma_start3A_37 = tpu.memref_slice %arg6[%dma_start3A_35, %dma_start3A_36] : memref<80x128xi32, #tpu.memory_space<vmem>> -> memref<1x128xi32, #tpu.memory_space<vmem>>
    %dma_start3A_38 = tpu.memref_squeeze %dma_start3A_37 : memref<1x128xi32, #tpu.memory_space<vmem>> -> memref<128xi32, #tpu.memory_space<vmem>>
    %dma_start3A_39 = arith.constant 0 : i32
    %dma_start3A_40 = arith.constant 0 : i32
    %dma_start3A_41 = tpu.memref_slice %arg2[%dma_start3A_39, %dma_start3A_40] : memref<10240x64xf32, #tpu.memory_space<hbm>> -> memref<10240x64xf32, #tpu.memory_space<hbm>>
    tpu.enqueue_indirect_dma source(%dma_start3A_41 : memref<10240x64xf32, #tpu.memory_space<hbm>>) target(%arg11 : memref<128x64xf32, #tpu.memory_space<vmem>>) offsets(%dma_start3A_38 : memref<128xi32, #tpu.memory_space<vmem>>) semaphore(%arg17 : memref<!tpu.dma_semaphore, #tpu.memory_space<semaphore_mem>>)
    %scan3A_42 = arith.constant 0 : i32
    %scan3A_43 = arith.constant 0 : i32
    %scan3A_44 = arith.constant 20 : i32
    %scan3A_45 = arith.addi %scan3A_43, %scan3A_44 : i32
    %scan3A_46 = arith.constant 1 : i32
    scf.for %scan3A_49 = %scan3A_43 to %scan3A_45 step %scan3A_46  : i32 {
      %mul3A_50 = arith.constant 4 : i32
      %mul3A_51 = arith.muli %scan3A_49, %mul3A_50 : i32
      %add3A_52 = arith.constant 0 : i32
      %add3A_53 = arith.addi %mul3A_51, %add3A_52 : i32
      %dma_wait3A = arith.constant 0 : i32
      %dma_wait3A_54 = tpu.memref_slice %arg6[%add3A_53, %dma_wait3A] : memref<80x128xi32, #tpu.memory_space<vmem>> -> memref<1x128xi32, #tpu.memory_space<vmem>>
      %dma_wait3A_55 = tpu.memref_squeeze %dma_wait3A_54 : memref<1x128xi32, #tpu.memory_space<vmem>> -> memref<128xi32, #tpu.memory_space<vmem>>
      %dma_wait3A_56 = arith.constant 0 : i32
      %dma_wait3A_57 = arith.constant 0 : i32
      %dma_wait3A_58 = tpu.memref_slice %arg2[%dma_wait3A_56, %dma_wait3A_57] : memref<10240x64xf32, #tpu.memory_space<hbm>> -> memref<10240x64xf32, #tpu.memory_space<hbm>>
      tpu.wait_indirect_dma semaphore(%arg14 : memref<!tpu.dma_semaphore, #tpu.memory_space<semaphore_mem>>) src(%dma_wait3A_58 : memref<10240x64xf32, #tpu.memory_space<hbm>>) dst(%arg8 : memref<128x64xf32, #tpu.memory_space<vmem>>)
      "tpu.region"() ({
        %run_scoped3A = tpu.sem_alloc : memref<!tpu.dma_semaphore, #tpu.memory_space<semaphore_mem>>
        %dma_start3A_108 = arith.constant 0 : i32
        %dma_start3A_109 = tpu.memref_slice %arg7[%add3A_53, %dma_start3A_108] : memref<80x128xi32, #tpu.memory_space<vmem>> -> memref<1x128xi32, #tpu.memory_space<vmem>>
        %dma_start3A_110 = tpu.memref_squeeze %dma_start3A_109 : memref<1x128xi32, #tpu.memory_space<vmem>> -> memref<128xi32, #tpu.memory_space<vmem>>
        %dma_start3A_111 = arith.constant 0 : i32
        %dma_start3A_112 = arith.constant 0 : i32
        %dma_start3A_113 = tpu.memref_slice %arg13[%dma_start3A_111, %dma_start3A_112] : memref<10240x64xf32, #tpu.memory_space<vmem_shared>> -> memref<10240x64xf32, #tpu.memory_space<vmem_shared>>
        tpu.enqueue_indirect_dma source(%arg8 : memref<128x64xf32, #tpu.memory_space<vmem>>) target(%dma_start3A_113 : memref<10240x64xf32, #tpu.memory_space<vmem_shared>>) offsets(%dma_start3A_110 : memref<128xi32, #tpu.memory_space<vmem>>) semaphore(%run_scoped3A : memref<!tpu.dma_semaphore, #tpu.memory_space<semaphore_mem>>) {add = true}
        %dma_wait3A_114 = arith.constant 0 : i32
        %dma_wait3A_115 = tpu.memref_slice %arg7[%add3A_53, %dma_wait3A_114] : memref<80x128xi32, #tpu.memory_space<vmem>> -> memref<1x128xi32, #tpu.memory_space<vmem>>
        %dma_wait3A_116 = tpu.memref_squeeze %dma_wait3A_115 : memref<1x128xi32, #tpu.memory_space<vmem>> -> memref<128xi32, #tpu.memory_space<vmem>>
        %dma_wait3A_117 = arith.constant 0 : i32
        %dma_wait3A_118 = arith.constant 0 : i32
        %dma_wait3A_119 = tpu.memref_slice %arg13[%dma_wait3A_117, %dma_wait3A_118] : memref<10240x64xf32, #tpu.memory_space<vmem_shared>> -> memref<10240x64xf32, #tpu.memory_space<vmem_shared>>
        tpu.wait_indirect_dma semaphore(%run_scoped3A : memref<!tpu.dma_semaphore, #tpu.memory_space<semaphore_mem>>) src(%arg8 : memref<128x64xf32, #tpu.memory_space<vmem>>) dst(%dma_wait3A_119 : memref<10240x64xf32, #tpu.memory_space<vmem_shared>>)
        tpu.yield
      }) : () -> ()
      %add3A_59 = arith.constant 4 : i32
      %add3A_60 = arith.addi %add3A_53, %add3A_59 : i32
      %lt3A = arith.constant 80 : i32
      %lt3A_61 = arith.cmpi slt, %add3A_60, %lt3A : i32
      %convert_element_type3A = arith.extui %lt3A_61 : i1 to i32
      %cond3A = arith.constant 0 : i32
      %cond3A_62 = arith.cmpi ne, %convert_element_type3A, %cond3A : i32
      scf.if %cond3A_62 {
        %dma_start3A_108 = arith.constant 0 : i32
        %dma_start3A_109 = tpu.memref_slice %arg6[%add3A_60, %dma_start3A_108] : memref<80x128xi32, #tpu.memory_space<vmem>> -> memref<1x128xi32, #tpu.memory_space<vmem>>
        %dma_start3A_110 = tpu.memref_squeeze %dma_start3A_109 : memref<1x128xi32, #tpu.memory_space<vmem>> -> memref<128xi32, #tpu.memory_space<vmem>>
        %dma_start3A_111 = arith.constant 0 : i32
        %dma_start3A_112 = arith.constant 0 : i32
        %dma_start3A_113 = tpu.memref_slice %arg2[%dma_start3A_111, %dma_start3A_112] : memref<10240x64xf32, #tpu.memory_space<hbm>> -> memref<10240x64xf32, #tpu.memory_space<hbm>>
        tpu.enqueue_indirect_dma source(%dma_start3A_113 : memref<10240x64xf32, #tpu.memory_space<hbm>>) target(%arg8 : memref<128x64xf32, #tpu.memory_space<vmem>>) offsets(%dma_start3A_110 : memref<128xi32, #tpu.memory_space<vmem>>) semaphore(%arg14 : memref<!tpu.dma_semaphore, #tpu.memory_space<semaphore_mem>>)
      } else {
      }
      %add3A_63 = arith.constant 1 : i32
      %add3A_64 = arith.addi %mul3A_51, %add3A_63 : i32
      %dma_wait3A_65 = arith.constant 0 : i32
      %dma_wait3A_66 = tpu.memref_slice %arg6[%add3A_64, %dma_wait3A_65] : memref<80x128xi32, #tpu.memory_space<vmem>> -> memref<1x128xi32, #tpu.memory_space<vmem>>
      %dma_wait3A_67 = tpu.memref_squeeze %dma_wait3A_66 : memref<1x128xi32, #tpu.memory_space<vmem>> -> memref<128xi32, #tpu.memory_space<vmem>>
      %dma_wait3A_68 = arith.constant 0 : i32
      %dma_wait3A_69 = arith.constant 0 : i32
      %dma_wait3A_70 = tpu.memref_slice %arg2[%dma_wait3A_68, %dma_wait3A_69] : memref<10240x64xf32, #tpu.memory_space<hbm>> -> memref<10240x64xf32, #tpu.memory_space<hbm>>
      tpu.wait_indirect_dma semaphore(%arg15 : memref<!tpu.dma_semaphore, #tpu.memory_space<semaphore_mem>>) src(%dma_wait3A_70 : memref<10240x64xf32, #tpu.memory_space<hbm>>) dst(%arg9 : memref<128x64xf32, #tpu.memory_space<vmem>>)
      "tpu.region"() ({
        %run_scoped3A = tpu.sem_alloc : memref<!tpu.dma_semaphore, #tpu.memory_space<semaphore_mem>>
        %dma_start3A_108 = arith.constant 0 : i32
        %dma_start3A_109 = tpu.memref_slice %arg7[%add3A_64, %dma_start3A_108] : memref<80x128xi32, #tpu.memory_space<vmem>> -> memref<1x128xi32, #tpu.memory_space<vmem>>
        %dma_start3A_110 = tpu.memref_squeeze %dma_start3A_109 : memref<1x128xi32, #tpu.memory_space<vmem>> -> memref<128xi32, #tpu.memory_space<vmem>>
        %dma_start3A_111 = arith.constant 0 : i32
        %dma_start3A_112 = arith.constant 0 : i32
        %dma_start3A_113 = tpu.memref_slice %arg13[%dma_start3A_111, %dma_start3A_112] : memref<10240x64xf32, #tpu.memory_space<vmem_shared>> -> memref<10240x64xf32, #tpu.memory_space<vmem_shared>>
        tpu.enqueue_indirect_dma source(%arg9 : memref<128x64xf32, #tpu.memory_space<vmem>>) target(%dma_start3A_113 : memref<10240x64xf32, #tpu.memory_space<vmem_shared>>) offsets(%dma_start3A_110 : memref<128xi32, #tpu.memory_space<vmem>>) semaphore(%run_scoped3A : memref<!tpu.dma_semaphore, #tpu.memory_space<semaphore_mem>>) {add = true}
        %dma_wait3A_114 = arith.constant 0 : i32
        %dma_wait3A_115 = tpu.memref_slice %arg7[%add3A_64, %dma_wait3A_114] : memref<80x128xi32, #tpu.memory_space<vmem>> -> memref<1x128xi32, #tpu.memory_space<vmem>>
        %dma_wait3A_116 = tpu.memref_squeeze %dma_wait3A_115 : memref<1x128xi32, #tpu.memory_space<vmem>> -> memref<128xi32, #tpu.memory_space<vmem>>
        %dma_wait3A_117 = arith.constant 0 : i32
        %dma_wait3A_118 = arith.constant 0 : i32
        %dma_wait3A_119 = tpu.memref_slice %arg13[%dma_wait3A_117, %dma_wait3A_118] : memref<10240x64xf32, #tpu.memory_space<vmem_shared>> -> memref<10240x64xf32, #tpu.memory_space<vmem_shared>>
        tpu.wait_indirect_dma semaphore(%run_scoped3A : memref<!tpu.dma_semaphore, #tpu.memory_space<semaphore_mem>>) src(%arg9 : memref<128x64xf32, #tpu.memory_space<vmem>>) dst(%dma_wait3A_119 : memref<10240x64xf32, #tpu.memory_space<vmem_shared>>)
        tpu.yield
      }) : () -> ()
      %add3A_71 = arith.constant 4 : i32
      %add3A_72 = arith.addi %add3A_64, %add3A_71 : i32
      %lt3A_73 = arith.constant 80 : i32
      %lt3A_74 = arith.cmpi slt, %add3A_72, %lt3A_73 : i32
      %convert_element_type3A_75 = arith.extui %lt3A_74 : i1 to i32
      %cond3A_76 = arith.constant 0 : i32
      %cond3A_77 = arith.cmpi ne, %convert_element_type3A_75, %cond3A_76 : i32
      scf.if %cond3A_77 {
        %dma_start3A_108 = arith.constant 0 : i32
        %dma_start3A_109 = tpu.memref_slice %arg6[%add3A_72, %dma_start3A_108] : memref<80x128xi32, #tpu.memory_space<vmem>> -> memref<1x128xi32, #tpu.memory_space<vmem>>
        %dma_start3A_110 = tpu.memref_squeeze %dma_start3A_109 : memref<1x128xi32, #tpu.memory_space<vmem>> -> memref<128xi32, #tpu.memory_space<vmem>>
        %dma_start3A_111 = arith.constant 0 : i32
        %dma_start3A_112 = arith.constant 0 : i32
        %dma_start3A_113 = tpu.memref_slice %arg2[%dma_start3A_111, %dma_start3A_112] : memref<10240x64xf32, #tpu.memory_space<hbm>> -> memref<10240x64xf32, #tpu.memory_space<hbm>>
        tpu.enqueue_indirect_dma source(%dma_start3A_113 : memref<10240x64xf32, #tpu.memory_space<hbm>>) target(%arg9 : memref<128x64xf32, #tpu.memory_space<vmem>>) offsets(%dma_start3A_110 : memref<128xi32, #tpu.memory_space<vmem>>) semaphore(%arg15 : memref<!tpu.dma_semaphore, #tpu.memory_space<semaphore_mem>>)
      } else {
      }
      %add3A_78 = arith.constant 2 : i32
      %add3A_79 = arith.addi %mul3A_51, %add3A_78 : i32
      %dma_wait3A_80 = arith.constant 0 : i32
      %dma_wait3A_81 = tpu.memref_slice %arg6[%add3A_79, %dma_wait3A_80] : memref<80x128xi32, #tpu.memory_space<vmem>> -> memref<1x128xi32, #tpu.memory_space<vmem>>
      %dma_wait3A_82 = tpu.memref_squeeze %dma_wait3A_81 : memref<1x128xi32, #tpu.memory_space<vmem>> -> memref<128xi32, #tpu.memory_space<vmem>>
      %dma_wait3A_83 = arith.constant 0 : i32
      %dma_wait3A_84 = arith.constant 0 : i32
      %dma_wait3A_85 = tpu.memref_slice %arg2[%dma_wait3A_83, %dma_wait3A_84] : memref<10240x64xf32, #tpu.memory_space<hbm>> -> memref<10240x64xf32, #tpu.memory_space<hbm>>
      tpu.wait_indirect_dma semaphore(%arg16 : memref<!tpu.dma_semaphore, #tpu.memory_space<semaphore_mem>>) src(%dma_wait3A_85 : memref<10240x64xf32, #tpu.memory_space<hbm>>) dst(%arg10 : memref<128x64xf32, #tpu.memory_space<vmem>>)
      "tpu.region"() ({
        %run_scoped3A = tpu.sem_alloc : memref<!tpu.dma_semaphore, #tpu.memory_space<semaphore_mem>>
        %dma_start3A_108 = arith.constant 0 : i32
        %dma_start3A_109 = tpu.memref_slice %arg7[%add3A_79, %dma_start3A_108] : memref<80x128xi32, #tpu.memory_space<vmem>> -> memref<1x128xi32, #tpu.memory_space<vmem>>
        %dma_start3A_110 = tpu.memref_squeeze %dma_start3A_109 : memref<1x128xi32, #tpu.memory_space<vmem>> -> memref<128xi32, #tpu.memory_space<vmem>>
        %dma_start3A_111 = arith.constant 0 : i32
        %dma_start3A_112 = arith.constant 0 : i32
        %dma_start3A_113 = tpu.memref_slice %arg13[%dma_start3A_111, %dma_start3A_112] : memref<10240x64xf32, #tpu.memory_space<vmem_shared>> -> memref<10240x64xf32, #tpu.memory_space<vmem_shared>>
        tpu.enqueue_indirect_dma source(%arg10 : memref<128x64xf32, #tpu.memory_space<vmem>>) target(%dma_start3A_113 : memref<10240x64xf32, #tpu.memory_space<vmem_shared>>) offsets(%dma_start3A_110 : memref<128xi32, #tpu.memory_space<vmem>>) semaphore(%run_scoped3A : memref<!tpu.dma_semaphore, #tpu.memory_space<semaphore_mem>>) {add = true}
        %dma_wait3A_114 = arith.constant 0 : i32
        %dma_wait3A_115 = tpu.memref_slice %arg7[%add3A_79, %dma_wait3A_114] : memref<80x128xi32, #tpu.memory_space<vmem>> -> memref<1x128xi32, #tpu.memory_space<vmem>>
        %dma_wait3A_116 = tpu.memref_squeeze %dma_wait3A_115 : memref<1x128xi32, #tpu.memory_space<vmem>> -> memref<128xi32, #tpu.memory_space<vmem>>
        %dma_wait3A_117 = arith.constant 0 : i32
        %dma_wait3A_118 = arith.constant 0 : i32
        %dma_wait3A_119 = tpu.memref_slice %arg13[%dma_wait3A_117, %dma_wait3A_118] : memref<10240x64xf32, #tpu.memory_space<vmem_shared>> -> memref<10240x64xf32, #tpu.memory_space<vmem_shared>>
        tpu.wait_indirect_dma semaphore(%run_scoped3A : memref<!tpu.dma_semaphore, #tpu.memory_space<semaphore_mem>>) src(%arg10 : memref<128x64xf32, #tpu.memory_space<vmem>>) dst(%dma_wait3A_119 : memref<10240x64xf32, #tpu.memory_space<vmem_shared>>)
        tpu.yield
      }) : () -> ()
      %add3A_86 = arith.constant 4 : i32
      %add3A_87 = arith.addi %add3A_79, %add3A_86 : i32
      %lt3A_88 = arith.constant 80 : i32
      %lt3A_89 = arith.cmpi slt, %add3A_87, %lt3A_88 : i32
      %convert_element_type3A_90 = arith.extui %lt3A_89 : i1 to i32
      %cond3A_91 = arith.constant 0 : i32
      %cond3A_92 = arith.cmpi ne, %convert_element_type3A_90, %cond3A_91 : i32
      scf.if %cond3A_92 {
        %dma_start3A_108 = arith.constant 0 : i32
        %dma_start3A_109 = tpu.memref_slice %arg6[%add3A_87, %dma_start3A_108] : memref<80x128xi32, #tpu.memory_space<vmem>> -> memref<1x128xi32, #tpu.memory_space<vmem>>
        %dma_start3A_110 = tpu.memref_squeeze %dma_start3A_109 : memref<1x128xi32, #tpu.memory_space<vmem>> -> memref<128xi32, #tpu.memory_space<vmem>>
        %dma_start3A_111 = arith.constant 0 : i32
        %dma_start3A_112 = arith.constant 0 : i32
        %dma_start3A_113 = tpu.memref_slice %arg2[%dma_start3A_111, %dma_start3A_112] : memref<10240x64xf32, #tpu.memory_space<hbm>> -> memref<10240x64xf32, #tpu.memory_space<hbm>>
        tpu.enqueue_indirect_dma source(%dma_start3A_113 : memref<10240x64xf32, #tpu.memory_space<hbm>>) target(%arg10 : memref<128x64xf32, #tpu.memory_space<vmem>>) offsets(%dma_start3A_110 : memref<128xi32, #tpu.memory_space<vmem>>) semaphore(%arg16 : memref<!tpu.dma_semaphore, #tpu.memory_space<semaphore_mem>>)
      } else {
      }
      %add3A_93 = arith.constant 3 : i32
      %add3A_94 = arith.addi %mul3A_51, %add3A_93 : i32
      %dma_wait3A_95 = arith.constant 0 : i32
      %dma_wait3A_96 = tpu.memref_slice %arg6[%add3A_94, %dma_wait3A_95] : memref<80x128xi32, #tpu.memory_space<vmem>> -> memref<1x128xi32, #tpu.memory_space<vmem>>
      %dma_wait3A_97 = tpu.memref_squeeze %dma_wait3A_96 : memref<1x128xi32, #tpu.memory_space<vmem>> -> memref<128xi32, #tpu.memory_space<vmem>>
      %dma_wait3A_98 = arith.constant 0 : i32
      %dma_wait3A_99 = arith.constant 0 : i32
      %dma_wait3A_100 = tpu.memref_slice %arg2[%dma_wait3A_98, %dma_wait3A_99] : memref<10240x64xf32, #tpu.memory_space<hbm>> -> memref<10240x64xf32, #tpu.memory_space<hbm>>
      tpu.wait_indirect_dma semaphore(%arg17 : memref<!tpu.dma_semaphore, #tpu.memory_space<semaphore_mem>>) src(%dma_wait3A_100 : memref<10240x64xf32, #tpu.memory_space<hbm>>) dst(%arg11 : memref<128x64xf32, #tpu.memory_space<vmem>>)
      "tpu.region"() ({
        %run_scoped3A = tpu.sem_alloc : memref<!tpu.dma_semaphore, #tpu.memory_space<semaphore_mem>>
        %dma_start3A_108 = arith.constant 0 : i32
        %dma_start3A_109 = tpu.memref_slice %arg7[%add3A_94, %dma_start3A_108] : memref<80x128xi32, #tpu.memory_space<vmem>> -> memref<1x128xi32, #tpu.memory_space<vmem>>
        %dma_start3A_110 = tpu.memref_squeeze %dma_start3A_109 : memref<1x128xi32, #tpu.memory_space<vmem>> -> memref<128xi32, #tpu.memory_space<vmem>>
        %dma_start3A_111 = arith.constant 0 : i32
        %dma_start3A_112 = arith.constant 0 : i32
        %dma_start3A_113 = tpu.memref_slice %arg13[%dma_start3A_111, %dma_start3A_112] : memref<10240x64xf32, #tpu.memory_space<vmem_shared>> -> memref<10240x64xf32, #tpu.memory_space<vmem_shared>>
        tpu.enqueue_indirect_dma source(%arg11 : memref<128x64xf32, #tpu.memory_space<vmem>>) target(%dma_start3A_113 : memref<10240x64xf32, #tpu.memory_space<vmem_shared>>) offsets(%dma_start3A_110 : memref<128xi32, #tpu.memory_space<vmem>>) semaphore(%run_scoped3A : memref<!tpu.dma_semaphore, #tpu.memory_space<semaphore_mem>>) {add = true}
        %dma_wait3A_114 = arith.constant 0 : i32
        %dma_wait3A_115 = tpu.memref_slice %arg7[%add3A_94, %dma_wait3A_114] : memref<80x128xi32, #tpu.memory_space<vmem>> -> memref<1x128xi32, #tpu.memory_space<vmem>>
        %dma_wait3A_116 = tpu.memref_squeeze %dma_wait3A_115 : memref<1x128xi32, #tpu.memory_space<vmem>> -> memref<128xi32, #tpu.memory_space<vmem>>
        %dma_wait3A_117 = arith.constant 0 : i32
        %dma_wait3A_118 = arith.constant 0 : i32
        %dma_wait3A_119 = tpu.memref_slice %arg13[%dma_wait3A_117, %dma_wait3A_118] : memref<10240x64xf32, #tpu.memory_space<vmem_shared>> -> memref<10240x64xf32, #tpu.memory_space<vmem_shared>>
        tpu.wait_indirect_dma semaphore(%run_scoped3A : memref<!tpu.dma_semaphore, #tpu.memory_space<semaphore_mem>>) src(%arg11 : memref<128x64xf32, #tpu.memory_space<vmem>>) dst(%dma_wait3A_119 : memref<10240x64xf32, #tpu.memory_space<vmem_shared>>)
        tpu.yield
      }) : () -> ()
      %add3A_101 = arith.constant 4 : i32
      %add3A_102 = arith.addi %add3A_94, %add3A_101 : i32
      %lt3A_103 = arith.constant 80 : i32
      %lt3A_104 = arith.cmpi slt, %add3A_102, %lt3A_103 : i32
      %convert_element_type3A_105 = arith.extui %lt3A_104 : i1 to i32
      %cond3A_106 = arith.constant 0 : i32
      %cond3A_107 = arith.cmpi ne, %convert_element_type3A_105, %cond3A_106 : i32
      scf.if %cond3A_107 {
        %dma_start3A_108 = arith.constant 0 : i32
        %dma_start3A_109 = tpu.memref_slice %arg6[%add3A_102, %dma_start3A_108] : memref<80x128xi32, #tpu.memory_space<vmem>> -> memref<1x128xi32, #tpu.memory_space<vmem>>
        %dma_start3A_110 = tpu.memref_squeeze %dma_start3A_109 : memref<1x128xi32, #tpu.memory_space<vmem>> -> memref<128xi32, #tpu.memory_space<vmem>>
        %dma_start3A_111 = arith.constant 0 : i32
        %dma_start3A_112 = arith.constant 0 : i32
        %dma_start3A_113 = tpu.memref_slice %arg2[%dma_start3A_111, %dma_start3A_112] : memref<10240x64xf32, #tpu.memory_space<hbm>> -> memref<10240x64xf32, #tpu.memory_space<hbm>>
        tpu.enqueue_indirect_dma source(%dma_start3A_113 : memref<10240x64xf32, #tpu.memory_space<hbm>>) target(%arg11 : memref<128x64xf32, #tpu.memory_space<vmem>>) offsets(%dma_start3A_110 : memref<128xi32, #tpu.memory_space<vmem>>) semaphore(%arg17 : memref<!tpu.dma_semaphore, #tpu.memory_space<semaphore_mem>>)
      } else {
      }
    }
    %scan3A_47 = arith.constant 20 : i32
    %barrier3A_48 = arith.constant 0 : index
    tpu.barrier barrier_id(%barrier3A_48)
    "tpu.region"() ({
      %run_scoped3A = tpu.sem_alloc : memref<!tpu.dma_semaphore, #tpu.memory_space<semaphore_mem>>
      %dma_start3A_49 = arith.constant 0 : i32
      %dma_start3A_50 = tpu.memref_slice %arg5[%arg0, %mul3A_8, %dma_start3A_49] : memref<2x10240x64xf32, #tpu.memory_space<hbm>> -> memref<1x640x64xf32, #tpu.memory_space<hbm>>
      %dma_start3A_51 = tpu.memref_squeeze %dma_start3A_50 : memref<1x640x64xf32, #tpu.memory_space<hbm>> -> memref<640x64xf32, #tpu.memory_space<hbm>>
      %dma_start3A_52 = arith.constant 0 : i32
      %dma_start3A_53 = tpu.memref_slice %arg13[%mul3A_8, %dma_start3A_52] : memref<10240x64xf32, #tpu.memory_space<vmem_shared>> -> memref<640x64xf32, #tpu.memory_space<vmem_shared>>
      tpu.enqueue_dma source(%dma_start3A_53 : memref<640x64xf32, #tpu.memory_space<vmem_shared>>) target(%dma_start3A_51 : memref<640x64xf32, #tpu.memory_space<hbm>>) target_semaphore(%run_scoped3A : memref<!tpu.dma_semaphore, #tpu.memory_space<semaphore_mem>>)
      %dma_wait3A = arith.constant 0 : i32
      %dma_wait3A_54 = tpu.memref_slice %arg5[%arg0, %mul3A_8, %dma_wait3A] : memref<2x10240x64xf32, #tpu.memory_space<hbm>> -> memref<1x640x64xf32, #tpu.memory_space<hbm>>
      %dma_wait3A_55 = tpu.memref_squeeze %dma_wait3A_54 : memref<1x640x64xf32, #tpu.memory_space<hbm>> -> memref<640x64xf32, #tpu.memory_space<hbm>>
      %dma_wait3A_56 = arith.constant 0 : i32
      %dma_wait3A_57 = tpu.memref_slice %arg13[%mul3A_8, %dma_wait3A_56] : memref<10240x64xf32, #tpu.memory_space<vmem_shared>> -> memref<640x64xf32, #tpu.memory_space<vmem_shared>>
      tpu.wait_dma2 semaphore(%run_scoped3A : memref<!tpu.dma_semaphore, #tpu.memory_space<semaphore_mem>>) src(%dma_wait3A_57 : memref<640x64xf32, #tpu.memory_space<vmem_shared>>) dst(%dma_wait3A_55 : memref<640x64xf32, #tpu.memory_space<hbm>>)
      tpu.yield
    }) : () -> ()
    return
  }
}

#map = affine_map<(d0, d1) -> (0, 0)>
#map1 = affine_map<(d0, d1) -> (0, 0, 0)>
module attributes {stable_mosaic.version = 14 : i64} {
  func.func @prop(%arg0: i32, %arg1: i32, %arg2: memref<10240x64xf32, #tpu.memory_space<hbm>>, %arg3: memref<32x80x128xi32, #tpu.memory_space<hbm>>, %arg4: memref<32x80x128xi32, #tpu.memory_space<hbm>>, %arg5: memref<2x10240x64xf32, #tpu.memory_space<hbm>>, %arg6: memref<80x128xi32, #tpu.memory_space<vmem>>, %arg7: memref<80x128xi32, #tpu.memory_space<vmem>>, %arg8: memref<128x64xf32, #tpu.memory_space<vmem>>, %arg9: memref<128x64xf32, #tpu.memory_space<vmem>>, %arg10: memref<128x64xf32, #tpu.memory_space<vmem>>, %arg11: memref<128x64xf32, #tpu.memory_space<vmem>>, %arg12: memref<128x64xf32, #tpu.memory_space<vmem>>, %arg13: memref<10240x64xf32, #tpu.memory_space<vmem_shared>>, %arg14: memref<!tpu.dma_semaphore, #tpu.memory_space<semaphore_mem>>, %arg15: memref<!tpu.dma_semaphore, #tpu.memory_space<semaphore_mem>>, %arg16: memref<!tpu.dma_semaphore, #tpu.memory_space<semaphore_mem>>, %arg17: memref<!tpu.dma_semaphore, #tpu.memory_space<semaphore_mem>>) attributes {dimension_semantics = [#tpu.dimension_semantics<core_parallel>, #tpu.dimension_semantics<subcore_parallel>], iteration_bounds = array<i64: 2, 16>, scalar_prefetch = 0 : i64, scratch_operands = 12 : i64, tpu.core_type = #tpu.core_type<sc_vector_subcore>, window_params = [{transform_indices = #map}, {transform_indices = #map1}, {transform_indices = #map1}, {transform_indices = #map1}]} {
    %mul3A = arith.constant 16 : i32
    %mul3A_0 = arith.muli %arg0, %mul3A : i32
    %add3A = arith.addi %mul3A_0, %arg1 : i32
    %broadcast_in_dim3A = arith.constant 0.000000e+00 : f32
    %broadcast_in_dim3A_1 = vector.broadcast %broadcast_in_dim3A : f32 to vector<16xf32>
    %scan3A = arith.constant 0 : i32
    %scan3A_2 = arith.constant 0 : i32
    %scan3A_3 = arith.constant 128 : i32
    %scan3A_4 = arith.addi %scan3A_2, %scan3A_3 : i32
    %scan3A_5 = arith.constant 1 : i32
    scf.for %scan3A_49 = %scan3A_2 to %scan3A_4 step %scan3A_5  : i32 {
      %scan3A_50 = arith.constant 0 : i32
      %scan3A_51 = arith.constant 4 : i32
      %scan3A_52 = arith.addi %scan3A_50, %scan3A_51 : i32
      %scan3A_53 = arith.constant 1 : i32
      scf.for %scan3A_55 = %scan3A_50 to %scan3A_52 step %scan3A_53  : i32 {
        %mul3A_56 = arith.constant 16 : i32
        %mul3A_57 = arith.muli %scan3A_55, %mul3A_56 : i32
        %swap3A = arith.index_cast %scan3A_49 : i32 to index
        %swap3A_58 = arith.index_cast %mul3A_57 : i32 to index
        %swap3A_59 = tpu.vector_load %arg12[%swap3A, %swap3A_58] {strides = array<i32>} : memref<128x64xf32, #tpu.memory_space<vmem>>, vector<1x16xf32>,
        %swap3A_60 = vector.shape_cast %swap3A_59 : vector<1x16xf32> to vector<16xf32>
        %swap3A_61 = vector.shape_cast %broadcast_in_dim3A_1 : vector<16xf32> to vector<1x16xf32>
        tpu.vector_store %arg12[%swap3A, %swap3A_58], %swap3A_61 {strides = array<i32>} : memref<128x64xf32, #tpu.memory_space<vmem>>, vector<1x16xf32>,
      }
      %scan3A_54 = arith.constant 4 : i32
    }
    %scan3A_6 = arith.constant 128 : i32
    %mul3A_7 = arith.constant 640 : i32
    %mul3A_8 = arith.muli %arg1, %mul3A_7 : i32
    %scan3A_9 = arith.constant 0 : i32
    %scan3A_10 = arith.constant 0 : i32
    %scan3A_11 = arith.constant 5 : i32
    %scan3A_12 = arith.addi %scan3A_10, %scan3A_11 : i32
    %scan3A_13 = arith.constant 1 : i32
    scf.for %scan3A_49 = %scan3A_10 to %scan3A_12 step %scan3A_13  : i32 {
      %mul3A_50 = arith.constant 128 : i32
      %mul3A_51 = arith.muli %scan3A_49, %mul3A_50 : i32
      %add3A_52 = arith.addi %mul3A_8, %mul3A_51 : i32
      "tpu.region"() ({
        %run_scoped3A = tpu.sem_alloc : memref<!tpu.dma_semaphore, #tpu.memory_space<semaphore_mem>>
        %dma_start3A_53 = arith.constant 0 : i32
        %dma_start3A_54 = tpu.memref_slice %arg13[%add3A_52, %dma_start3A_53] : memref<10240x64xf32, #tpu.memory_space<vmem_shared>> -> memref<128x64xf32, #tpu.memory_space<vmem_shared>>
        %dma_start3A_55 = arith.constant 0 : i32
        %dma_start3A_56 = tpu.memref_slice %arg13[%add3A_52, %dma_start3A_55] : memref<10240x64xf32, #tpu.memory_space<vmem_shared>> -> memref<128x64xf32, #tpu.memory_space<vmem_shared>>
        tpu.enqueue_dma source(%arg12 : memref<128x64xf32, #tpu.memory_space<vmem>>) target(%dma_start3A_56 : memref<128x64xf32, #tpu.memory_space<vmem_shared>>) target_semaphore(%run_scoped3A : memref<!tpu.dma_semaphore, #tpu.memory_space<semaphore_mem>>)
        %dma_wait3A = arith.constant 0 : i32
        %dma_wait3A_57 = tpu.memref_slice %arg13[%add3A_52, %dma_wait3A] : memref<10240x64xf32, #tpu.memory_space<vmem_shared>> -> memref<128x64xf32, #tpu.memory_space<vmem_shared>>
        %dma_wait3A_58 = arith.constant 0 : i32
        %dma_wait3A_59 = tpu.memref_slice %arg13[%add3A_52, %dma_wait3A_58] : memref<10240x64xf32, #tpu.memory_space<vmem_shared>> -> memref<128x64xf32, #tpu.memory_space<vmem_shared>>
        tpu.wait_dma2 semaphore(%run_scoped3A : memref<!tpu.dma_semaphore, #tpu.memory_space<semaphore_mem>>) src(%arg12 : memref<128x64xf32, #tpu.memory_space<vmem>>) dst(%dma_wait3A_59 : memref<128x64xf32, #tpu.memory_space<vmem_shared>>)
        tpu.yield
      }) : () -> ()
    }
    %scan3A_14 = arith.constant 5 : i32
    %barrier3A = arith.constant 0 : index
    tpu.barrier barrier_id(%barrier3A)
    "tpu.region"() ({
      %run_scoped3A = tpu.sem_alloc : memref<!tpu.dma_semaphore, #tpu.memory_space<semaphore_mem>>
      %dma_start3A_49 = arith.constant 0 : i32
      %dma_start3A_50 = arith.constant 0 : i32
      %dma_start3A_51 = tpu.memref_slice %arg3[%add3A, %dma_start3A_49, %dma_start3A_50] : memref<32x80x128xi32, #tpu.memory_space<hbm>> -> memref<1x80x128xi32, #tpu.memory_space<hbm>>
      %dma_start3A_52 = tpu.memref_squeeze %dma_start3A_51 : memref<1x80x128xi32, #tpu.memory_space<hbm>> -> memref<80x128xi32, #tpu.memory_space<hbm>>
      %dma_start3A_53 = arith.constant 0 : i32
      %dma_start3A_54 = arith.constant 0 : i32
      %dma_start3A_55 = tpu.memref_slice %arg3[%add3A, %dma_start3A_53, %dma_start3A_54] : memref<32x80x128xi32, #tpu.memory_space<hbm>> -> memref<1x80x128xi32, #tpu.memory_space<hbm>>
      %dma_start3A_56 = tpu.memref_squeeze %dma_start3A_55 : memref<1x80x128xi32, #tpu.memory_space<hbm>> -> memref<80x128xi32, #tpu.memory_space<hbm>>
      tpu.enqueue_dma source(%dma_start3A_56 : memref<80x128xi32, #tpu.memory_space<hbm>>) target(%arg6 : memref<80x128xi32, #tpu.memory_space<vmem>>) target_semaphore(%run_scoped3A : memref<!tpu.dma_semaphore, #tpu.memory_space<semaphore_mem>>)
      %dma_wait3A = arith.constant 0 : i32
      %dma_wait3A_57 = arith.constant 0 : i32
      %dma_wait3A_58 = tpu.memref_slice %arg3[%add3A, %dma_wait3A, %dma_wait3A_57] : memref<32x80x128xi32, #tpu.memory_space<hbm>> -> memref<1x80x128xi32, #tpu.memory_space<hbm>>
      %dma_wait3A_59 = tpu.memref_squeeze %dma_wait3A_58 : memref<1x80x128xi32, #tpu.memory_space<hbm>> -> memref<80x128xi32, #tpu.memory_space<hbm>>
      %dma_wait3A_60 = arith.constant 0 : i32
      %dma_wait3A_61 = arith.constant 0 : i32
      %dma_wait3A_62 = tpu.memref_slice %arg3[%add3A, %dma_wait3A_60, %dma_wait3A_61] : memref<32x80x128xi32, #tpu.memory_space<hbm>> -> memref<1x80x128xi32, #tpu.memory_space<hbm>>
      %dma_wait3A_63 = tpu.memref_squeeze %dma_wait3A_62 : memref<1x80x128xi32, #tpu.memory_space<hbm>> -> memref<80x128xi32, #tpu.memory_space<hbm>>
      tpu.wait_dma2 semaphore(%run_scoped3A : memref<!tpu.dma_semaphore, #tpu.memory_space<semaphore_mem>>) src(%dma_wait3A_63 : memref<80x128xi32, #tpu.memory_space<hbm>>) dst(%arg6 : memref<80x128xi32, #tpu.memory_space<vmem>>)
      tpu.yield
    }) : () -> ()
    "tpu.region"() ({
      %run_scoped3A = tpu.sem_alloc : memref<!tpu.dma_semaphore, #tpu.memory_space<semaphore_mem>>
      %dma_start3A_49 = arith.constant 0 : i32
      %dma_start3A_50 = arith.constant 0 : i32
      %dma_start3A_51 = tpu.memref_slice %arg4[%add3A, %dma_start3A_49, %dma_start3A_50] : memref<32x80x128xi32, #tpu.memory_space<hbm>> -> memref<1x80x128xi32, #tpu.memory_space<hbm>>
      %dma_start3A_52 = tpu.memref_squeeze %dma_start3A_51 : memref<1x80x128xi32, #tpu.memory_space<hbm>> -> memref<80x128xi32, #tpu.memory_space<hbm>>
      %dma_start3A_53 = arith.constant 0 : i32
      %dma_start3A_54 = arith.constant 0 : i32
      %dma_start3A_55 = tpu.memref_slice %arg4[%add3A, %dma_start3A_53, %dma_start3A_54] : memref<32x80x128xi32, #tpu.memory_space<hbm>> -> memref<1x80x128xi32, #tpu.memory_space<hbm>>
      %dma_start3A_56 = tpu.memref_squeeze %dma_start3A_55 : memref<1x80x128xi32, #tpu.memory_space<hbm>> -> memref<80x128xi32, #tpu.memory_space<hbm>>
      tpu.enqueue_dma source(%dma_start3A_56 : memref<80x128xi32, #tpu.memory_space<hbm>>) target(%arg7 : memref<80x128xi32, #tpu.memory_space<vmem>>) target_semaphore(%run_scoped3A : memref<!tpu.dma_semaphore, #tpu.memory_space<semaphore_mem>>)
      %dma_wait3A = arith.constant 0 : i32
      %dma_wait3A_57 = arith.constant 0 : i32
      %dma_wait3A_58 = tpu.memref_slice %arg4[%add3A, %dma_wait3A, %dma_wait3A_57] : memref<32x80x128xi32, #tpu.memory_space<hbm>> -> memref<1x80x128xi32, #tpu.memory_space<hbm>>
      %dma_wait3A_59 = tpu.memref_squeeze %dma_wait3A_58 : memref<1x80x128xi32, #tpu.memory_space<hbm>> -> memref<80x128xi32, #tpu.memory_space<hbm>>
      %dma_wait3A_60 = arith.constant 0 : i32
      %dma_wait3A_61 = arith.constant 0 : i32
      %dma_wait3A_62 = tpu.memref_slice %arg4[%add3A, %dma_wait3A_60, %dma_wait3A_61] : memref<32x80x128xi32, #tpu.memory_space<hbm>> -> memref<1x80x128xi32, #tpu.memory_space<hbm>>
      %dma_wait3A_63 = tpu.memref_squeeze %dma_wait3A_62 : memref<1x80x128xi32, #tpu.memory_space<hbm>> -> memref<80x128xi32, #tpu.memory_space<hbm>>
      tpu.wait_dma2 semaphore(%run_scoped3A : memref<!tpu.dma_semaphore, #tpu.memory_space<semaphore_mem>>) src(%dma_wait3A_63 : memref<80x128xi32, #tpu.memory_space<hbm>>) dst(%arg7 : memref<80x128xi32, #tpu.memory_space<vmem>>)
      tpu.yield
    }) : () -> ()
    %dma_start3A = arith.constant 0 : i32
    %dma_start3A_15 = arith.constant 0 : i32
    %dma_start3A_16 = tpu.memref_slice %arg6[%dma_start3A, %dma_start3A_15] : memref<80x128xi32, #tpu.memory_space<vmem>> -> memref<1x128xi32, #tpu.memory_space<vmem>>
    %dma_start3A_17 = tpu.memref_squeeze %dma_start3A_16 : memref<1x128xi32, #tpu.memory_space<vmem>> -> memref<128xi32, #tpu.memory_space<vmem>>
    %dma_start3A_18 = arith.constant 0 : i32
    %dma_start3A_19 = arith.constant 0 : i32
    %dma_start3A_20 = tpu.memref_slice %arg2[%dma_start3A_18, %dma_start3A_19] : memref<10240x64xf32, #tpu.memory_space<hbm>> -> memref<10240x64xf32, #tpu.memory_space<hbm>>
    tpu.enqueue_indirect_dma source(%dma_start3A_20 : memref<10240x64xf32, #tpu.memory_space<hbm>>) target(%arg8 : memref<128x64xf32, #tpu.memory_space<vmem>>) offsets(%dma_start3A_17 : memref<128xi32, #tpu.memory_space<vmem>>) semaphore(%arg14 : memref<!tpu.dma_semaphore, #tpu.memory_space<semaphore_mem>>)
    %dma_start3A_21 = arith.constant 1 : i32
    %dma_start3A_22 = arith.constant 0 : i32
    %dma_start3A_23 = tpu.memref_slice %arg6[%dma_start3A_21, %dma_start3A_22] : memref<80x128xi32, #tpu.memory_space<vmem>> -> memref<1x128xi32, #tpu.memory_space<vmem>>
    %dma_start3A_24 = tpu.memref_squeeze %dma_start3A_23 : memref<1x128xi32, #tpu.memory_space<vmem>> -> memref<128xi32, #tpu.memory_space<vmem>>
    %dma_start3A_25 = arith.constant 0 : i32
    %dma_start3A_26 = arith.constant 0 : i32
    %dma_start3A_27 = tpu.memref_slice %arg2[%dma_start3A_25, %dma_start3A_26] : memref<10240x64xf32, #tpu.memory_space<hbm>> -> memref<10240x64xf32, #tpu.memory_space<hbm>>
    tpu.enqueue_indirect_dma source(%dma_start3A_27 : memref<10240x64xf32, #tpu.memory_space<hbm>>) target(%arg9 : memref<128x64xf32, #tpu.memory_space<vmem>>) offsets(%dma_start3A_24 : memref<128xi32, #tpu.memory_space<vmem>>) semaphore(%arg15 : memref<!tpu.dma_semaphore, #tpu.memory_space<semaphore_mem>>)
    %dma_start3A_28 = arith.constant 2 : i32
    %dma_start3A_29 = arith.constant 0 : i32
    %dma_start3A_30 = tpu.memref_slice %arg6[%dma_start3A_28, %dma_start3A_29] : memref<80x128xi32, #tpu.memory_space<vmem>> -> memref<1x128xi32, #tpu.memory_space<vmem>>
    %dma_start3A_31 = tpu.memref_squeeze %dma_start3A_30 : memref<1x128xi32, #tpu.memory_space<vmem>> -> memref<128xi32, #tpu.memory_space<vmem>>
    %dma_start3A_32 = arith.constant 0 : i32
    %dma_start3A_33 = arith.constant 0 : i32
    %dma_start3A_34 = tpu.memref_slice %arg2[%dma_start3A_32, %dma_start3A_33] : memref<10240x64xf32, #tpu.memory_space<hbm>> -> memref<10240x64xf32, #tpu.memory_space<hbm>>
    tpu.enqueue_indirect_dma source(%dma_start3A_34 : memref<10240x64xf32, #tpu.memory_space<hbm>>) target(%arg10 : memref<128x64xf32, #tpu.memory_space<vmem>>) offsets(%dma_start3A_31 : memref<128xi32, #tpu.memory_space<vmem>>) semaphore(%arg16 : memref<!tpu.dma_semaphore, #tpu.memory_space<semaphore_mem>>)
    %dma_start3A_35 = arith.constant 3 : i32
    %dma_start3A_36 = arith.constant 0 : i32
    %dma_start3A_37 = tpu.memref_slice %arg6[%dma_start3A_35, %dma_start3A_36] : memref<80x128xi32, #tpu.memory_space<vmem>> -> memref<1x128xi32, #tpu.memory_space<vmem>>
    %dma_start3A_38 = tpu.memref_squeeze %dma_start3A_37 : memref<1x128xi32, #tpu.memory_space<vmem>> -> memref<128xi32, #tpu.memory_space<vmem>>
    %dma_start3A_39 = arith.constant 0 : i32
    %dma_start3A_40 = arith.constant 0 : i32
    %dma_start3A_41 = tpu.memref_slice %arg2[%dma_start3A_39, %dma_start3A_40] : memref<10240x64xf32, #tpu.memory_space<hbm>> -> memref<10240x64xf32, #tpu.memory_space<hbm>>
    tpu.enqueue_indirect_dma source(%dma_start3A_41 : memref<10240x64xf32, #tpu.memory_space<hbm>>) target(%arg11 : memref<128x64xf32, #tpu.memory_space<vmem>>) offsets(%dma_start3A_38 : memref<128xi32, #tpu.memory_space<vmem>>) semaphore(%arg17 : memref<!tpu.dma_semaphore, #tpu.memory_space<semaphore_mem>>)
    %scan3A_42 = arith.constant 0 : i32
    %scan3A_43 = arith.constant 0 : i32
    %scan3A_44 = arith.constant 20 : i32
    %scan3A_45 = arith.addi %scan3A_43, %scan3A_44 : i32
    %scan3A_46 = arith.constant 1 : i32
    scf.for %scan3A_49 = %scan3A_43 to %scan3A_45 step %scan3A_46  : i32 {
      %mul3A_50 = arith.constant 4 : i32
      %mul3A_51 = arith.muli %scan3A_49, %mul3A_50 : i32
      %add3A_52 = arith.constant 0 : i32
      %add3A_53 = arith.addi %mul3A_51, %add3A_52 : i32
      %dma_wait3A = arith.constant 0 : i32
      %dma_wait3A_54 = tpu.memref_slice %arg6[%add3A_53, %dma_wait3A] : memref<80x128xi32, #tpu.memory_space<vmem>> -> memref<1x128xi32, #tpu.memory_space<vmem>>
      %dma_wait3A_55 = tpu.memref_squeeze %dma_wait3A_54 : memref<1x128xi32, #tpu.memory_space<vmem>> -> memref<128xi32, #tpu.memory_space<vmem>>
      %dma_wait3A_56 = arith.constant 0 : i32
      %dma_wait3A_57 = arith.constant 0 : i32
      %dma_wait3A_58 = tpu.memref_slice %arg2[%dma_wait3A_56, %dma_wait3A_57] : memref<10240x64xf32, #tpu.memory_space<hbm>> -> memref<10240x64xf32, #tpu.memory_space<hbm>>
      tpu.wait_indirect_dma semaphore(%arg14 : memref<!tpu.dma_semaphore, #tpu.memory_space<semaphore_mem>>) src(%dma_wait3A_58 : memref<10240x64xf32, #tpu.memory_space<hbm>>) dst(%arg8 : memref<128x64xf32, #tpu.memory_space<vmem>>)
      "tpu.region"() ({
        %run_scoped3A = tpu.sem_alloc : memref<!tpu.dma_semaphore, #tpu.memory_space<semaphore_mem>>
        %dma_start3A_108 = arith.constant 0 : i32
        %dma_start3A_109 = tpu.memref_slice %arg7[%add3A_53, %dma_start3A_108] : memref<80x128xi32, #tpu.memory_space<vmem>> -> memref<1x128xi32, #tpu.memory_space<vmem>>
        %dma_start3A_110 = tpu.memref_squeeze %dma_start3A_109 : memref<1x128xi32, #tpu.memory_space<vmem>> -> memref<128xi32, #tpu.memory_space<vmem>>
        %dma_start3A_111 = arith.constant 0 : i32
        %dma_start3A_112 = arith.constant 0 : i32
        %dma_start3A_113 = tpu.memref_slice %arg13[%dma_start3A_111, %dma_start3A_112] : memref<10240x64xf32, #tpu.memory_space<vmem_shared>> -> memref<10240x64xf32, #tpu.memory_space<vmem_shared>>
        tpu.enqueue_indirect_dma source(%arg8 : memref<128x64xf32, #tpu.memory_space<vmem>>) target(%dma_start3A_113 : memref<10240x64xf32, #tpu.memory_space<vmem_shared>>) offsets(%dma_start3A_110 : memref<128xi32, #tpu.memory_space<vmem>>) semaphore(%run_scoped3A : memref<!tpu.dma_semaphore, #tpu.memory_space<semaphore_mem>>) {add = true}
        %dma_wait3A_114 = arith.constant 0 : i32
        %dma_wait3A_115 = tpu.memref_slice %arg7[%add3A_53, %dma_wait3A_114] : memref<80x128xi32, #tpu.memory_space<vmem>> -> memref<1x128xi32, #tpu.memory_space<vmem>>
        %dma_wait3A_116 = tpu.memref_squeeze %dma_wait3A_115 : memref<1x128xi32, #tpu.memory_space<vmem>> -> memref<128xi32, #tpu.memory_space<vmem>>
        %dma_wait3A_117 = arith.constant 0 : i32
        %dma_wait3A_118 = arith.constant 0 : i32
        %dma_wait3A_119 = tpu.memref_slice %arg13[%dma_wait3A_117, %dma_wait3A_118] : memref<10240x64xf32, #tpu.memory_space<vmem_shared>> -> memref<10240x64xf32, #tpu.memory_space<vmem_shared>>
        tpu.wait_indirect_dma semaphore(%run_scoped3A : memref<!tpu.dma_semaphore, #tpu.memory_space<semaphore_mem>>) src(%arg8 : memref<128x64xf32, #tpu.memory_space<vmem>>) dst(%dma_wait3A_119 : memref<10240x64xf32, #tpu.memory_space<vmem_shared>>)
        tpu.yield
      }) : () -> ()
      %add3A_59 = arith.constant 4 : i32
      %add3A_60 = arith.addi %add3A_53, %add3A_59 : i32
      %lt3A = arith.constant 80 : i32
      %lt3A_61 = arith.cmpi slt, %add3A_60, %lt3A : i32
      %convert_element_type3A = arith.extui %lt3A_61 : i1 to i32
      %cond3A = arith.constant 0 : i32
      %cond3A_62 = arith.cmpi ne, %convert_element_type3A, %cond3A : i32
      scf.if %cond3A_62 {
        %dma_start3A_108 = arith.constant 0 : i32
        %dma_start3A_109 = tpu.memref_slice %arg6[%add3A_60, %dma_start3A_108] : memref<80x128xi32, #tpu.memory_space<vmem>> -> memref<1x128xi32, #tpu.memory_space<vmem>>
        %dma_start3A_110 = tpu.memref_squeeze %dma_start3A_109 : memref<1x128xi32, #tpu.memory_space<vmem>> -> memref<128xi32, #tpu.memory_space<vmem>>
        %dma_start3A_111 = arith.constant 0 : i32
        %dma_start3A_112 = arith.constant 0 : i32
        %dma_start3A_113 = tpu.memref_slice %arg2[%dma_start3A_111, %dma_start3A_112] : memref<10240x64xf32, #tpu.memory_space<hbm>> -> memref<10240x64xf32, #tpu.memory_space<hbm>>
        tpu.enqueue_indirect_dma source(%dma_start3A_113 : memref<10240x64xf32, #tpu.memory_space<hbm>>) target(%arg8 : memref<128x64xf32, #tpu.memory_space<vmem>>) offsets(%dma_start3A_110 : memref<128xi32, #tpu.memory_space<vmem>>) semaphore(%arg14 : memref<!tpu.dma_semaphore, #tpu.memory_space<semaphore_mem>>)
      } else {
      }
      %add3A_63 = arith.constant 1 : i32
      %add3A_64 = arith.addi %mul3A_51, %add3A_63 : i32
      %dma_wait3A_65 = arith.constant 0 : i32
      %dma_wait3A_66 = tpu.memref_slice %arg6[%add3A_64, %dma_wait3A_65] : memref<80x128xi32, #tpu.memory_space<vmem>> -> memref<1x128xi32, #tpu.memory_space<vmem>>
      %dma_wait3A_67 = tpu.memref_squeeze %dma_wait3A_66 : memref<1x128xi32, #tpu.memory_space<vmem>> -> memref<128xi32, #tpu.memory_space<vmem>>
      %dma_wait3A_68 = arith.constant 0 : i32
      %dma_wait3A_69 = arith.constant 0 : i32
      %dma_wait3A_70 = tpu.memref_slice %arg2[%dma_wait3A_68, %dma_wait3A_69] : memref<10240x64xf32, #tpu.memory_space<hbm>> -> memref<10240x64xf32, #tpu.memory_space<hbm>>
      tpu.wait_indirect_dma semaphore(%arg15 : memref<!tpu.dma_semaphore, #tpu.memory_space<semaphore_mem>>) src(%dma_wait3A_70 : memref<10240x64xf32, #tpu.memory_space<hbm>>) dst(%arg9 : memref<128x64xf32, #tpu.memory_space<vmem>>)
      "tpu.region"() ({
        %run_scoped3A = tpu.sem_alloc : memref<!tpu.dma_semaphore, #tpu.memory_space<semaphore_mem>>
        %dma_start3A_108 = arith.constant 0 : i32
        %dma_start3A_109 = tpu.memref_slice %arg7[%add3A_64, %dma_start3A_108] : memref<80x128xi32, #tpu.memory_space<vmem>> -> memref<1x128xi32, #tpu.memory_space<vmem>>
        %dma_start3A_110 = tpu.memref_squeeze %dma_start3A_109 : memref<1x128xi32, #tpu.memory_space<vmem>> -> memref<128xi32, #tpu.memory_space<vmem>>
        %dma_start3A_111 = arith.constant 0 : i32
        %dma_start3A_112 = arith.constant 0 : i32
        %dma_start3A_113 = tpu.memref_slice %arg13[%dma_start3A_111, %dma_start3A_112] : memref<10240x64xf32, #tpu.memory_space<vmem_shared>> -> memref<10240x64xf32, #tpu.memory_space<vmem_shared>>
        tpu.enqueue_indirect_dma source(%arg9 : memref<128x64xf32, #tpu.memory_space<vmem>>) target(%dma_start3A_113 : memref<10240x64xf32, #tpu.memory_space<vmem_shared>>) offsets(%dma_start3A_110 : memref<128xi32, #tpu.memory_space<vmem>>) semaphore(%run_scoped3A : memref<!tpu.dma_semaphore, #tpu.memory_space<semaphore_mem>>) {add = true}
        %dma_wait3A_114 = arith.constant 0 : i32
        %dma_wait3A_115 = tpu.memref_slice %arg7[%add3A_64, %dma_wait3A_114] : memref<80x128xi32, #tpu.memory_space<vmem>> -> memref<1x128xi32, #tpu.memory_space<vmem>>
        %dma_wait3A_116 = tpu.memref_squeeze %dma_wait3A_115 : memref<1x128xi32, #tpu.memory_space<vmem>> -> memref<128xi32, #tpu.memory_space<vmem>>
        %dma_wait3A_117 = arith.constant 0 : i32
        %dma_wait3A_118 = arith.constant 0 : i32
        %dma_wait3A_119 = tpu.memref_slice %arg13[%dma_wait3A_117, %dma_wait3A_118] : memref<10240x64xf32, #tpu.memory_space<vmem_shared>> -> memref<10240x64xf32, #tpu.memory_space<vmem_shared>>
        tpu.wait_indirect_dma semaphore(%run_scoped3A : memref<!tpu.dma_semaphore, #tpu.memory_space<semaphore_mem>>) src(%arg9 : memref<128x64xf32, #tpu.memory_space<vmem>>) dst(%dma_wait3A_119 : memref<10240x64xf32, #tpu.memory_space<vmem_shared>>)
        tpu.yield
      }) : () -> ()
      %add3A_71 = arith.constant 4 : i32
      %add3A_72 = arith.addi %add3A_64, %add3A_71 : i32
      %lt3A_73 = arith.constant 80 : i32
      %lt3A_74 = arith.cmpi slt, %add3A_72, %lt3A_73 : i32
      %convert_element_type3A_75 = arith.extui %lt3A_74 : i1 to i32
      %cond3A_76 = arith.constant 0 : i32
      %cond3A_77 = arith.cmpi ne, %convert_element_type3A_75, %cond3A_76 : i32
      scf.if %cond3A_77 {
        %dma_start3A_108 = arith.constant 0 : i32
        %dma_start3A_109 = tpu.memref_slice %arg6[%add3A_72, %dma_start3A_108] : memref<80x128xi32, #tpu.memory_space<vmem>> -> memref<1x128xi32, #tpu.memory_space<vmem>>
        %dma_start3A_110 = tpu.memref_squeeze %dma_start3A_109 : memref<1x128xi32, #tpu.memory_space<vmem>> -> memref<128xi32, #tpu.memory_space<vmem>>
        %dma_start3A_111 = arith.constant 0 : i32
        %dma_start3A_112 = arith.constant 0 : i32
        %dma_start3A_113 = tpu.memref_slice %arg2[%dma_start3A_111, %dma_start3A_112] : memref<10240x64xf32, #tpu.memory_space<hbm>> -> memref<10240x64xf32, #tpu.memory_space<hbm>>
        tpu.enqueue_indirect_dma source(%dma_start3A_113 : memref<10240x64xf32, #tpu.memory_space<hbm>>) target(%arg9 : memref<128x64xf32, #tpu.memory_space<vmem>>) offsets(%dma_start3A_110 : memref<128xi32, #tpu.memory_space<vmem>>) semaphore(%arg15 : memref<!tpu.dma_semaphore, #tpu.memory_space<semaphore_mem>>)
      } else {
      }
      %add3A_78 = arith.constant 2 : i32
      %add3A_79 = arith.addi %mul3A_51, %add3A_78 : i32
      %dma_wait3A_80 = arith.constant 0 : i32
      %dma_wait3A_81 = tpu.memref_slice %arg6[%add3A_79, %dma_wait3A_80] : memref<80x128xi32, #tpu.memory_space<vmem>> -> memref<1x128xi32, #tpu.memory_space<vmem>>
      %dma_wait3A_82 = tpu.memref_squeeze %dma_wait3A_81 : memref<1x128xi32, #tpu.memory_space<vmem>> -> memref<128xi32, #tpu.memory_space<vmem>>
      %dma_wait3A_83 = arith.constant 0 : i32
      %dma_wait3A_84 = arith.constant 0 : i32
      %dma_wait3A_85 = tpu.memref_slice %arg2[%dma_wait3A_83, %dma_wait3A_84] : memref<10240x64xf32, #tpu.memory_space<hbm>> -> memref<10240x64xf32, #tpu.memory_space<hbm>>
      tpu.wait_indirect_dma semaphore(%arg16 : memref<!tpu.dma_semaphore, #tpu.memory_space<semaphore_mem>>) src(%dma_wait3A_85 : memref<10240x64xf32, #tpu.memory_space<hbm>>) dst(%arg10 : memref<128x64xf32, #tpu.memory_space<vmem>>)
      "tpu.region"() ({
        %run_scoped3A = tpu.sem_alloc : memref<!tpu.dma_semaphore, #tpu.memory_space<semaphore_mem>>
        %dma_start3A_108 = arith.constant 0 : i32
        %dma_start3A_109 = tpu.memref_slice %arg7[%add3A_79, %dma_start3A_108] : memref<80x128xi32, #tpu.memory_space<vmem>> -> memref<1x128xi32, #tpu.memory_space<vmem>>
        %dma_start3A_110 = tpu.memref_squeeze %dma_start3A_109 : memref<1x128xi32, #tpu.memory_space<vmem>> -> memref<128xi32, #tpu.memory_space<vmem>>
        %dma_start3A_111 = arith.constant 0 : i32
        %dma_start3A_112 = arith.constant 0 : i32
        %dma_start3A_113 = tpu.memref_slice %arg13[%dma_start3A_111, %dma_start3A_112] : memref<10240x64xf32, #tpu.memory_space<vmem_shared>> -> memref<10240x64xf32, #tpu.memory_space<vmem_shared>>
        tpu.enqueue_indirect_dma source(%arg10 : memref<128x64xf32, #tpu.memory_space<vmem>>) target(%dma_start3A_113 : memref<10240x64xf32, #tpu.memory_space<vmem_shared>>) offsets(%dma_start3A_110 : memref<128xi32, #tpu.memory_space<vmem>>) semaphore(%run_scoped3A : memref<!tpu.dma_semaphore, #tpu.memory_space<semaphore_mem>>) {add = true}
        %dma_wait3A_114 = arith.constant 0 : i32
        %dma_wait3A_115 = tpu.memref_slice %arg7[%add3A_79, %dma_wait3A_114] : memref<80x128xi32, #tpu.memory_space<vmem>> -> memref<1x128xi32, #tpu.memory_space<vmem>>
        %dma_wait3A_116 = tpu.memref_squeeze %dma_wait3A_115 : memref<1x128xi32, #tpu.memory_space<vmem>> -> memref<128xi32, #tpu.memory_space<vmem>>
        %dma_wait3A_117 = arith.constant 0 : i32
        %dma_wait3A_118 = arith.constant 0 : i32
        %dma_wait3A_119 = tpu.memref_slice %arg13[%dma_wait3A_117, %dma_wait3A_118] : memref<10240x64xf32, #tpu.memory_space<vmem_shared>> -> memref<10240x64xf32, #tpu.memory_space<vmem_shared>>
        tpu.wait_indirect_dma semaphore(%run_scoped3A : memref<!tpu.dma_semaphore, #tpu.memory_space<semaphore_mem>>) src(%arg10 : memref<128x64xf32, #tpu.memory_space<vmem>>) dst(%dma_wait3A_119 : memref<10240x64xf32, #tpu.memory_space<vmem_shared>>)
        tpu.yield
      }) : () -> ()
      %add3A_86 = arith.constant 4 : i32
      %add3A_87 = arith.addi %add3A_79, %add3A_86 : i32
      %lt3A_88 = arith.constant 80 : i32
      %lt3A_89 = arith.cmpi slt, %add3A_87, %lt3A_88 : i32
      %convert_element_type3A_90 = arith.extui %lt3A_89 : i1 to i32
      %cond3A_91 = arith.constant 0 : i32
      %cond3A_92 = arith.cmpi ne, %convert_element_type3A_90, %cond3A_91 : i32
      scf.if %cond3A_92 {
        %dma_start3A_108 = arith.constant 0 : i32
        %dma_start3A_109 = tpu.memref_slice %arg6[%add3A_87, %dma_start3A_108] : memref<80x128xi32, #tpu.memory_space<vmem>> -> memref<1x128xi32, #tpu.memory_space<vmem>>
        %dma_start3A_110 = tpu.memref_squeeze %dma_start3A_109 : memref<1x128xi32, #tpu.memory_space<vmem>> -> memref<128xi32, #tpu.memory_space<vmem>>
        %dma_start3A_111 = arith.constant 0 : i32
        %dma_start3A_112 = arith.constant 0 : i32
        %dma_start3A_113 = tpu.memref_slice %arg2[%dma_start3A_111, %dma_start3A_112] : memref<10240x64xf32, #tpu.memory_space<hbm>> -> memref<10240x64xf32, #tpu.memory_space<hbm>>
        tpu.enqueue_indirect_dma source(%dma_start3A_113 : memref<10240x64xf32, #tpu.memory_space<hbm>>) target(%arg10 : memref<128x64xf32, #tpu.memory_space<vmem>>) offsets(%dma_start3A_110 : memref<128xi32, #tpu.memory_space<vmem>>) semaphore(%arg16 : memref<!tpu.dma_semaphore, #tpu.memory_space<semaphore_mem>>)
      } else {
      }
      %add3A_93 = arith.constant 3 : i32
      %add3A_94 = arith.addi %mul3A_51, %add3A_93 : i32
      %dma_wait3A_95 = arith.constant 0 : i32
      %dma_wait3A_96 = tpu.memref_slice %arg6[%add3A_94, %dma_wait3A_95] : memref<80x128xi32, #tpu.memory_space<vmem>> -> memref<1x128xi32, #tpu.memory_space<vmem>>
      %dma_wait3A_97 = tpu.memref_squeeze %dma_wait3A_96 : memref<1x128xi32, #tpu.memory_space<vmem>> -> memref<128xi32, #tpu.memory_space<vmem>>
      %dma_wait3A_98 = arith.constant 0 : i32
      %dma_wait3A_99 = arith.constant 0 : i32
      %dma_wait3A_100 = tpu.memref_slice %arg2[%dma_wait3A_98, %dma_wait3A_99] : memref<10240x64xf32, #tpu.memory_space<hbm>> -> memref<10240x64xf32, #tpu.memory_space<hbm>>
      tpu.wait_indirect_dma semaphore(%arg17 : memref<!tpu.dma_semaphore, #tpu.memory_space<semaphore_mem>>) src(%dma_wait3A_100 : memref<10240x64xf32, #tpu.memory_space<hbm>>) dst(%arg11 : memref<128x64xf32, #tpu.memory_space<vmem>>)
      "tpu.region"() ({
        %run_scoped3A = tpu.sem_alloc : memref<!tpu.dma_semaphore, #tpu.memory_space<semaphore_mem>>
        %dma_start3A_108 = arith.constant 0 : i32
        %dma_start3A_109 = tpu.memref_slice %arg7[%add3A_94, %dma_start3A_108] : memref<80x128xi32, #tpu.memory_space<vmem>> -> memref<1x128xi32, #tpu.memory_space<vmem>>
        %dma_start3A_110 = tpu.memref_squeeze %dma_start3A_109 : memref<1x128xi32, #tpu.memory_space<vmem>> -> memref<128xi32, #tpu.memory_space<vmem>>
        %dma_start3A_111 = arith.constant 0 : i32
        %dma_start3A_112 = arith.constant 0 : i32
        %dma_start3A_113 = tpu.memref_slice %arg13[%dma_start3A_111, %dma_start3A_112] : memref<10240x64xf32, #tpu.memory_space<vmem_shared>> -> memref<10240x64xf32, #tpu.memory_space<vmem_shared>>
        tpu.enqueue_indirect_dma source(%arg11 : memref<128x64xf32, #tpu.memory_space<vmem>>) target(%dma_start3A_113 : memref<10240x64xf32, #tpu.memory_space<vmem_shared>>) offsets(%dma_start3A_110 : memref<128xi32, #tpu.memory_space<vmem>>) semaphore(%run_scoped3A : memref<!tpu.dma_semaphore, #tpu.memory_space<semaphore_mem>>) {add = true}
        %dma_wait3A_114 = arith.constant 0 : i32
        %dma_wait3A_115 = tpu.memref_slice %arg7[%add3A_94, %dma_wait3A_114] : memref<80x128xi32, #tpu.memory_space<vmem>> -> memref<1x128xi32, #tpu.memory_space<vmem>>
        %dma_wait3A_116 = tpu.memref_squeeze %dma_wait3A_115 : memref<1x128xi32, #tpu.memory_space<vmem>> -> memref<128xi32, #tpu.memory_space<vmem>>
        %dma_wait3A_117 = arith.constant 0 : i32
        %dma_wait3A_118 = arith.constant 0 : i32
        %dma_wait3A_119 = tpu.memref_slice %arg13[%dma_wait3A_117, %dma_wait3A_118] : memref<10240x64xf32, #tpu.memory_space<vmem_shared>> -> memref<10240x64xf32, #tpu.memory_space<vmem_shared>>
        tpu.wait_indirect_dma semaphore(%run_scoped3A : memref<!tpu.dma_semaphore, #tpu.memory_space<semaphore_mem>>) src(%arg11 : memref<128x64xf32, #tpu.memory_space<vmem>>) dst(%dma_wait3A_119 : memref<10240x64xf32, #tpu.memory_space<vmem_shared>>)
        tpu.yield
      }) : () -> ()
      %add3A_101 = arith.constant 4 : i32
      %add3A_102 = arith.addi %add3A_94, %add3A_101 : i32
      %lt3A_103 = arith.constant 80 : i32
      %lt3A_104 = arith.cmpi slt, %add3A_102, %lt3A_103 : i32
      %convert_element_type3A_105 = arith.extui %lt3A_104 : i1 to i32
      %cond3A_106 = arith.constant 0 : i32
      %cond3A_107 = arith.cmpi ne, %convert_element_type3A_105, %cond3A_106 : i32
      scf.if %cond3A_107 {
        %dma_start3A_108 = arith.constant 0 : i32
        %dma_start3A_109 = tpu.memref_slice %arg6[%add3A_102, %dma_start3A_108] : memref<80x128xi32, #tpu.memory_space<vmem>> -> memref<1x128xi32, #tpu.memory_space<vmem>>
        %dma_start3A_110 = tpu.memref_squeeze %dma_start3A_109 : memref<1x128xi32, #tpu.memory_space<vmem>> -> memref<128xi32, #tpu.memory_space<vmem>>
        %dma_start3A_111 = arith.constant 0 : i32
        %dma_start3A_112 = arith.constant 0 : i32
        %dma_start3A_113 = tpu.memref_slice %arg2[%dma_start3A_111, %dma_start3A_112] : memref<10240x64xf32, #tpu.memory_space<hbm>> -> memref<10240x64xf32, #tpu.memory_space<hbm>>
        tpu.enqueue_indirect_dma source(%dma_start3A_113 : memref<10240x64xf32, #tpu.memory_space<hbm>>) target(%arg11 : memref<128x64xf32, #tpu.memory_space<vmem>>) offsets(%dma_start3A_110 : memref<128xi32, #tpu.memory_space<vmem>>) semaphore(%arg17 : memref<!tpu.dma_semaphore, #tpu.memory_space<semaphore_mem>>)
      } else {
      }
    }
    %scan3A_47 = arith.constant 20 : i32
    %barrier3A_48 = arith.constant 0 : index
    tpu.barrier barrier_id(%barrier3A_48)
    "tpu.region"() ({
      %run_scoped3A = tpu.sem_alloc : memref<!tpu.dma_semaphore, #tpu.memory_space<semaphore_mem>>
      %dma_start3A_49 = arith.constant 0 : i32
      %dma_start3A_50 = tpu.memref_slice %arg5[%arg0, %mul3A_8, %dma_start3A_49] : memref<2x10240x64xf32, #tpu.memory_space<hbm>> -> memref<1x640x64xf32, #tpu.memory_space<hbm>>
      %dma_start3A_51 = tpu.memref_squeeze %dma_start3A_50 : memref<1x640x64xf32, #tpu.memory_space<hbm>> -> memref<640x64xf32, #tpu.memory_space<hbm>>
      %dma_start3A_52 = arith.constant 0 : i32
      %dma_start3A_53 = tpu.memref_slice %arg13[%mul3A_8, %dma_start3A_52] : memref<10240x64xf32, #tpu.memory_space<vmem_shared>> -> memref<640x64xf32, #tpu.memory_space<vmem_shared>>
      tpu.enqueue_dma source(%dma_start3A_53 : memref<640x64xf32, #tpu.memory_space<vmem_shared>>) target(%dma_start3A_51 : memref<640x64xf32, #tpu.memory_space<hbm>>) target_semaphore(%run_scoped3A : memref<!tpu.dma_semaphore, #tpu.memory_space<semaphore_mem>>)
      %dma_wait3A = arith.constant 0 : i32
      %dma_wait3A_54 = tpu.memref_slice %arg5[%arg0, %mul3A_8, %dma_wait3A] : memref<2x10240x64xf32, #tpu.memory_space<hbm>> -> memref<1x640x64xf32, #tpu.memory_space<hbm>>
      %dma_wait3A_55 = tpu.memref_squeeze %dma_wait3A_54 : memref<1x640x64xf32, #tpu.memory_space<hbm>> -> memref<640x64xf32, #tpu.memory_space<hbm>>
      %dma_wait3A_56 = arith.constant 0 : i32
      %dma_wait3A_57 = tpu.memref_slice %arg13[%mul3A_8, %dma_wait3A_56] : memref<10240x64xf32, #tpu.memory_space<vmem_shared>> -> memref<640x64xf32, #tpu.memory_space<vmem_shared>>
      tpu.wait_dma2 semaphore(%run_scoped3A : memref<!tpu.dma_semaphore, #tpu.memory_space<semaphore_mem>>) src(%dma_wait3A_57 : memref<640x64xf32, #tpu.memory_space<vmem_shared>>) dst(%dma_wait3A_55 : memref<640x64xf32, #tpu.memory_space<hbm>>)
      tpu.yield
    }) : () -> ()
    return
  }
}

module attributes {stable_mosaic.version = 14 : i64} {
  func.func @body(%arg0: i32, %arg1: memref<320x128xf32, #tpu.memory_space<vmem>>, %arg2: memref<2x320x16xf32, #tpu.memory_space<vmem>>, %arg3: memref<128x128xf32, #tpu.memory_space<vmem>>, %arg4: memref<320x64xf32, #tpu.memory_space<vmem>>, %arg5: memref<320x64xf32, #tpu.memory_space<vmem>>) attributes {dimension_semantics = [#tpu.dimension_semantics<arbitrary>], iteration_bounds = array<i64: 32>, scalar_prefetch = 0 : i64, scratch_operands = 0 : i64, tpu.core_type = #tpu.core_type<tc>, window_params = [{transform_indices = @transform_0, window_bounds = array<i64: 320, 128>}, {transform_indices = @transform_1, window_bounds = array<i64: 2, 320, 16>}, {pipeline_mode = #tpu.pipeline_mode<synchronous>, transform_indices = @transform_2, window_bounds = array<i64: 128, 128>}, {transform_indices = @transform_3, window_bounds = array<i64: 320, 64>}, {transform_indices = @transform_4, window_bounds = array<i64: 320, 64>}]} {
    %get3A = arith.constant 0 : index
    %get3A_0 = arith.constant 0 : index
    %get3A_1 = arith.constant 0 : index
    %get3A_2 = vector.load %arg2[%get3A, %get3A_0, %get3A_1] : memref<2x320x16xf32, #tpu.memory_space<vmem>>, vector<2x320x16xf32>
    %slice3A = vector.extract_strided_slice %get3A_2 {offsets = [0, 0, 0], sizes = [1, 320, 1], strides = [1, 1, 1]} : vector<2x320x16xf32> to vector<1x320x1xf32>
    %squeeze3A = vector.shape_cast %slice3A : vector<1x320x1xf32> to vector<320xf32>
    %slice3A_3 = vector.extract_strided_slice %get3A_2 {offsets = [1, 0, 0], sizes = [1, 320, 1], strides = [1, 1, 1]} : vector<2x320x16xf32> to vector<1x320x1xf32>
    %squeeze3A_4 = vector.shape_cast %slice3A_3 : vector<1x320x1xf32> to vector<320xf32>
    %add3A = arith.addf %squeeze3A, %squeeze3A_4 : vector<320xf32>
    %gt3A = arith.constant 0.000000e+00 : f32
    %gt3A_5 = vector.broadcast %gt3A : f32 to vector<320xf32>
    %gt3A_6 = arith.cmpf ogt, %add3A, %gt3A_5 : vector<320xf32>
    %jit3A = arith.constant 1.000000e+00 : f32
    %broadcast_in_dim3A = vector.broadcast %jit3A : f32 to vector<320xf32>
    %select_n3A = arith.select %gt3A_6, %add3A, %broadcast_in_dim3A : vector<320xi1>, vector<320xf32>
    %rsqrt3A = math.rsqrt %select_n3A : vector<320xf32>
    %get3A_7 = arith.constant 0 : index
    %get3A_8 = arith.constant 0 : index
    %get3A_9 = vector.load %arg1[%get3A_7, %get3A_8] : memref<320x128xf32, #tpu.memory_space<vmem>>, vector<320x128xf32>
    %broadcast_in_dim3A_10 = vector.shape_cast %rsqrt3A : vector<320xf32> to vector<320x1xf32>
    %mul3A = vector.broadcast %broadcast_in_dim3A_10 : vector<320x1xf32> to vector<320x128xf32>
    %mul3A_11 = arith.mulf %get3A_9, %mul3A : vector<320x128xf32>
    %get3A_12 = arith.constant 0 : index
    %get3A_13 = arith.constant 0 : index
    %get3A_14 = vector.load %arg3[%get3A_12, %get3A_13] : memref<128x128xf32, #tpu.memory_space<vmem>>, vector<128x128xf32>
    %dot_general3A = arith.constant dense<0.000000e+00> : vector<320x128xf32>
    %dot_general3A_15 = tpu.matmul %mul3A_11, %get3A_14, %dot_general3A {dimension_numbers = #tpu.dot_dimension_numbers<[1], [0], [0], [1], [0, 0, 1, 1], [], []>, transpose_lhs_hint = false} : vector<320x128xf32>, vector<128x128xf32>, vector<320x128xf32> -> vector<320x128xf32>
    %slice3A_16 = vector.extract_strided_slice %dot_general3A_15 {offsets = [0, 0], sizes = [320, 64], strides = [1, 1]} : vector<320x128xf32> to vector<320x64xf32>
    %swap3A = arith.constant 0 : index
    %swap3A_17 = arith.constant 0 : index
    %swap3A_18 = vector.load %arg4[%swap3A, %swap3A_17] : memref<320x64xf32, #tpu.memory_space<vmem>>, vector<320x64xf32>
    tpu.vector_store %arg4[%swap3A, %swap3A_17], %slice3A_16 {strides = array<i32>} : memref<320x64xf32, #tpu.memory_space<vmem>>, vector<320x64xf32>,
    %slice3A_19 = vector.extract_strided_slice %dot_general3A_15 {offsets = [0, 64], sizes = [320, 64], strides = [1, 1]} : vector<320x128xf32> to vector<320x64xf32>
    %swap3A_20 = arith.constant 0 : index
    %swap3A_21 = arith.constant 0 : index
    %swap3A_22 = vector.load %arg5[%swap3A_20, %swap3A_21] : memref<320x64xf32, #tpu.memory_space<vmem>>, vector<320x64xf32>
    tpu.vector_store %arg5[%swap3A_20, %swap3A_21], %slice3A_19 {strides = array<i32>} : memref<320x64xf32, #tpu.memory_space<vmem>>, vector<320x64xf32>,
    return
  }
  func.func @transform_0(%arg0: i32) -> (i32, i32) {
    %c0_i32 = arith.constant 0 : i32
    %c0_i32_0 = arith.constant 0 : i32
    return %arg0, %c0_i32 : i32, i32
  }
  func.func @transform_1(%arg0: i32) -> (i32, i32, i32) {
    %c0_i32 = arith.constant 0 : i32
    %c0_i32_0 = arith.constant 0 : i32
    %c0_i32_1 = arith.constant 0 : i32
    return %c0_i32, %arg0, %c0_i32_0 : i32, i32, i32
  }
  func.func @transform_2(%arg0: i32) -> (i32, i32) {
    %c0_i32 = arith.constant 0 : i32
    %c0_i32_0 = arith.constant 0 : i32
    %c0_i32_1 = arith.constant 0 : i32
    return %c0_i32, %c0_i32_0 : i32, i32
  }
  func.func @transform_3(%arg0: i32) -> (i32, i32) {
    %c0_i32 = arith.constant 0 : i32
    %c0_i32_0 = arith.constant 0 : i32
    return %arg0, %c0_i32 : i32, i32
  }
  func.func @transform_4(%arg0: i32) -> (i32, i32) {
    %c0_i32 = arith.constant 0 : i32
    %c0_i32_0 = arith.constant 0 : i32
    return %arg0, %c0_i32 : i32, i32
  }
}

module attributes {stable_mosaic.version = 14 : i64} {
  func.func @body(%arg0: i32, %arg1: memref<2x320x64xf32, #tpu.memory_space<vmem>>, %arg2: memref<2x320x64xf32, #tpu.memory_space<vmem>>, %arg3: memref<2x320x16xf32, #tpu.memory_space<vmem>>, %arg4: memref<2x320x16xf32, #tpu.memory_space<vmem>>, %arg5: memref<1x128xf32, #tpu.memory_space<vmem>>, %arg6: memref<128x16xf32, #tpu.memory_space<vmem>>, %arg7: memref<320x16xf32, #tpu.memory_space<vmem>>) attributes {dimension_semantics = [#tpu.dimension_semantics<arbitrary>], iteration_bounds = array<i64: 32>, scalar_prefetch = 0 : i64, scratch_operands = 0 : i64, tpu.core_type = #tpu.core_type<tc>, window_params = [{transform_indices = @transform_0, window_bounds = array<i64: 2, 320, 64>}, {transform_indices = @transform_1, window_bounds = array<i64: 2, 320, 64>}, {transform_indices = @transform_2, window_bounds = array<i64: 2, 320, 16>}, {transform_indices = @transform_3, window_bounds = array<i64: 2, 320, 16>}, {pipeline_mode = #tpu.pipeline_mode<synchronous>, transform_indices = @transform_4, window_bounds = array<i64: 1, 128>}, {pipeline_mode = #tpu.pipeline_mode<synchronous>, transform_indices = @transform_5, window_bounds = array<i64: 128, 16>}, {transform_indices = @transform_6, window_bounds = array<i64: 320, 16>}]} {
    %get3A = arith.constant 0 : index
    %get3A_0 = arith.constant 0 : index
    %get3A_1 = arith.constant 0 : index
    %get3A_2 = vector.load %arg4[%get3A, %get3A_0, %get3A_1] : memref<2x320x16xf32, #tpu.memory_space<vmem>>, vector<2x320x16xf32>
    %slice3A = vector.extract_strided_slice %get3A_2 {offsets = [0, 0, 0], sizes = [1, 320, 1], strides = [1, 1, 1]} : vector<2x320x16xf32> to vector<1x320x1xf32>
    %squeeze3A = vector.shape_cast %slice3A : vector<1x320x1xf32> to vector<320xf32>
    %slice3A_3 = vector.extract_strided_slice %get3A_2 {offsets = [1, 0, 0], sizes = [1, 320, 1], strides = [1, 1, 1]} : vector<2x320x16xf32> to vector<1x320x1xf32>
    %squeeze3A_4 = vector.shape_cast %slice3A_3 : vector<1x320x1xf32> to vector<320xf32>
    %add3A = arith.addf %squeeze3A, %squeeze3A_4 : vector<320xf32>
    %gt3A = arith.constant 0.000000e+00 : f32
    %gt3A_5 = vector.broadcast %gt3A : f32 to vector<320xf32>
    %gt3A_6 = arith.cmpf ogt, %add3A, %gt3A_5 : vector<320xf32>
    %jit3A = arith.constant 1.000000e+00 : f32
    %broadcast_in_dim3A = vector.broadcast %jit3A : f32 to vector<320xf32>
    %select_n3A = arith.select %gt3A_6, %add3A, %broadcast_in_dim3A : vector<320xi1>, vector<320xf32>
    %rsqrt3A = math.rsqrt %select_n3A : vector<320xf32>
    %get3A_7 = arith.constant 0 : index
    %get3A_8 = arith.constant 0 : index
    %get3A_9 = arith.constant 0 : index
    %get3A_10 = vector.load %arg3[%get3A_7, %get3A_8, %get3A_9] : memref<2x320x16xf32, #tpu.memory_space<vmem>>, vector<2x320x16xf32>
    %slice3A_11 = vector.extract_strided_slice %get3A_10 {offsets = [0, 0, 0], sizes = [1, 320, 1], strides = [1, 1, 1]} : vector<2x320x16xf32> to vector<1x320x1xf32>
    %squeeze3A_12 = vector.shape_cast %slice3A_11 : vector<1x320x1xf32> to vector<320xf32>
    %slice3A_13 = vector.extract_strided_slice %get3A_10 {offsets = [1, 0, 0], sizes = [1, 320, 1], strides = [1, 1, 1]} : vector<2x320x16xf32> to vector<1x320x1xf32>
    %squeeze3A_14 = vector.shape_cast %slice3A_13 : vector<1x320x1xf32> to vector<320xf32>
    %add3A_15 = arith.addf %squeeze3A_12, %squeeze3A_14 : vector<320xf32>
    %gt3A_16 = arith.constant 0.000000e+00 : f32
    %gt3A_17 = vector.broadcast %gt3A_16 : f32 to vector<320xf32>
    %gt3A_18 = arith.cmpf ogt, %add3A_15, %gt3A_17 : vector<320xf32>
    %jit3A_19 = arith.constant 1.000000e+00 : f32
    %broadcast_in_dim3A_20 = vector.broadcast %jit3A_19 : f32 to vector<320xf32>
    %select_n3A_21 = arith.select %gt3A_18, %add3A_15, %broadcast_in_dim3A_20 : vector<320xi1>, vector<320xf32>
    %rsqrt3A_22 = math.rsqrt %select_n3A_21 : vector<320xf32>
    %get3A_23 = arith.constant 0 : index
    %get3A_24 = arith.constant 0 : index
    %get3A_25 = vector.load %arg5[%get3A_23, %get3A_24] : memref<1x128xf32, #tpu.memory_space<vmem>>, vector<1x128xf32>
    %get3A_26 = arith.constant 0 : index
    %get3A_27 = arith.constant 0 : index
    %get3A_28 = vector.load %arg6[%get3A_26, %get3A_27] : memref<128x16xf32, #tpu.memory_space<vmem>>, vector<128x16xf32>
    %get3A_29 = arith.constant 0 : index
    %get3A_30 = arith.constant 0 : index
    %get3A_31 = arith.constant 0 : index
    %get3A_32 = vector.load %arg1[%get3A_29, %get3A_30, %get3A_31] : memref<2x320x64xf32, #tpu.memory_space<vmem>>, vector<1x320x64xf32>
    %get3A_33 = vector.shape_cast %get3A_32 : vector<1x320x64xf32> to vector<320x64xf32>
    %get3A_34 = arith.constant 1 : index
    %get3A_35 = arith.constant 0 : index
    %get3A_36 = arith.constant 0 : index
    %get3A_37 = vector.load %arg1[%get3A_34, %get3A_35, %get3A_36] : memref<2x320x64xf32, #tpu.memory_space<vmem>>, vector<1x320x64xf32>
    %get3A_38 = vector.shape_cast %get3A_37 : vector<1x320x64xf32> to vector<320x64xf32>
    %add3A_39 = arith.addf %get3A_33, %get3A_38 : vector<320x64xf32>
    %broadcast_in_dim3A_40 = vector.shape_cast %rsqrt3A : vector<320xf32> to vector<320x1xf32>
    %mul3A = vector.broadcast %broadcast_in_dim3A_40 : vector<320x1xf32> to vector<320x64xf32>
    %mul3A_41 = arith.mulf %add3A_39, %mul3A : vector<320x64xf32>
    %slice3A_42 = vector.extract_strided_slice %get3A_25 {offsets = [0, 0], sizes = [1, 64], strides = [1, 1]} : vector<1x128xf32> to vector<1x64xf32>
    %add3A_43 = vector.broadcast %slice3A_42 : vector<1x64xf32> to vector<320x64xf32>
    %add3A_44 = arith.addf %mul3A_41, %add3A_43 : vector<320x64xf32>
    %max3A = arith.constant 0.000000e+00 : f32
    %max3A_45 = vector.broadcast %max3A : f32 to vector<320x64xf32>
    %max3A_46 = arith.maximumf %add3A_44, %max3A_45 : vector<320x64xf32>
    %get3A_47 = arith.constant 0 : index
    %get3A_48 = arith.constant 0 : index
    %get3A_49 = arith.constant 0 : index
    %get3A_50 = vector.load %arg2[%get3A_47, %get3A_48, %get3A_49] : memref<2x320x64xf32, #tpu.memory_space<vmem>>, vector<1x320x64xf32>
    %get3A_51 = vector.shape_cast %get3A_50 : vector<1x320x64xf32> to vector<320x64xf32>
    %get3A_52 = arith.constant 1 : index
    %get3A_53 = arith.constant 0 : index
    %get3A_54 = arith.constant 0 : index
    %get3A_55 = vector.load %arg2[%get3A_52, %get3A_53, %get3A_54] : memref<2x320x64xf32, #tpu.memory_space<vmem>>, vector<1x320x64xf32>
    %get3A_56 = vector.shape_cast %get3A_55 : vector<1x320x64xf32> to vector<320x64xf32>
    %add3A_57 = arith.addf %get3A_51, %get3A_56 : vector<320x64xf32>
    %broadcast_in_dim3A_58 = vector.shape_cast %rsqrt3A : vector<320xf32> to vector<320x1xf32>
    %mul3A_59 = vector.broadcast %broadcast_in_dim3A_58 : vector<320x1xf32> to vector<320x64xf32>
    %mul3A_60 = arith.mulf %add3A_57, %mul3A_59 : vector<320x64xf32>
    %slice3A_61 = vector.extract_strided_slice %get3A_25 {offsets = [0, 64], sizes = [1, 64], strides = [1, 1]} : vector<1x128xf32> to vector<1x64xf32>
    %add3A_62 = vector.broadcast %slice3A_61 : vector<1x64xf32> to vector<320x64xf32>
    %add3A_63 = arith.addf %mul3A_60, %add3A_62 : vector<320x64xf32>
    %max3A_64 = arith.constant 0.000000e+00 : f32
    %max3A_65 = vector.broadcast %max3A_64 : f32 to vector<320x64xf32>
    %max3A_66 = arith.maximumf %add3A_63, %max3A_65 : vector<320x64xf32>
    %broadcast_in_dim3A_67 = vector.shape_cast %rsqrt3A_22 : vector<320xf32> to vector<320x1xf32>
    %mul3A_68 = vector.broadcast %broadcast_in_dim3A_67 : vector<320x1xf32> to vector<320x64xf32>
    %mul3A_69 = arith.mulf %max3A_46, %mul3A_68 : vector<320x64xf32>
    %slice3A_70 = vector.extract_strided_slice %get3A_28 {offsets = [0, 0], sizes = [64, 16], strides = [1, 1]} : vector<128x16xf32> to vector<64x16xf32>
    %dot_general3A = arith.constant dense<0.000000e+00> : vector<320x16xf32>
    %dot_general3A_71 = tpu.matmul %mul3A_69, %slice3A_70, %dot_general3A {dimension_numbers = #tpu.dot_dimension_numbers<[1], [0], [0], [1], [0, 0, 1, 1], [], []>, transpose_lhs_hint = false} : vector<320x64xf32>, vector<64x16xf32>, vector<320x16xf32> -> vector<320x16xf32>
    %broadcast_in_dim3A_72 = vector.shape_cast %rsqrt3A_22 : vector<320xf32> to vector<320x1xf32>
    %mul3A_73 = vector.broadcast %broadcast_in_dim3A_72 : vector<320x1xf32> to vector<320x64xf32>
    %mul3A_74 = arith.mulf %max3A_66, %mul3A_73 : vector<320x64xf32>
    %slice3A_75 = vector.extract_strided_slice %get3A_28 {offsets = [64, 0], sizes = [64, 16], strides = [1, 1]} : vector<128x16xf32> to vector<64x16xf32>
    %dot_general3A_76 = arith.constant dense<0.000000e+00> : vector<320x16xf32>
    %dot_general3A_77 = tpu.matmul %mul3A_74, %slice3A_75, %dot_general3A_76 {dimension_numbers = #tpu.dot_dimension_numbers<[1], [0], [0], [1], [0, 0, 1, 1], [], []>, transpose_lhs_hint = false} : vector<320x64xf32>, vector<64x16xf32>, vector<320x16xf32> -> vector<320x16xf32>
    %add3A_78 = arith.addf %dot_general3A_71, %dot_general3A_77 : vector<320x16xf32>
    %swap3A = arith.constant 0 : index
    %swap3A_79 = arith.constant 0 : index
    %swap3A_80 = vector.load %arg7[%swap3A, %swap3A_79] : memref<320x16xf32, #tpu.memory_space<vmem>>, vector<320x16xf32>
    tpu.vector_store %arg7[%swap3A, %swap3A_79], %add3A_78 {strides = array<i32>} : memref<320x16xf32, #tpu.memory_space<vmem>>, vector<320x16xf32>,
    return
  }
  func.func @transform_0(%arg0: i32) -> (i32, i32, i32) {
    %c0_i32 = arith.constant 0 : i32
    %c0_i32_0 = arith.constant 0 : i32
    %c0_i32_1 = arith.constant 0 : i32
    return %c0_i32, %arg0, %c0_i32_0 : i32, i32, i32
  }
  func.func @transform_1(%arg0: i32) -> (i32, i32, i32) {
    %c0_i32 = arith.constant 0 : i32
    %c0_i32_0 = arith.constant 0 : i32
    %c0_i32_1 = arith.constant 0 : i32
    return %c0_i32, %arg0, %c0_i32_0 : i32, i32, i32
  }
  func.func @transform_2(%arg0: i32) -> (i32, i32, i32) {
    %c0_i32 = arith.constant 0 : i32
    %c0_i32_0 = arith.constant 0 : i32
    %c0_i32_1 = arith.constant 0 : i32
    return %c0_i32, %arg0, %c0_i32_0 : i32, i32, i32
  }
  func.func @transform_3(%arg0: i32) -> (i32, i32, i32) {
    %c0_i32 = arith.constant 0 : i32
    %c0_i32_0 = arith.constant 0 : i32
    %c0_i32_1 = arith.constant 0 : i32
    return %c0_i32, %arg0, %c0_i32_0 : i32, i32, i32
  }
  func.func @transform_4(%arg0: i32) -> (i32, i32) {
    %c0_i32 = arith.constant 0 : i32
    %c0_i32_0 = arith.constant 0 : i32
    %c0_i32_1 = arith.constant 0 : i32
    return %c0_i32, %c0_i32_0 : i32, i32
  }
  func.func @transform_5(%arg0: i32) -> (i32, i32) {
    %c0_i32 = arith.constant 0 : i32
    %c0_i32_0 = arith.constant 0 : i32
    %c0_i32_1 = arith.constant 0 : i32
    return %c0_i32, %c0_i32_0 : i32, i32
  }
  func.func @transform_6(%arg0: i32) -> (i32, i32) {
    %c0_i32 = arith.constant 0 : i32
    %c0_i32_0 = arith.constant 0 : i32
    return %arg0, %c0_i32 : i32, i32
  }
}

module attributes {stable_mosaic.version = 14 : i64} {
  func.func @body(%arg0: i32, %arg1: memref<2x320x16xf32, #tpu.memory_space<vmem>>, %arg2: memref<2x320x16xf32, #tpu.memory_space<vmem>>, %arg3: memref<1x16xf32, #tpu.memory_space<vmem>>, %arg4: memref<320x16xf32, #tpu.memory_space<vmem>>) attributes {dimension_semantics = [#tpu.dimension_semantics<arbitrary>], iteration_bounds = array<i64: 32>, scalar_prefetch = 0 : i64, scratch_operands = 0 : i64, tpu.core_type = #tpu.core_type<tc>, window_params = [{transform_indices = @transform_0, window_bounds = array<i64: 2, 320, 16>}, {transform_indices = @transform_1, window_bounds = array<i64: 2, 320, 16>}, {pipeline_mode = #tpu.pipeline_mode<synchronous>, transform_indices = @transform_2, window_bounds = array<i64: 1, 16>}, {transform_indices = @transform_3, window_bounds = array<i64: 320, 16>}]} {
    %get3A = arith.constant 0 : index
    %get3A_0 = arith.constant 0 : index
    %get3A_1 = arith.constant 0 : index
    %get3A_2 = vector.load %arg2[%get3A, %get3A_0, %get3A_1] : memref<2x320x16xf32, #tpu.memory_space<vmem>>, vector<2x320x16xf32>
    %slice3A = vector.extract_strided_slice %get3A_2 {offsets = [0, 0, 0], sizes = [1, 320, 1], strides = [1, 1, 1]} : vector<2x320x16xf32> to vector<1x320x1xf32>
    %squeeze3A = vector.shape_cast %slice3A : vector<1x320x1xf32> to vector<320xf32>
    %slice3A_3 = vector.extract_strided_slice %get3A_2 {offsets = [1, 0, 0], sizes = [1, 320, 1], strides = [1, 1, 1]} : vector<2x320x16xf32> to vector<1x320x1xf32>
    %squeeze3A_4 = vector.shape_cast %slice3A_3 : vector<1x320x1xf32> to vector<320xf32>
    %add3A = arith.addf %squeeze3A, %squeeze3A_4 : vector<320xf32>
    %gt3A = arith.constant 0.000000e+00 : f32
    %gt3A_5 = vector.broadcast %gt3A : f32 to vector<320xf32>
    %gt3A_6 = arith.cmpf ogt, %add3A, %gt3A_5 : vector<320xf32>
    %jit3A = arith.constant 1.000000e+00 : f32
    %broadcast_in_dim3A = vector.broadcast %jit3A : f32 to vector<320xf32>
    %select_n3A = arith.select %gt3A_6, %add3A, %broadcast_in_dim3A : vector<320xi1>, vector<320xf32>
    %rsqrt3A = math.rsqrt %select_n3A : vector<320xf32>
    %get3A_7 = arith.constant 0 : index
    %get3A_8 = arith.constant 0 : index
    %get3A_9 = arith.constant 0 : index
    %get3A_10 = vector.load %arg1[%get3A_7, %get3A_8, %get3A_9] : memref<2x320x16xf32, #tpu.memory_space<vmem>>, vector<1x320x16xf32>
    %get3A_11 = vector.shape_cast %get3A_10 : vector<1x320x16xf32> to vector<320x16xf32>
    %get3A_12 = arith.constant 1 : index
    %get3A_13 = arith.constant 0 : index
    %get3A_14 = arith.constant 0 : index
    %get3A_15 = vector.load %arg1[%get3A_12, %get3A_13, %get3A_14] : memref<2x320x16xf32, #tpu.memory_space<vmem>>, vector<1x320x16xf32>
    %get3A_16 = vector.shape_cast %get3A_15 : vector<1x320x16xf32> to vector<320x16xf32>
    %add3A_17 = arith.addf %get3A_11, %get3A_16 : vector<320x16xf32>
    %broadcast_in_dim3A_18 = vector.shape_cast %rsqrt3A : vector<320xf32> to vector<320x1xf32>
    %mul3A = vector.broadcast %broadcast_in_dim3A_18 : vector<320x1xf32> to vector<320x16xf32>
    %mul3A_19 = arith.mulf %add3A_17, %mul3A : vector<320x16xf32>
    %get3A_20 = arith.constant 0 : index
    %get3A_21 = arith.constant 0 : index
    %get3A_22 = vector.load %arg3[%get3A_20, %get3A_21] : memref<1x16xf32, #tpu.memory_space<vmem>>, vector<1x16xf32>
    %add3A_23 = vector.broadcast %get3A_22 : vector<1x16xf32> to vector<320x16xf32>
    %add3A_24 = arith.addf %mul3A_19, %add3A_23 : vector<320x16xf32>
    %swap3A = arith.constant 0 : index
    %swap3A_25 = arith.constant 0 : index
    %swap3A_26 = vector.load %arg4[%swap3A, %swap3A_25] : memref<320x16xf32, #tpu.memory_space<vmem>>, vector<320x16xf32>
    tpu.vector_store %arg4[%swap3A, %swap3A_25], %add3A_24 {strides = array<i32>} : memref<320x16xf32, #tpu.memory_space<vmem>>, vector<320x16xf32>,
    return
  }
  func.func @transform_0(%arg0: i32) -> (i32, i32, i32) {
    %c0_i32 = arith.constant 0 : i32
    %c0_i32_0 = arith.constant 0 : i32
    %c0_i32_1 = arith.constant 0 : i32
    return %c0_i32, %arg0, %c0_i32_0 : i32, i32, i32
  }
  func.func @transform_1(%arg0: i32) -> (i32, i32, i32) {
    %c0_i32 = arith.constant 0 : i32
    %c0_i32_0 = arith.constant 0 : i32
    %c0_i32_1 = arith.constant 0 : i32
    return %c0_i32, %arg0, %c0_i32_0 : i32, i32, i32
  }
  func.func @transform_2(%arg0: i32) -> (i32, i32) {
    %c0_i32 = arith.constant 0 : i32
    %c0_i32_0 = arith.constant 0 : i32
    %c0_i32_1 = arith.constant 0 : i32
    return %c0_i32, %c0_i32_0 : i32, i32
  }
  func.func @transform_3(%arg0: i32) -> (i32, i32) {
    %c0_i32 = arith.constant 0 : i32
    %c0_i32_0 = arith.constant 0 : i32
    return %arg0, %c0_i32 : i32, i32
  }
}

</mosaic_0001>

<sc_bundles>
// kernel: kernel.12.cloned.1.call-start
scs
__scs_entry_jumppad:
0x0: {  	(pc) =	sbr.rel $0x88, $3  }
0x1: {  	(tag) =	ssettag $0x0;
	lr =	simm.s32 $0x1  }
0x2: {  	[smem:$0x3F9B] =	sst lr;
	_ =	strace $0xD0000000  }
0x3: {  	_ = 	snop  }
0x4: {  	_ = 	snop  }
0x5: {  	_ = 	snop  }
0x6: {  	_ = 	snop  }
0x7: {  	_ = 	snop  }
__scs_overlays_trampoline_lowered:
0x8: {  	[smem:$0x3FAA] =	sst s0  }
0x9: {  	[smem:$0x3FAB] =	sst s1  }
0xa: {  	[smem:$0x3FAC] =	sst s2  }
0xb: {  	[smem:$0x3FAD] =	sst s3  }
0xc: {  	[smem:$0x3FAE] =	sst s4  }
0xd: {  	[smem:$0x3FAF] =	sst s5  }
0xe: {  	[smem:$0x3FB0] =	sst s6  }
0xf: {  	[smem:$0x3FB1] =	sst s7  }
0x10: {  	[smem:$0x3FB2] =	sst s8  }
0x11: {  	[smem:$0x3FB3] =	sst s9;
	s0 =	simm.s32 @!p0 $0x0  }
0x12: {  	s1 =	sld [smem:$0x3F99];
	s0 =	simm.s32 @p0 $0x1  }
0x13: {  	[smem:$0x3FB4] =	sst s0;
	s0 =	simm.s32 @!p1 $0x0  }
0x14: {  	s2 =	sld [smem:$0x3F98];
	s0 =	simm.s32 @p1 $0x1  }
0x15: {  	[smem:$0x3FB5] =	sst s0;
	s0 =	simm.s32 @!p2 $0x0  }
0x16: {  	s3 =	sld [smem:$0x3FDB];
	s0 =	simm.s32 @p2 $0x1  }
0x17: {  	s4 =	simm.s32 $0x1BF5;
	[smem:$0x3FB7] =	sst s0  }
0x18: {  	s0 =	sld [smem:$0x3F9A];
	_ =	swait.ge [sflag:s4], $0x0  }
0x19: {  	s7 =	sld [smem:$0x3F9B]  }
0x1a: {  	s8 =	sadd.s32 $0xFFFFE003, lr  }
0x1b: {  	s9 =	sadd.s32 $0xFFFFFEF7, lr;
	s5 =	simm.s32 $0xFFFFFFFF;
	p2 =	slt.u32 s8, $0xFFFFF086  }
0x1c: {  	p1 =	slt.u32 s9, $0xF7A;
	s5 =	simm.s32 @!p2 $0x0  }
0x1d: {  	s5 =	simm.s32 @p1 $0x1;
	p0 =	seq.s32 s7, s2  }
0x1e: {  	s7 =	smul.u32 @!p0 $0xF7A, s2;
	p2 =	seq.s32 @!p0 s5, $0x0  }
0x1f: {  	s9 =	smul.u32 $0xF7A, s1;
	s8 =	simm.s32 @!p0 $0x1BF5;
	p2 =	por !p2, p0  }
0x20: {  	[sflag:s8] =	ssyncset.s32 @!p0 $0xFFFFF086;
	s6 =	sadd.s32 @!p0 s3, s7;
	s7 =	simm.s32 @!p0 $0x108  }
0x21: {  	s3 =	sadd.s32 s3, s9;
	s6 =	sadd.s32 @!p0 $0x88, s6;
	s7 =	simm.s32 @p2 $0x1082  }
0x22: {  	[simem:s7], [sflag:s8] =	dma.local @!p0 [hbm:s6], $0xF7A  }
0x23: {  	s9 =	sor.u32 $0xD0000000, s2;
	s6 =	simm.s32 $0x108;
	_ =	swait.ge @!p0 [sflag:s8], $0x0  }
0x24: {  	s3 =	sadd.s32 $0x88, s3;
	s6 =	simm.s32 @!p1 $0x1082;
	[sflag:s4] =	ssyncset.s32 $0xFFFFF086  }
0x25: {  	[simem:s6], [sflag:s4] =	dma.local [hbm:s3], $0xF7A  }
0x26: {  	[smem:$0x3F9B] =	sst s1;
	(tag) =	ssettag s2;
	_ =	strace s9  }
0x27: {  	s1 =	sld [smem:$0x3FAB]  }
0x28: {  	s2 =	sld [smem:$0x3FAC]  }
0x29: {  	s4 =	sld [smem:$0x3FAE]  }
0x2a: {  	p0 =	seq.s32 s5, $0x0;
	s5 =	sld [smem:$0x3FAF]  }
0x2b: {  	s6 =	sld [smem:$0x3FB0]  }
0x2c: {  	s7 =	sld [smem:$0x3FB1]  }
0x2d: {  	s3 =	simm.s32 $0x108;
	s8 =	sld [smem:$0x3FB2]  }
0x2e: {  	s3 =	simm.s32 @!p0 $0x1082;
	s9 =	sld [smem:$0x3FB3]  }
0x2f: {  	lr =	sadd.s32 s0, s3;
	s0 =	sld [smem:$0x3FAA]  }
0x30: {  	s3 =	sld [smem:$0x3FAD]  }
0x31: {  	[smem:$0x3FB6] =	sst s10  }
0x32: {  	s10 =	sld [smem:$0x3FB4];
	_ =	sdelay $0x3  }
0x33: {  	p0 =	seq.s32 s10, $0x1;
	s10 =	sld [smem:$0x3FB6];
	_ =	sdelay $0x3  }
0x34: {  	[smem:$0x3FB6] =	sst s10  }
0x35: {  	s10 =	sld [smem:$0x3FB5];
	_ =	sdelay $0x3  }
0x36: {  	p1 =	seq.s32 s10, $0x1;
	s10 =	sld [smem:$0x3FB6];
	_ =	sdelay $0x3  }
0x37: {  	[smem:$0x3FB6] =	sst s10  }
0x38: {  	s10 =	sld [smem:$0x3FB7]  }
0x39: {  	_ = 	snop;
	(pc) =	sbr.ind lr, $3  }
0x3a: {  	_ = 	snop  }
0x3b: {  	_ = 	snop  }
0x3c: {  	p2 =	seq.s32 s10, $0x1;
	s10 =	sld [smem:$0x3FB6]  }
0x3d: {  	_ =	shalt  }
0x3e: {  	_ =	shalt  }
0x3f: {  	_ =	shalt  }
0x40: {  	_ =	shalt  }
0x41: {  	_ =	shalt  }
0x42: {  	_ =	shalt  }
0x43: {  	_ =	shalt  }
0x44: {  	_ =	shalt  }
0x45: {  	_ =	shalt  }
0x46: {  	_ =	shalt  }
0x47: {  	_ =	shalt  }
0x48: {  	_ =	shalt  }
0x49: {  	_ =	shalt  }
0x4a: {  	_ =	shalt  }
0x4b: {  	_ =	shalt  }
0x4c: {  	_ =	shalt  }
0x4d: {  	_ =	shalt  }
0x4e: {  	_ =	shalt  }
0x4f: {  	_ =	shalt  }
0x50: {  	_ =	shalt  }
0x51: {  	_ =	shalt  }
0x52: {  	_ =	shalt  }
0x53: {  	_ =	shalt  }
0x54: {  	_ =	shalt  }
0x55: {  	_ =	shalt  }
0x56: {  	_ =	shalt  }
0x57: {  	_ =	shalt  }
0x58: {  	_ =	shalt  }
0x59: {  	_ =	shalt  }
0x5a: {  	_ =	shalt  }
0x5b: {  	_ =	shalt  }
0x5c: {  	_ =	shalt  }
0x5d: {  	_ =	shalt  }
0x5e: {  	_ =	shalt  }
0x5f: {  	_ =	shalt  }
0x60: {  	_ =	shalt  }
0x61: {  	_ =	shalt  }
0x62: {  	_ =	shalt  }
0x63: {  	_ =	shalt  }
0x64: {  	_ =	shalt  }
0x65: {  	_ =	shalt  }
0x66: {  	_ =	shalt  }
0x67: {  	_ =	shalt  }
0x68: {  	_ =	shalt  }
0x69: {  	_ =	shalt  }
0x6a: {  	_ =	shalt  }
0x6b: {  	_ =	shalt  }
0x6c: {  	_ =	shalt  }
0x6d: {  	_ =	shalt  }
0x6e: {  	_ =	shalt  }
0x6f: {  	_ =	shalt  }
0x70: {  	_ =	shalt  }
0x71: {  	_ =	shalt  }
0x72: {  	_ =	shalt  }
0x73: {  	_ =	shalt  }
0x74: {  	_ =	shalt  }
0x75: {  	_ =	shalt  }
0x76: {  	_ =	shalt  }
0x77: {  	_ =	shalt  }
0x78: {  	_ =	shalt  }
0x79: {  	_ =	shalt  }
0x7a: {  	_ =	shalt  }
0x7b: {  	_ =	shalt  }
0x7c: {  	_ =	shalt  }
0x7d: {  	_ =	shalt  }
0x7e: {  	_ =	shalt  }
0x7f: {  	_ =	shalt  }
0x80: {  	_ =	shalt  }
0x81: {  	_ =	shalt  }
0x82: {  	_ =	shalt  }
0x83: {  	_ =	shalt  }
0x84: {  	_ =	shalt  }
0x85: {  	_ =	shalt  }
0x86: {  	_ =	shalt  }
0x87: {  	_ =	shalt  }
.Lfunc_end0:
.L_simem_size_0:
called_computation.1_lowered:
.L_overlay_start_0:
0x88: {  	s2 =	sld [smem:$0x3FD9]  }
0x89: {  	s3 =	sld [smem:$0x3FFE];
	_ =	sdelay $0x1  }
0x8a: {  	s1 =	srdreg.scid  }
0x8b: {  	s0 =	sand.u32 $0x1, s1  }
0x8c: {  	s17 =	sshll.u32 s0, $0xA;
	s2 =	sadd.s32 s3, s2  }
0x8d: {  	s2 =	sadd.s32 s2, s17  }
0x8e: {  	[smem:$0x3FC2] =	sst s2  }
0x8f: {  	_ = 	snop  }
0x90: {  	(tm) =	ssettm $0x1  }
0x91: {  	s18 =	sld [smem:$0x3FFB];
	_ =	sdelay $0x3  }
0x92: {  	_ =	strace s18  }
0x93: {  	s2 =	sld [smem:$0x3FFC];
	_ =	sdelay $0x3  }
0x94: {  	_ =	strace s2  }
0x95: {  	s2 =	sld [smem:$0x3FFD];
	_ =	sdelay $0x3  }
0x96: {  	_ =	strace s2  }
0x97: {  	_ =	strace $0x8FFFFFFF  }
0x98: {  	s19 =	sld [smem:$0x3FDB];
	_ =	sdelay $0x1  }
0x99: {  	s20 =	simm.s32 $_scs_section_size  }
0x9a: {  	s4 =	simm.s32 $_size__tile_overlayer_lowered;
	s5 =	simm.s32 $_tile_overlayer_lowered  }
0x9b: {  	s6 =	simm.s32 $0x1BFF;
	s21 =	sshll.u32 s5, $0x1;
	s3 =	sadd.s32 s20, s19  }
0x9c: {  	s22 =	simm.s32 $0x0;
	s4 =	sshll.u32 s4, $0x1;
	s5 =	sadd.s32 s21, s3  }
0x9d: {  	[timem:s22], [sflag:s6] =	dma.local [hbm:s5], s4  }
0x9e: {  	_ =	swait.ge [sflag:s6], s4  }
0x9f: {  	s4 =	ssub.s32 $0x0, s4;
	[sflag:s6] =	ssyncset.done $0x0  }
0xa0: {  	[sflag:s6] =	ssyncadd.s32 s4;
	_ =	sdelay $0x1  }
0xa1: {  	s23 =	simm.s32 $0x1B8B  }
0xa2: {  	_ =	swait.ge [sflag:s23], $0x1  }
0xa3: {  	[sflag:s23] =	ssyncset.done $0x0  }
0xa4: {  	[sflag:s23] =	ssyncadd.s32 $0xFFFFFFFF  }
0xa5: {  	s4 =	sld [smem:$0x0]  }
0xa6: {  	s5 =	sand.u32 $0xFFFFFFFE, s1  }
0xa7: {  	p0 =	sne.s32 s1, s5  }
0xa8: {  	s5 =	sshll.u32 @p0 s5, $0xE  }
0xa9: {  	s5 =	sadd.s32 @p0 $0x11B8D, s5;
	s6 =	sshll.u32 @p0 s4, $0x11  }
0xaa: {  	s5 =	sor.u32 @p0 s6, s5  }
0xab: {  	[sflag:s5] =	ssyncadd.remote.s32 @p0 $0x1;
	_ =	sdelay $0x1  }
0xac: {  	s5 =	simm.s32 @p0 $0x1B8D  }
0xad: {  	_ =	swait.eq @p0 [sflag:s5], $0x1  }
0xae: {  	[sflag:s5] =	ssyncadd.s32 @p0 $0xFFFFFFFF  }
0xaf: {  	s6 =	sshll.u32 @!p0 s1, $0xE  }
0xb0: {  	s6 =	sor.u32 @!p0 $0x4000, s6;
	s5 =	simm.s32 @!p0 $0x1B8D  }
0xb1: {  	s4 =	sshll.u32 @!p0 s4, $0x11;
	s6 =	sadd.s32 @!p0 $0x11B8D, s6;
	_ =	swait.eq @!p0 [sflag:s5], $0x1  }
0xb2: {  	s4 =	sor.u32 @!p0 s4, s6;
	[sflag:s5] =	ssyncadd.s32 @!p0 $0xFFFFFFFF  }
0xb3: {  	s25 =	simm.s32 $0x1B8E;
	s24 =	sld [smem:$0x3FFE];
	[sflag:s4] =	ssyncadd.remote.s32 @!p0 $0x1  }
0xb4: {  	s26 =	simm.s32 $execute0_lowered;
	[smem:$0x3FD2] =	sst s25  }
0xb5: {  	s5 =	sshll.u32 s26, $0x1;
	_ =	strace $0x8000004C;
	[dreg:$0x1] =	wrdreg $0xFFFFFFFF  }
0xb6: {  	s28 =	simm.s32 $_size_execute0_lowered;
	s3 =	sadd.s32 s3, s5;
	[dreg:$0x0] =	wrdreg $0x0  }
0xb7: {  	s5 =	sshll.u32 s28, $0x1;
	[dreg:$0x2] =	wrdreg s3  }
0xb8: {  	[dreg:$0x3] =	wrdreg s5  }
0xb9: {  	[dreg:$0x4] =	wrdreg $0xC0  }
0xba: {  	_ =	task [dreg:s22], $0x5FFFF  }
0xbb: {  	[dreg:$0x1] =	wrdreg $0xFFFFFFFF  }
0xbc: {  	[dreg:$0x0] =	wrdreg $0x60  }
0xbd: {  	[dreg:$0x2] =	wrdreg s24  }
0xbe: {  	[dreg:$0x3] =	wrdreg $0xF0000  }
0xbf: {  	[dreg:$0x4] =	wrdreg $0x9  }
0xc0: {  	_ =	task.clear_ibuf [dreg:s22], $0x5FFFF;
	_ =	strace $0x9000004C  }
0xc1: {  	s29 =	simm.s32 $0x9;
	_ =	strace $0x8000004E  }
0xc2: {  	_ =	swait.ge [sflag:s29], $0x1  }
0xc3: {  	[sflag:s29] =	ssyncadd.s32 $0xFFFFFFFF  }
0xc4: {  	_ =	strace $0x9000004E  }
0xc5: {  	_ =	sfence  }
0xc6: {  	s30 =	sld [smem:$0x0];
	_ =	sdelay $0x2  }
0xc7: {  	s31 =	sshll.u32 s1, $0xD;
	s1 =	sshrl.u32 s1, $0x2  }
0xc8: {  	s4 =	sand.u32 $0x4000, s31;
	s1 =	sadd.s32 s1, s30  }
0xc9: {  	s0 =	sor.u32 s4, s0;
	s1 =	sshll.u32 s1, $0x11  }
0xca: {  	s0 =	sor.u32 s1, s0  }
0xcb: {  	s0 =	sadd.s32 $0x8F2B, s0  }
0xcc: {  	[sflag:s0] =	ssyncadd.remote.s32 $0x1  }
0xcd: {  	_ =	sfence.sel $0xFFFF  }
0xce: {  	[dreg:$0x0] =	wrdreg $0xFFFFFFFF;
	(pc) =	sbr.abs _section_cstart, $3  }
0xcf: {  	[dreg:$0x1] =	wrdreg $0xFFFFFFFF  }
0xd0: {  	_ =	task.clear_ibuf [dreg:s22], $0x2FFFF;
	_ =	strace $0x9FFFFFFF  }
0xd1: {  	(tm) =	ssettm $0x7FFFFFFF  }
tec
execute0_lowered:
.L_overlay_start_1:
0x0: {  	(tag) =	ssettag $0x1  }
0x1: {  	s0 =	rddreg [dreg:$0x0]  }
0x2: {  	s1 =	rddreg [dreg:$0x1];
	s2 =	srdreg.scid;
	s3 =	simm.s32 $0x0  }
0x3: {  	s7 =	stileid.u32;
	s14 =	simm.s32 $0xD000;
	s15 =	simm.s32 $0x5  }
0x4: {  	s17 =	simm.s32 $0x80;
	s18 =	simm.s32 $0x5000;
	s19 =	simm.s32 $0x7000  }
0x5: {  	s21 =	simm.s32 $0x9000;
	s23 =	simm.s32 $0xB000;
	s28 =	simm.s32 $0x3  }
0x6: {  	s29 =	simm.s32 $0x4;
	s30 =	simm.s32 $0x4E00;
	s31 =	simm.s32 $0x4E80  }
0x7: {  	s2 =	sand.u32 $0x1, s2;
	[smem:$0x7FF] =	sst s3;
	s9 =	smul.u32 $0xA000, s7  }
0x8: {  	s4 =	sshll.u32 s2, $0x4;
	s5 =	smul.u32 $0xA0000, s2;
	_ =	strace $0x8000004D  }
0x9: {  	s2 =	ssub.s32 $0x2, s2;
	s4 =	sor.u32 s7, s4;
	s7 =	smul.u32 $0x28000, s7  }
0xa: {  	s24 =	sshrl.u32 s2, $0x1;
	s26 =	sadd.s32 s9, s1;
	s6 =	smul.u32 $0x500, s4  }
0xb: {  	s4 =	sadd.s32 $0xB6000, s0;
	s5 =	sadd.s32 s9, s5;
	s2 =	ssub.s32 s2, s24  }
0xc: {  	s24 =	simm.s32 $0x1;
	s5 =	sshrl.u32 s5, $0x3;
	s25 =	sshrl.u32 s7, $0x2  }
0xd: {  	s9 =	smax.u32 s2, $0x1;
	s2 =	simm.s32 $0x4F80;
	s8 =	sadd.s32 s6, s0  }
0xe: {  	s0 =	sadd.s32 s5, s0;
	s5 =	sadd.s32 s25, s1;
	s25 =	sshrl.u32 s26, $0x3  }
0xf: {  	s26 =	simm.s32 $0x2;
	s6 =	sadd.s32 $0xC000, s8;
	s7 =	sadd.s32 $0x2000, s8  }
0x10: {  	s8 =	sadd.s32 $0xCA000, s0;
	s10 =	sadd.s32 $0x2000, s5;
	s11 =	sadd.s32 $0x4000, s5  }
0x11: {  	v0 =	vimm.f32 $0.0e+00;
	s12 =	sadd.s32 $0x6000, s5;
	s13 =	sadd.s32 $0x8000, s5;
	s0 =	simm.s32 $0x4F00  }
.LBB2_1:
0x12: {  	s20 =	simm.s32 $0x100;
	s16 =	simm.s32 $0x0  }
.LBB2_2:
0x13: {  	p0 =	sne.s32 s20, $0x7F00;
	[tilespmem:s16+$0xD030] =	vst v0;
	s22 =	smov.u32 s20;
	s20 =	sadd.s32 $0x100, s20  }
.Ltmp0:
0x14: {  	[tilespmem:s16+$0xD020] =	vst v0;
	(pc) =	sbr.rel @p0 .LBB2_2-.Ltmp0, $3  }
0x15: {  	[tilespmem:s16+$0xD000] =	vst v0  }
0x16: {  	[tilespmem:s16+$0xD010] =	vst v0;
	_ =	sdelay $0x1  }
0x17: {  	s16 =	sshra.s32 s22, $0x2  }
0x18: {  	[tilespmem:s16+$0xD030] =	vst v0  }
0x19: {  	[tilespmem:s16+$0xD020] =	vst v0  }
0x1a: {  	[tilespmem:s16+$0xD000] =	vst v0  }
0x1b: {  	[tilespmem:s16+$0xD010] =	vst v0  }
0x1c: {  	[spmem:s5] =	stream.linear.scatter [tilespmem:s14], [sflag:$0x5], $0x2000, $0x38;
	[tilespmem:$0x19000] =	vst v63  }
0x1d: {  	_ =	swait.ge [sflag:s15], $0x2000  }
0x1e: {  	[sflag:s15] =	ssyncset.done $0x0  }
0x1f: {  	[sflag:s15] =	ssyncadd.s32 $0xFFFFE000  }
0x20: {  	[spmem:s10] =	stream.linear.scatter [tilespmem:s14], [sflag:$0x5], $0x2000, $0x38;
	[tilespmem:$0x19000] =	vst v63  }
0x21: {  	_ =	swait.ge [sflag:s15], $0x2000  }
0x22: {  	[sflag:s15] =	ssyncset.done $0x0  }
0x23: {  	[sflag:s15] =	ssyncadd.s32 $0xFFFFE000  }
0x24: {  	[spmem:s11] =	stream.linear.scatter [tilespmem:s14], [sflag:$0x5], $0x2000, $0x38;
	[tilespmem:$0x19000] =	vst v63  }
0x25: {  	_ =	swait.ge [sflag:s15], $0x2000  }
0x26: {  	[sflag:s15] =	ssyncset.done $0x0  }
0x27: {  	[sflag:s15] =	ssyncadd.s32 $0xFFFFE000  }
0x28: {  	[spmem:s12] =	stream.linear.scatter [tilespmem:s14], [sflag:$0x5], $0x2000, $0x38;
	[tilespmem:$0x19000] =	vst v63  }
0x29: {  	_ =	swait.ge [sflag:s15], $0x2000  }
0x2a: {  	[sflag:s15] =	ssyncset.done $0x0  }
0x2b: {  	[sflag:s15] =	ssyncadd.s32 $0xFFFFE000  }
0x2c: {  	[spmem:s13] =	stream.linear.scatter [tilespmem:s14], [sflag:$0x5], $0x2000, $0x38;
	[tilespmem:$0x19000] =	vst v63  }
0x2d: {  	_ =	swait.ge [sflag:s15], $0x2000  }
0x2e: {  	[sflag:s15] =	ssyncset.done $0x0  }
0x2f: {  	[sflag:s15] =	ssyncadd.s32 $0xFFFFE000  }
0x30: {  	s22 =	simm.s32 $0x0;
	[bflag:$0x0] =	sbarrier.arrive $0xFFFF  }
0x31: {  	[tilespmem:s22], [sflag:$0x5] =	stream.linear.gather [hbm4b:s6+s22], $0x2800, $0x38;
	[tilespmem:$0x19000] =	vst v63  }
0x32: {  	_ =	swait.ge [sflag:s15], $0x2800  }
0x33: {  	[sflag:s15] =	ssyncset.done $0x0  }
0x34: {  	s20 =	simm.s32 $0x2800;
	[sflag:s15] =	ssyncadd.s32 $0xFFFFD800  }
0x35: {  	[tilespmem:s20], [sflag:$0x5] =	stream.linear.gather [hbm4b:s7+s22], $0x2800, $0x38;
	[tilespmem:$0x19000] =	vst v63  }
0x36: {  	_ =	swait.ge [sflag:s15], $0x2800  }
0x37: {  	[sflag:s15] =	ssyncset.done $0x0  }
0x38: {  	[sflag:s15] =	ssyncadd.s32 $0xFFFFD800  }
0x39: {  	[tilespmem:s18], [sflag:$0x1] =	stream.indirect.gather [hbm4b:s4+s17], $0x40, s22, s17, $0xb8;
	[tilespmem:$0x19000] =	vst v63  }
0x3a: {  	_ = 	snop  }
0x3b: {  	[tilespmem:s19], [sflag:$0x2] =	stream.indirect.gather [hbm4b:s4+s17], $0x40, s17, s17, $0xb8;
	[tilespmem:$0x19000] =	vst v63  }
0x3c: {  	s22 =	simm.s32 $0x100  }
0x3d: {  	[tilespmem:s21], [sflag:$0x3] =	stream.indirect.gather [hbm4b:s4+s17], $0x40, s22, s17, $0xb8;
	[tilespmem:$0x19000] =	vst v63  }
0x3e: {  	s20 =	simm.s32 $0x180  }
0x3f: {  	[tilespmem:s23], [sflag:$0x4] =	stream.indirect.gather [hbm4b:s4+s17], $0x40, s20, s17, $0xb8;
	[tilespmem:$0x19000] =	vst v63  }
0x40: {  	_ =	swait.ge [sflag:s24], $0x2000  }
0x41: {  	[sflag:s24] =	ssyncset.done $0x0  }
0x42: {  	s22 =	simm.s32 $0x2800;
	[sflag:s24] =	ssyncadd.s32 $0xFFFFE000  }
0x43: {  	[spmem:s1] =	stream.indirect.scatter.add.f32 [tilespmem:s18], [sflag:$0x5], $0x40, s22, s17, $0xb8;
	[tilespmem:$0x19000] =	vst v63  }
0x44: {  	_ =	swait.ge [sflag:s15], $0x2000  }
0x45: {  	[sflag:s15] =	ssyncset.done $0x0  }
0x46: {  	s20 =	simm.s32 $0x200;
	[sflag:s15] =	ssyncadd.s32 $0xFFFFE000  }
0x47: {  	[tilespmem:s18], [sflag:$0x1] =	stream.indirect.gather [hbm4b:s4+s17], $0x40, s20, s17, $0xb8;
	[tilespmem:$0x19000] =	vst v63  }
0x48: {  	_ =	swait.ge [sflag:s26], $0x2000  }
0x49: {  	[sflag:s26] =	ssyncset.done $0x0  }
0x4a: {  	s22 =	simm.s32 $0x2880;
	[sflag:s26] =	ssyncadd.s32 $0xFFFFE000  }
0x4b: {  	[spmem:s1] =	stream.indirect.scatter.add.f32 [tilespmem:s19], [sflag:$0x5], $0x40, s22, s17, $0xb8;
	[tilespmem:$0x19000] =	vst v63  }
0x4c: {  	_ =	swait.ge [sflag:s15], $0x2000  }
0x4d: {  	[sflag:s15] =	ssyncset.done $0x0  }
0x4e: {  	s20 =	simm.s32 $0x280;
	[sflag:s15] =	ssyncadd.s32 $0xFFFFE000  }
0x4f: {  	[tilespmem:s19], [sflag:$0x2] =	stream.indirect.gather [hbm4b:s4+s17], $0x40, s20, s17, $0xb8;
	[tilespmem:$0x19000] =	vst v63  }
0x50: {  	_ =	swait.ge [sflag:s28], $0x2000  }
0x51: {  	[sflag:s28] =	ssyncset.done $0x0  }
0x52: {  	s22 =	simm.s32 $0x2900;
	[sflag:s28] =	ssyncadd.s32 $0xFFFFE000  }
0x53: {  	[spmem:s1] =	stream.indirect.scatter.add.f32 [tilespmem:s21], [sflag:$0x5], $0x40, s22, s17, $0xb8;
	[tilespmem:$0x19000] =	vst v63  }
0x54: {  	_ =	swait.ge [sflag:s15], $0x2000  }
0x55: {  	[sflag:s15] =	ssyncset.done $0x0  }
0x56: {  	s20 =	simm.s32 $0x300;
	[sflag:s15] =	ssyncadd.s32 $0xFFFFE000  }
0x57: {  	[tilespmem:s21], [sflag:$0x3] =	stream.indirect.gather [hbm4b:s4+s17], $0x40, s20, s17, $0xb8;
	[tilespmem:$0x19000] =	vst v63  }
0x58: {  	_ =	swait.ge [sflag:s29], $0x2000  }
0x59: {  	[sflag:s29] =	ssyncset.done $0x0  }
0x5a: {  	s22 =	simm.s32 $0x2980;
	[sflag:s29] =	ssyncadd.s32 $0xFFFFE000  }
0x5b: {  	[spmem:s1] =	stream.indirect.scatter.add.f32 [tilespmem:s23], [sflag:$0x5], $0x40, s22, s17, $0xb8;
	[tilespmem:$0x19000] =	vst v63  }
0x5c: {  	_ =	swait.ge [sflag:s15], $0x2000  }
0x5d: {  	[sflag:s15] =	ssyncset.done $0x0  }
0x5e: {  	s16 =	simm.s32 $0x800;
	s20 =	simm.s32 $0x380;
	[sflag:s15] =	ssyncadd.s32 $0xFFFFE000  }
.LBB2_4:
0x5f: {  	[tilespmem:s23], [sflag:$0x4] =	stream.indirect.gather [hbm4b:s4+s17], $0x40, s20, s17, $0xb8;
	[tilespmem:$0x19000] =	vst v63  }
0x60: {  	s20 =	smov.u32 s16  }
0x61: {  	p0 =	sne.s32 s16, $0x9000;
	s16 =	sadd.s32 $0x800, s16;
	_ =	swait.ge [sflag:s24], $0x2000  }
0x62: {  	s20 =	sshra.s32 s20, $0x2;
	[sflag:s24] =	ssyncset.done $0x0  }
0x63: {  	s22 =	sadd.s32 $0x2800, s20;
	[sflag:s24] =	ssyncadd.s32 $0xFFFFE000  }
0x64: {  	[spmem:s1] =	stream.indirect.scatter.add.f32 [tilespmem:s18], [sflag:$0x5], $0x40, s22, s17, $0xb8;
	[tilespmem:$0x19000] =	vst v63  }
0x65: {  	_ =	swait.ge [sflag:s15], $0x2000  }
0x66: {  	[sflag:s15] =	ssyncset.done $0x0  }
0x67: {  	s22 =	sadd.s32 $0x200, s20;
	[sflag:s15] =	ssyncadd.s32 $0xFFFFE000  }
0x68: {  	[tilespmem:s18], [sflag:$0x1] =	stream.indirect.gather [hbm4b:s4+s17], $0x40, s22, s17, $0xb8;
	[tilespmem:$0x19000] =	vst v63  }
0x69: {  	_ =	swait.ge [sflag:s26], $0x2000  }
0x6a: {  	[sflag:s26] =	ssyncset.done $0x0  }
0x6b: {  	s22 =	sadd.s32 $0x2880, s20;
	[sflag:s26] =	ssyncadd.s32 $0xFFFFE000  }
0x6c: {  	[spmem:s1] =	stream.indirect.scatter.add.f32 [tilespmem:s19], [sflag:$0x5], $0x40, s22, s17, $0xb8;
	[tilespmem:$0x19000] =	vst v63  }
0x6d: {  	_ =	swait.ge [sflag:s15], $0x2000  }
0x6e: {  	[sflag:s15] =	ssyncset.done $0x0  }
0x6f: {  	s22 =	sadd.s32 $0x280, s20;
	[sflag:s15] =	ssyncadd.s32 $0xFFFFE000  }
0x70: {  	[tilespmem:s19], [sflag:$0x2] =	stream.indirect.gather [hbm4b:s4+s17], $0x40, s22, s17, $0xb8;
	[tilespmem:$0x19000] =	vst v63  }
0x71: {  	_ =	swait.ge [sflag:s28], $0x2000  }
0x72: {  	[sflag:s28] =	ssyncset.done $0x0  }
0x73: {  	s22 =	sadd.s32 $0x2900, s20;
	[sflag:s28] =	ssyncadd.s32 $0xFFFFE000  }
0x74: {  	[spmem:s1] =	stream.indirect.scatter.add.f32 [tilespmem:s21], [sflag:$0x5], $0x40, s22, s17, $0xb8;
	[tilespmem:$0x19000] =	vst v63  }
0x75: {  	_ =	swait.ge [sflag:s15], $0x2000  }
0x76: {  	[sflag:s15] =	ssyncset.done $0x0  }
0x77: {  	s22 =	sadd.s32 $0x300, s20;
	[sflag:s15] =	ssyncadd.s32 $0xFFFFE000  }
0x78: {  	[tilespmem:s21], [sflag:$0x3] =	stream.indirect.gather [hbm4b:s4+s17], $0x40, s22, s17, $0xb8;
	[tilespmem:$0x19000] =	vst v63  }
0x79: {  	_ =	swait.ge [sflag:s29], $0x2000  }
0x7a: {  	[sflag:s29] =	ssyncset.done $0x0  }
.Ltmp1:
0x7b: {  	s22 =	sadd.s32 $0x2980, s20;
	[sflag:s29] =	ssyncadd.s32 $0xFFFFE000;
	(pc) =	sbr.rel @p0 .LBB2_4-.Ltmp1, $4  }
0x7c: {  	[spmem:s1] =	stream.indirect.scatter.add.f32 [tilespmem:s23], [sflag:$0x5], $0x40, s22, s17, $0xb8;
	[tilespmem:$0x19000] =	vst v63  }
0x7d: {  	_ =	swait.ge [sflag:s15], $0x2000  }
0x7e: {  	[sflag:s15] =	ssyncset.done $0x0  }
0x7f: {  	s20 =	sadd.s32 $0x380, s20;
	[sflag:s15] =	ssyncadd.s32 $0xFFFFE000  }
0x80: {  	[tilespmem:s23], [sflag:$0x4] =	stream.indirect.gather [hbm4b:s4+s17], $0x40, s20, s17, $0xb8;
	[tilespmem:$0x19000] =	vst v63  }
0x81: {  	_ =	swait.ge [sflag:s24], $0x2000  }
0x82: {  	[sflag:s24] =	ssyncset.done $0x0  }
0x83: {  	[sflag:s24] =	ssyncadd.s32 $0xFFFFE000  }
0x84: {  	[spmem:s1] =	stream.indirect.scatter.add.f32 [tilespmem:s18], [sflag:$0x5], $0x40, s30, s17, $0xb8;
	[tilespmem:$0x19000] =	vst v63  }
0x85: {  	_ =	swait.ge [sflag:s15], $0x2000  }
0x86: {  	[sflag:s15] =	ssyncset.done $0x0  }
0x87: {  	[sflag:s15] =	ssyncadd.s32 $0xFFFFE000  }
0x88: {  	_ =	swait.ge [sflag:s26], $0x2000  }
0x89: {  	[sflag:s26] =	ssyncset.done $0x0  }
0x8a: {  	[sflag:s26] =	ssyncadd.s32 $0xFFFFE000  }
0x8b: {  	[spmem:s1] =	stream.indirect.scatter.add.f32 [tilespmem:s19], [sflag:$0x5], $0x40, s31, s17, $0xb8;
	[tilespmem:$0x19000] =	vst v63  }
0x8c: {  	_ =	swait.ge [sflag:s15], $0x2000  }
0x8d: {  	[sflag:s15] =	ssyncset.done $0x0  }
0x8e: {  	[sflag:s15] =	ssyncadd.s32 $0xFFFFE000  }
0x8f: {  	_ =	swait.ge [sflag:s28], $0x2000  }
0x90: {  	[sflag:s28] =	ssyncset.done $0x0  }
0x91: {  	[sflag:s28] =	ssyncadd.s32 $0xFFFFE000  }
0x92: {  	[spmem:s1] =	stream.indirect.scatter.add.f32 [tilespmem:s21], [sflag:$0x5], $0x40, s0, s17, $0xb8;
	[tilespmem:$0x19000] =	vst v63  }
0x93: {  	_ =	swait.ge [sflag:s15], $0x2000  }
0x94: {  	[sflag:s15] =	ssyncset.done $0x0  }
0x95: {  	[sflag:s15] =	ssyncadd.s32 $0xFFFFE000  }
0x96: {  	_ =	swait.ge [sflag:s29], $0x2000  }
0x97: {  	[sflag:s29] =	ssyncset.done $0x0  }
0x98: {  	[sflag:s29] =	ssyncadd.s32 $0xFFFFE000  }
0x99: {  	[spmem:s1] =	stream.indirect.scatter.add.f32 [tilespmem:s23], [sflag:$0x5], $0x40, s2, s17, $0xb8;
	[tilespmem:$0x19000] =	vst v63  }
0x9a: {  	_ =	swait.ge [sflag:s15], $0x2000  }
0x9b: {  	s16 =	stileid.u32;
	s3 =	sadd.s32 $0x1, s3;
	[sflag:s15] =	ssyncset.done $0x0  }
0x9c: {  	s16 =	sshll.u32 s16, $0x6;
	p0 =	sne.s32 s3, s9;
	[sflag:s15] =	ssyncadd.s32 $0xFFFFE000  }
.Ltmp2:
0x9d: {  	s16 =	sor.u32 $0x1C05, s16;
	[bflag:$0x0] =	sbarrier.arrive $0xFFFF;
	(pc) =	sbr.rel @p0 .LBB2_1-.Ltmp2, $4  }
0x9e: {  	[hbm:s8], [sflag:s16] =	dma.local [spmem:s25], $0x1400  }
0x9f: {  	_ =	swait.ge [sflag:s15], $0x1400  }
0xa0: {  	[sflag:s15] =	ssyncset.done $0x0  }
0xa1: {  	[sflag:s15] =	ssyncadd.s32 $0xFFFFEC00  }
0xa2: {  	_ =	sfence.sel $0x180000  }
0xa3: {  	[bflag:$0x0] =	sbarrier.arrive $0xFFFF  }
0xa4: {  	_ =	strace $0x9000004D  }
0xa5: {  	s0 =	stileid.u32;
	[bflag:$0x2] =	sbarrier.arrive $0xFFFF  }
0xa6: {  	p0 =	sne.s32 s0, $0x0;
	s0 =	rddreg [dreg:$0x2]  }
0xa7: {  	s0 =	sadd.s32 @!p0 $0x100000, s0  }
0xa8: {  	[sflag:s0] =	ssyncadd.tile.s32 @!p0 $0x1;
	_ =	shalt  }
.Lfunc_end2:
_tile_overlayer_lowered:
.L_overlay_start_2:
0xa9: {  	(tag) =	ssettag $0x2  }
0xaa: {  	s0 =	rddreg [dreg:$0x0];
	s2 =	stileid.u32  }
0xab: {  	s1 =	rddreg [dreg:$0x1];
	p0 =	sne.s32 s2, $0x0  }
0xac: {  	s3 =	rddreg [dreg:$0x2];
	[bflag:$0x3] =	sbarrier.arrive $0xFFFF;
	s2 =	simm.s32 @!p0 $0x1C05  }
0xad: {  	[timem:s3], [sflag:s2] =	dma.local @!p0 [hbm:s0], s1  }
0xae: {  	s0 =	simm.s32 @!p0 $0x5  }
0xaf: {  	_ =	swait.ge @!p0 [sflag:s0], s1  }
0xb0: {  	s1 =	ssub.s32 @!p0 $0x0, s1;
	[sflag:s0] =	ssyncset.done @!p0 $0x0  }
0xb1: {  	[sflag:s0] =	ssyncadd.s32 @!p0 s1  }
0xb2: {  	[bflag:$0x3] =	sbarrier.arrive $0xFFFF  }
0xb3: {  	_ =	shalt  }

// kernel: kernel.15.cloned.1.call-start
scs
__scs_entry_jumppad:
0x0: {  	(pc) =	sbr.rel $0x88, $3  }
0x1: {  	(tag) =	ssettag $0x0;
	lr =	simm.s32 $0x1  }
0x2: {  	[smem:$0x3F9B] =	sst lr;
	_ =	strace $0xD0000000  }
0x3: {  	_ = 	snop  }
0x4: {  	_ = 	snop  }
0x5: {  	_ = 	snop  }
0x6: {  	_ = 	snop  }
0x7: {  	_ = 	snop  }
__scs_overlays_trampoline_lowered:
0x8: {  	[smem:$0x3FAA] =	sst s0  }
0x9: {  	[smem:$0x3FAB] =	sst s1  }
0xa: {  	[smem:$0x3FAC] =	sst s2  }
0xb: {  	[smem:$0x3FAD] =	sst s3  }
0xc: {  	[smem:$0x3FAE] =	sst s4  }
0xd: {  	[smem:$0x3FAF] =	sst s5  }
0xe: {  	[smem:$0x3FB0] =	sst s6  }
0xf: {  	[smem:$0x3FB1] =	sst s7  }
0x10: {  	[smem:$0x3FB2] =	sst s8  }
0x11: {  	[smem:$0x3FB3] =	sst s9;
	s0 =	simm.s32 @!p0 $0x0  }
0x12: {  	s1 =	sld [smem:$0x3F99];
	s0 =	simm.s32 @p0 $0x1  }
0x13: {  	[smem:$0x3FB4] =	sst s0;
	s0 =	simm.s32 @!p1 $0x0  }
0x14: {  	s2 =	sld [smem:$0x3F98];
	s0 =	simm.s32 @p1 $0x1  }
0x15: {  	[smem:$0x3FB5] =	sst s0;
	s0 =	simm.s32 @!p2 $0x0  }
0x16: {  	s3 =	sld [smem:$0x3FDB];
	s0 =	simm.s32 @p2 $0x1  }
0x17: {  	s4 =	simm.s32 $0x1BF5;
	[smem:$0x3FB7] =	sst s0  }
0x18: {  	s0 =	sld [smem:$0x3F9A];
	_ =	swait.ge [sflag:s4], $0x0  }
0x19: {  	s7 =	sld [smem:$0x3F9B]  }
0x1a: {  	s8 =	sadd.s32 $0xFFFFE003, lr  }
0x1b: {  	s9 =	sadd.s32 $0xFFFFFEF7, lr;
	s5 =	simm.s32 $0xFFFFFFFF;
	p2 =	slt.u32 s8, $0xFFFFF086  }
0x1c: {  	p1 =	slt.u32 s9, $0xF7A;
	s5 =	simm.s32 @!p2 $0x0  }
0x1d: {  	s5 =	simm.s32 @p1 $0x1;
	p0 =	seq.s32 s7, s2  }
0x1e: {  	s7 =	smul.u32 @!p0 $0xF7A, s2;
	p2 =	seq.s32 @!p0 s5, $0x0  }
0x1f: {  	s9 =	smul.u32 $0xF7A, s1;
	s8 =	simm.s32 @!p0 $0x1BF5;
	p2 =	por !p2, p0  }
0x20: {  	[sflag:s8] =	ssyncset.s32 @!p0 $0xFFFFF086;
	s6 =	sadd.s32 @!p0 s3, s7;
	s7 =	simm.s32 @!p0 $0x108  }
0x21: {  	s3 =	sadd.s32 s3, s9;
	s6 =	sadd.s32 @!p0 $0x88, s6;
	s7 =	simm.s32 @p2 $0x1082  }
0x22: {  	[simem:s7], [sflag:s8] =	dma.local @!p0 [hbm:s6], $0xF7A  }
0x23: {  	s9 =	sor.u32 $0xD0000000, s2;
	s6 =	simm.s32 $0x108;
	_ =	swait.ge @!p0 [sflag:s8], $0x0  }
0x24: {  	s3 =	sadd.s32 $0x88, s3;
	s6 =	simm.s32 @!p1 $0x1082;
	[sflag:s4] =	ssyncset.s32 $0xFFFFF086  }
0x25: {  	[simem:s6], [sflag:s4] =	dma.local [hbm:s3], $0xF7A  }
0x26: {  	[smem:$0x3F9B] =	sst s1;
	(tag) =	ssettag s2;
	_ =	strace s9  }
0x27: {  	s1 =	sld [smem:$0x3FAB]  }
0x28: {  	s2 =	sld [smem:$0x3FAC]  }
0x29: {  	s4 =	sld [smem:$0x3FAE]  }
0x2a: {  	p0 =	seq.s32 s5, $0x0;
	s5 =	sld [smem:$0x3FAF]  }
0x2b: {  	s6 =	sld [smem:$0x3FB0]  }
0x2c: {  	s7 =	sld [smem:$0x3FB1]  }
0x2d: {  	s3 =	simm.s32 $0x108;
	s8 =	sld [smem:$0x3FB2]  }
0x2e: {  	s3 =	simm.s32 @!p0 $0x1082;
	s9 =	sld [smem:$0x3FB3]  }
0x2f: {  	lr =	sadd.s32 s0, s3;
	s0 =	sld [smem:$0x3FAA]  }
0x30: {  	s3 =	sld [smem:$0x3FAD]  }
0x31: {  	[smem:$0x3FB6] =	sst s10  }
0x32: {  	s10 =	sld [smem:$0x3FB4];
	_ =	sdelay $0x3  }
0x33: {  	p0 =	seq.s32 s10, $0x1;
	s10 =	sld [smem:$0x3FB6];
	_ =	sdelay $0x3  }
0x34: {  	[smem:$0x3FB6] =	sst s10  }
0x35: {  	s10 =	sld [smem:$0x3FB5];
	_ =	sdelay $0x3  }
0x36: {  	p1 =	seq.s32 s10, $0x1;
	s10 =	sld [smem:$0x3FB6];
	_ =	sdelay $0x3  }
0x37: {  	[smem:$0x3FB6] =	sst s10  }
0x38: {  	s10 =	sld [smem:$0x3FB7]  }
0x39: {  	_ = 	snop;
	(pc) =	sbr.ind lr, $3  }
0x3a: {  	_ = 	snop  }
0x3b: {  	_ = 	snop  }
0x3c: {  	p2 =	seq.s32 s10, $0x1;
	s10 =	sld [smem:$0x3FB6]  }
0x3d: {  	_ =	shalt  }
0x3e: {  	_ =	shalt  }
0x3f: {  	_ =	shalt  }
0x40: {  	_ =	shalt  }
0x41: {  	_ =	shalt  }
0x42: {  	_ =	shalt  }
0x43: {  	_ =	shalt  }
0x44: {  	_ =	shalt  }
0x45: {  	_ =	shalt  }
0x46: {  	_ =	shalt  }
0x47: {  	_ =	shalt  }
0x48: {  	_ =	shalt  }
0x49: {  	_ =	shalt  }
0x4a: {  	_ =	shalt  }
0x4b: {  	_ =	shalt  }
0x4c: {  	_ =	shalt  }
0x4d: {  	_ =	shalt  }
0x4e: {  	_ =	shalt  }
0x4f: {  	_ =	shalt  }
0x50: {  	_ =	shalt  }
0x51: {  	_ =	shalt  }
0x52: {  	_ =	shalt  }
0x53: {  	_ =	shalt  }
0x54: {  	_ =	shalt  }
0x55: {  	_ =	shalt  }
0x56: {  	_ =	shalt  }
0x57: {  	_ =	shalt  }
0x58: {  	_ =	shalt  }
0x59: {  	_ =	shalt  }
0x5a: {  	_ =	shalt  }
0x5b: {  	_ =	shalt  }
0x5c: {  	_ =	shalt  }
0x5d: {  	_ =	shalt  }
0x5e: {  	_ =	shalt  }
0x5f: {  	_ =	shalt  }
0x60: {  	_ =	shalt  }
0x61: {  	_ =	shalt  }
0x62: {  	_ =	shalt  }
0x63: {  	_ =	shalt  }
0x64: {  	_ =	shalt  }
0x65: {  	_ =	shalt  }
0x66: {  	_ =	shalt  }
0x67: {  	_ =	shalt  }
0x68: {  	_ =	shalt  }
0x69: {  	_ =	shalt  }
0x6a: {  	_ =	shalt  }
0x6b: {  	_ =	shalt  }
0x6c: {  	_ =	shalt  }
0x6d: {  	_ =	shalt  }
0x6e: {  	_ =	shalt  }
0x6f: {  	_ =	shalt  }
0x70: {  	_ =	shalt  }
0x71: {  	_ =	shalt  }
0x72: {  	_ =	shalt  }
0x73: {  	_ =	shalt  }
0x74: {  	_ =	shalt  }
0x75: {  	_ =	shalt  }
0x76: {  	_ =	shalt  }
0x77: {  	_ =	shalt  }
0x78: {  	_ =	shalt  }
0x79: {  	_ =	shalt  }
0x7a: {  	_ =	shalt  }
0x7b: {  	_ =	shalt  }
0x7c: {  	_ =	shalt  }
0x7d: {  	_ =	shalt  }
0x7e: {  	_ =	shalt  }
0x7f: {  	_ =	shalt  }
0x80: {  	_ =	shalt  }
0x81: {  	_ =	shalt  }
0x82: {  	_ =	shalt  }
0x83: {  	_ =	shalt  }
0x84: {  	_ =	shalt  }
0x85: {  	_ =	shalt  }
0x86: {  	_ =	shalt  }
0x87: {  	_ =	shalt  }
.Lfunc_end0:
.L_simem_size_0:
called_computation.2_lowered:
.L_overlay_start_0:
0x88: {  	s2 =	sld [smem:$0x3FD9]  }
0x89: {  	s3 =	sld [smem:$0x3FFE];
	_ =	sdelay $0x1  }
0x8a: {  	s1 =	srdreg.scid  }
0x8b: {  	s0 =	sand.u32 $0x1, s1  }
0x8c: {  	s16 =	sshll.u32 s0, $0xA;
	s2 =	sadd.s32 s3, s2  }
0x8d: {  	s2 =	sadd.s32 s2, s16  }
0x8e: {  	[smem:$0x3FC2] =	sst s2  }
0x8f: {  	_ = 	snop  }
0x90: {  	(tm) =	ssettm $0x1  }
0x91: {  	s17 =	sld [smem:$0x3FFB];
	_ =	sdelay $0x3  }
0x92: {  	_ =	strace s17  }
0x93: {  	s2 =	sld [smem:$0x3FFC];
	_ =	sdelay $0x3  }
0x94: {  	_ =	strace s2  }
0x95: {  	s2 =	sld [smem:$0x3FFD];
	_ =	sdelay $0x3  }
0x96: {  	_ =	strace s2  }
0x97: {  	_ =	strace $0x8FFFFFFF  }
0x98: {  	s18 =	sld [smem:$0x3FDB];
	_ =	sdelay $0x1  }
0x99: {  	s19 =	simm.s32 $_scs_section_size  }
0x9a: {  	s4 =	simm.s32 $_size__tile_overlayer_lowered;
	s5 =	simm.s32 $_tile_overlayer_lowered  }
0x9b: {  	s22 =	simm.s32 $0x1BFF;
	s21 =	sshll.u32 s5, $0x1;
	s2 =	sadd.s32 s19, s18  }
0x9c: {  	s6 =	simm.s32 $0x0;
	s20 =	sshll.u32 s4, $0x1;
	s4 =	sadd.s32 s21, s2  }
0x9d: {  	[timem:s6], [sflag:s22] =	dma.local [hbm:s4], s20  }
0x9e: {  	_ =	swait.ge [sflag:s22], s20  }
0x9f: {  	s3 =	ssub.s32 $0x0, s20;
	[sflag:s22] =	ssyncset.done $0x0  }
0xa0: {  	[sflag:s22] =	ssyncadd.s32 s3;
	_ =	sdelay $0x1  }
0xa1: {  	s23 =	simm.s32 $0x1B8B  }
0xa2: {  	_ =	swait.ge [sflag:s23], $0x1  }
0xa3: {  	[sflag:s23] =	ssyncset.done $0x0  }
0xa4: {  	s25 =	simm.s32 $0x1B8E;
	s24 =	sld [smem:$0x3FFE];
	[sflag:s23] =	ssyncadd.s32 $0xFFFFFFFF  }
0xa5: {  	s26 =	simm.s32 $execute0_lowered;
	[smem:$0x3FD2] =	sst s25  }
0xa6: {  	s4 =	sshll.u32 s26, $0x1;
	_ =	strace $0x80000049;
	[dreg:$0x1] =	wrdreg $0xFFFFFFFF  }
0xa7: {  	s28 =	simm.s32 $_size_execute0_lowered;
	s2 =	sadd.s32 s2, s4;
	[dreg:$0x0] =	wrdreg $0x0  }
0xa8: {  	s4 =	sshll.u32 s28, $0x1;
	[dreg:$0x2] =	wrdreg s2  }
0xa9: {  	[dreg:$0x3] =	wrdreg s4  }
0xaa: {  	[dreg:$0x4] =	wrdreg $0xC0  }
0xab: {  	_ =	task [dreg:s6], $0x5FFFF  }
0xac: {  	[dreg:$0x1] =	wrdreg $0xFFFFFFFF  }
0xad: {  	[dreg:$0x0] =	wrdreg $0x60  }
0xae: {  	[dreg:$0x2] =	wrdreg s24  }
0xaf: {  	[dreg:$0x3] =	wrdreg $0xF0000  }
0xb0: {  	[dreg:$0x4] =	wrdreg $0xA  }
0xb1: {  	_ =	task.clear_ibuf [dreg:s6], $0x5FFFF;
	_ =	strace $0x90000049  }
0xb2: {  	s29 =	simm.s32 $0xA;
	_ =	strace $0x8000004B  }
0xb3: {  	_ =	swait.ge [sflag:s29], $0x1  }
0xb4: {  	[sflag:s29] =	ssyncadd.s32 $0xFFFFFFFF  }
0xb5: {  	_ =	strace $0x9000004B  }
0xb6: {  	_ =	sfence  }
0xb7: {  	s30 =	sld [smem:$0x0];
	_ =	sdelay $0x2  }
0xb8: {  	s31 =	sshll.u32 s1, $0xD;
	s1 =	sshrl.u32 s1, $0x2  }
0xb9: {  	s3 =	sand.u32 $0x4000, s31;
	s1 =	sadd.s32 s1, s30  }
0xba: {  	s0 =	sor.u32 s3, s0;
	s1 =	sshll.u32 s1, $0x11  }
0xbb: {  	s0 =	sor.u32 s1, s0  }
0xbc: {  	s0 =	sadd.s32 $0x8F2B, s0  }
0xbd: {  	[sflag:s0] =	ssyncadd.remote.s32 $0x1  }
0xbe: {  	_ =	sfence.sel $0xFFFF  }
0xbf: {  	[dreg:$0x0] =	wrdreg $0xFFFFFFFF;
	(pc) =	sbr.abs _section_cstart, $3  }
0xc0: {  	[dreg:$0x1] =	wrdreg $0xFFFFFFFF  }
0xc1: {  	_ =	task.clear_ibuf [dreg:s6], $0x2FFFF;
	_ =	strace $0x9FFFFFFF  }
0xc2: {  	(tm) =	ssettm $0x7FFFFFFF  }
0xc3: {  	_ =	shalt  }
tec
execute0_lowered:
.L_overlay_start_1:
0x0: {  	(tag) =	ssettag $0x1  }
0x1: {  	s0 =	rddreg [dreg:$0x0]  }
0x2: {  	s1 =	rddreg [dreg:$0x1];
	s2 =	srdreg.scid;
	s3 =	simm.s32 $0x0  }
0x3: {  	s7 =	stileid.u32;
	s14 =	simm.s32 $0xD000;
	s15 =	simm.s32 $0x5  }
0x4: {  	s17 =	simm.s32 $0x80;
	s18 =	simm.s32 $0x5000;
	s19 =	simm.s32 $0x7000  }
0x5: {  	s21 =	simm.s32 $0x9000;
	s23 =	simm.s32 $0xB000;
	s28 =	simm.s32 $0x3  }
0x6: {  	s29 =	simm.s32 $0x4;
	s30 =	simm.s32 $0x4E00;
	s31 =	simm.s32 $0x4E80  }
0x7: {  	s2 =	sand.u32 $0x1, s2;
	[smem:$0x7FF] =	sst s3;
	s9 =	smul.u32 $0xA000, s7  }
0x8: {  	s4 =	sshll.u32 s2, $0x4;
	s5 =	smul.u32 $0xA0000, s2;
	_ =	strace $0x8000004A  }
0x9: {  	s2 =	ssub.s32 $0x2, s2;
	s4 =	sor.u32 s7, s4;
	s7 =	smul.u32 $0x28000, s7  }
0xa: {  	s24 =	sshrl.u32 s2, $0x1;
	s26 =	sadd.s32 s9, s1;
	s6 =	smul.u32 $0x500, s4  }
0xb: {  	s4 =	sadd.s32 $0x7A000, s0;
	s5 =	sadd.s32 s9, s5;
	s2 =	ssub.s32 s2, s24  }
0xc: {  	s24 =	simm.s32 $0x1;
	s5 =	sshrl.u32 s5, $0x3;
	s25 =	sshrl.u32 s7, $0x2  }
0xd: {  	s9 =	smax.u32 s2, $0x1;
	s2 =	simm.s32 $0x4F80;
	s8 =	sadd.s32 s6, s0  }
0xe: {  	s0 =	sadd.s32 s5, s0;
	s5 =	sadd.s32 s25, s1;
	s25 =	sshrl.u32 s26, $0x3  }
0xf: {  	s26 =	simm.s32 $0x2;
	s6 =	sadd.s32 $0xC000, s8;
	s7 =	sadd.s32 $0x2000, s8  }
0x10: {  	s8 =	sadd.s32 $0x8E000, s0;
	s10 =	sadd.s32 $0x2000, s5;
	s11 =	sadd.s32 $0x4000, s5  }
0x11: {  	v0 =	vimm.f32 $0.0e+00;
	s12 =	sadd.s32 $0x6000, s5;
	s13 =	sadd.s32 $0x8000, s5;
	s0 =	simm.s32 $0x4F00  }
.LBB2_1:
0x12: {  	s20 =	simm.s32 $0x100;
	s16 =	simm.s32 $0x0  }
.LBB2_2:
0x13: {  	p0 =	sne.s32 s20, $0x7F00;
	[tilespmem:s16+$0xD030] =	vst v0;
	s22 =	smov.u32 s20;
	s20 =	sadd.s32 $0x100, s20  }
.Ltmp0:
0x14: {  	[tilespmem:s16+$0xD020] =	vst v0;
	(pc) =	sbr.rel @p0 .LBB2_2-.Ltmp0, $3  }
0x15: {  	[tilespmem:s16+$0xD000] =	vst v0  }
0x16: {  	[tilespmem:s16+$0xD010] =	vst v0;
	_ =	sdelay $0x1  }
0x17: {  	s16 =	sshra.s32 s22, $0x2  }
0x18: {  	[tilespmem:s16+$0xD030] =	vst v0  }
0x19: {  	[tilespmem:s16+$0xD020] =	vst v0  }
0x1a: {  	[tilespmem:s16+$0xD000] =	vst v0  }
0x1b: {  	[tilespmem:s16+$0xD010] =	vst v0  }
0x1c: {  	[spmem:s5] =	stream.linear.scatter [tilespmem:s14], [sflag:$0x5], $0x2000, $0x38;
	[tilespmem:$0x19000] =	vst v63  }
0x1d: {  	_ =	swait.ge [sflag:s15], $0x2000  }
0x1e: {  	[sflag:s15] =	ssyncset.done $0x0  }
0x1f: {  	[sflag:s15] =	ssyncadd.s32 $0xFFFFE000  }
0x20: {  	[spmem:s10] =	stream.linear.scatter [tilespmem:s14], [sflag:$0x5], $0x2000, $0x38;
	[tilespmem:$0x19000] =	vst v63  }
0x21: {  	_ =	swait.ge [sflag:s15], $0x2000  }
0x22: {  	[sflag:s15] =	ssyncset.done $0x0  }
0x23: {  	[sflag:s15] =	ssyncadd.s32 $0xFFFFE000  }
0x24: {  	[spmem:s11] =	stream.linear.scatter [tilespmem:s14], [sflag:$0x5], $0x2000, $0x38;
	[tilespmem:$0x19000] =	vst v63  }
0x25: {  	_ =	swait.ge [sflag:s15], $0x2000  }
0x26: {  	[sflag:s15] =	ssyncset.done $0x0  }
0x27: {  	[sflag:s15] =	ssyncadd.s32 $0xFFFFE000  }
0x28: {  	[spmem:s12] =	stream.linear.scatter [tilespmem:s14], [sflag:$0x5], $0x2000, $0x38;
	[tilespmem:$0x19000] =	vst v63  }
0x29: {  	_ =	swait.ge [sflag:s15], $0x2000  }
0x2a: {  	[sflag:s15] =	ssyncset.done $0x0  }
0x2b: {  	[sflag:s15] =	ssyncadd.s32 $0xFFFFE000  }
0x2c: {  	[spmem:s13] =	stream.linear.scatter [tilespmem:s14], [sflag:$0x5], $0x2000, $0x38;
	[tilespmem:$0x19000] =	vst v63  }
0x2d: {  	_ =	swait.ge [sflag:s15], $0x2000  }
0x2e: {  	[sflag:s15] =	ssyncset.done $0x0  }
0x2f: {  	[sflag:s15] =	ssyncadd.s32 $0xFFFFE000  }
0x30: {  	s22 =	simm.s32 $0x0;
	[bflag:$0x0] =	sbarrier.arrive $0xFFFF  }
0x31: {  	[tilespmem:s22], [sflag:$0x5] =	stream.linear.gather [hbm4b:s6+s22], $0x2800, $0x38;
	[tilespmem:$0x19000] =	vst v63  }
0x32: {  	_ =	swait.ge [sflag:s15], $0x2800  }
0x33: {  	[sflag:s15] =	ssyncset.done $0x0  }
0x34: {  	s20 =	simm.s32 $0x2800;
	[sflag:s15] =	ssyncadd.s32 $0xFFFFD800  }
0x35: {  	[tilespmem:s20], [sflag:$0x5] =	stream.linear.gather [hbm4b:s7+s22], $0x2800, $0x38;
	[tilespmem:$0x19000] =	vst v63  }
0x36: {  	_ =	swait.ge [sflag:s15], $0x2800  }
0x37: {  	[sflag:s15] =	ssyncset.done $0x0  }
0x38: {  	[sflag:s15] =	ssyncadd.s32 $0xFFFFD800  }
0x39: {  	[tilespmem:s18], [sflag:$0x1] =	stream.indirect.gather [hbm4b:s4+s17], $0x40, s22, s17, $0xb8;
	[tilespmem:$0x19000] =	vst v63  }
0x3a: {  	_ = 	snop  }
0x3b: {  	[tilespmem:s19], [sflag:$0x2] =	stream.indirect.gather [hbm4b:s4+s17], $0x40, s17, s17, $0xb8;
	[tilespmem:$0x19000] =	vst v63  }
0x3c: {  	s22 =	simm.s32 $0x100  }
0x3d: {  	[tilespmem:s21], [sflag:$0x3] =	stream.indirect.gather [hbm4b:s4+s17], $0x40, s22, s17, $0xb8;
	[tilespmem:$0x19000] =	vst v63  }
0x3e: {  	s20 =	simm.s32 $0x180  }
0x3f: {  	[tilespmem:s23], [sflag:$0x4] =	stream.indirect.gather [hbm4b:s4+s17], $0x40, s20, s17, $0xb8;
	[tilespmem:$0x19000] =	vst v63  }
0x40: {  	_ =	swait.ge [sflag:s24], $0x2000  }
0x41: {  	[sflag:s24] =	ssyncset.done $0x0  }
0x42: {  	s22 =	simm.s32 $0x2800;
	[sflag:s24] =	ssyncadd.s32 $0xFFFFE000  }
0x43: {  	[spmem:s1] =	stream.indirect.scatter.add.f32 [tilespmem:s18], [sflag:$0x5], $0x40, s22, s17, $0xb8;
	[tilespmem:$0x19000] =	vst v63  }
0x44: {  	_ =	swait.ge [sflag:s15], $0x2000  }
0x45: {  	[sflag:s15] =	ssyncset.done $0x0  }
0x46: {  	s20 =	simm.s32 $0x200;
	[sflag:s15] =	ssyncadd.s32 $0xFFFFE000  }
0x47: {  	[tilespmem:s18], [sflag:$0x1] =	stream.indirect.gather [hbm4b:s4+s17], $0x40, s20, s17, $0xb8;
	[tilespmem:$0x19000] =	vst v63  }
0x48: {  	_ =	swait.ge [sflag:s26], $0x2000  }
0x49: {  	[sflag:s26] =	ssyncset.done $0x0  }
0x4a: {  	s22 =	simm.s32 $0x2880;
	[sflag:s26] =	ssyncadd.s32 $0xFFFFE000  }
0x4b: {  	[spmem:s1] =	stream.indirect.scatter.add.f32 [tilespmem:s19], [sflag:$0x5], $0x40, s22, s17, $0xb8;
	[tilespmem:$0x19000] =	vst v63  }
0x4c: {  	_ =	swait.ge [sflag:s15], $0x2000  }
0x4d: {  	[sflag:s15] =	ssyncset.done $0x0  }
0x4e: {  	s20 =	simm.s32 $0x280;
	[sflag:s15] =	ssyncadd.s32 $0xFFFFE000  }
0x4f: {  	[tilespmem:s19], [sflag:$0x2] =	stream.indirect.gather [hbm4b:s4+s17], $0x40, s20, s17, $0xb8;
	[tilespmem:$0x19000] =	vst v63  }
0x50: {  	_ =	swait.ge [sflag:s28], $0x2000  }
0x51: {  	[sflag:s28] =	ssyncset.done $0x0  }
0x52: {  	s22 =	simm.s32 $0x2900;
	[sflag:s28] =	ssyncadd.s32 $0xFFFFE000  }
0x53: {  	[spmem:s1] =	stream.indirect.scatter.add.f32 [tilespmem:s21], [sflag:$0x5], $0x40, s22, s17, $0xb8;
	[tilespmem:$0x19000] =	vst v63  }
0x54: {  	_ =	swait.ge [sflag:s15], $0x2000  }
0x55: {  	[sflag:s15] =	ssyncset.done $0x0  }
0x56: {  	s20 =	simm.s32 $0x300;
	[sflag:s15] =	ssyncadd.s32 $0xFFFFE000  }
0x57: {  	[tilespmem:s21], [sflag:$0x3] =	stream.indirect.gather [hbm4b:s4+s17], $0x40, s20, s17, $0xb8;
	[tilespmem:$0x19000] =	vst v63  }
0x58: {  	_ =	swait.ge [sflag:s29], $0x2000  }
0x59: {  	[sflag:s29] =	ssyncset.done $0x0  }
0x5a: {  	s22 =	simm.s32 $0x2980;
	[sflag:s29] =	ssyncadd.s32 $0xFFFFE000  }
0x5b: {  	[spmem:s1] =	stream.indirect.scatter.add.f32 [tilespmem:s23], [sflag:$0x5], $0x40, s22, s17, $0xb8;
	[tilespmem:$0x19000] =	vst v63  }
0x5c: {  	_ =	swait.ge [sflag:s15], $0x2000  }
0x5d: {  	[sflag:s15] =	ssyncset.done $0x0  }
0x5e: {  	s16 =	simm.s32 $0x800;
	s20 =	simm.s32 $0x380;
	[sflag:s15] =	ssyncadd.s32 $0xFFFFE000  }
.LBB2_4:
0x5f: {  	[tilespmem:s23], [sflag:$0x4] =	stream.indirect.gather [hbm4b:s4+s17], $0x40, s20, s17, $0xb8;
	[tilespmem:$0x19000] =	vst v63  }
0x60: {  	s20 =	smov.u32 s16  }
0x61: {  	p0 =	sne.s32 s16, $0x9000;
	s16 =	sadd.s32 $0x800, s16;
	_ =	swait.ge [sflag:s24], $0x2000  }
0x62: {  	s20 =	sshra.s32 s20, $0x2;
	[sflag:s24] =	ssyncset.done $0x0  }
0x63: {  	s22 =	sadd.s32 $0x2800, s20;
	[sflag:s24] =	ssyncadd.s32 $0xFFFFE000  }
0x64: {  	[spmem:s1] =	stream.indirect.scatter.add.f32 [tilespmem:s18], [sflag:$0x5], $0x40, s22, s17, $0xb8;
	[tilespmem:$0x19000] =	vst v63  }
0x65: {  	_ =	swait.ge [sflag:s15], $0x2000  }
0x66: {  	[sflag:s15] =	ssyncset.done $0x0  }
0x67: {  	s22 =	sadd.s32 $0x200, s20;
	[sflag:s15] =	ssyncadd.s32 $0xFFFFE000  }
0x68: {  	[tilespmem:s18], [sflag:$0x1] =	stream.indirect.gather [hbm4b:s4+s17], $0x40, s22, s17, $0xb8;
	[tilespmem:$0x19000] =	vst v63  }
0x69: {  	_ =	swait.ge [sflag:s26], $0x2000  }
0x6a: {  	[sflag:s26] =	ssyncset.done $0x0  }
0x6b: {  	s22 =	sadd.s32 $0x2880, s20;
	[sflag:s26] =	ssyncadd.s32 $0xFFFFE000  }
0x6c: {  	[spmem:s1] =	stream.indirect.scatter.add.f32 [tilespmem:s19], [sflag:$0x5], $0x40, s22, s17, $0xb8;
	[tilespmem:$0x19000] =	vst v63  }
0x6d: {  	_ =	swait.ge [sflag:s15], $0x2000  }
0x6e: {  	[sflag:s15] =	ssyncset.done $0x0  }
0x6f: {  	s22 =	sadd.s32 $0x280, s20;
	[sflag:s15] =	ssyncadd.s32 $0xFFFFE000  }
0x70: {  	[tilespmem:s19], [sflag:$0x2] =	stream.indirect.gather [hbm4b:s4+s17], $0x40, s22, s17, $0xb8;
	[tilespmem:$0x19000] =	vst v63  }
0x71: {  	_ =	swait.ge [sflag:s28], $0x2000  }
0x72: {  	[sflag:s28] =	ssyncset.done $0x0  }
0x73: {  	s22 =	sadd.s32 $0x2900, s20;
	[sflag:s28] =	ssyncadd.s32 $0xFFFFE000  }
0x74: {  	[spmem:s1] =	stream.indirect.scatter.add.f32 [tilespmem:s21], [sflag:$0x5], $0x40, s22, s17, $0xb8;
	[tilespmem:$0x19000] =	vst v63  }
0x75: {  	_ =	swait.ge [sflag:s15], $0x2000  }
0x76: {  	[sflag:s15] =	ssyncset.done $0x0  }
0x77: {  	s22 =	sadd.s32 $0x300, s20;
	[sflag:s15] =	ssyncadd.s32 $0xFFFFE000  }
0x78: {  	[tilespmem:s21], [sflag:$0x3] =	stream.indirect.gather [hbm4b:s4+s17], $0x40, s22, s17, $0xb8;
	[tilespmem:$0x19000] =	vst v63  }
0x79: {  	_ =	swait.ge [sflag:s29], $0x2000  }
0x7a: {  	[sflag:s29] =	ssyncset.done $0x0  }
.Ltmp1:
0x7b: {  	s22 =	sadd.s32 $0x2980, s20;
	[sflag:s29] =	ssyncadd.s32 $0xFFFFE000;
	(pc) =	sbr.rel @p0 .LBB2_4-.Ltmp1, $4  }
0x7c: {  	[spmem:s1] =	stream.indirect.scatter.add.f32 [tilespmem:s23], [sflag:$0x5], $0x40, s22, s17, $0xb8;
	[tilespmem:$0x19000] =	vst v63  }
0x7d: {  	_ =	swait.ge [sflag:s15], $0x2000  }
0x7e: {  	[sflag:s15] =	ssyncset.done $0x0  }
0x7f: {  	s20 =	sadd.s32 $0x380, s20;
	[sflag:s15] =	ssyncadd.s32 $0xFFFFE000  }
0x80: {  	[tilespmem:s23], [sflag:$0x4] =	stream.indirect.gather [hbm4b:s4+s17], $0x40, s20, s17, $0xb8;
	[tilespmem:$0x19000] =	vst v63  }
0x81: {  	_ =	swait.ge [sflag:s24], $0x2000  }
0x82: {  	[sflag:s24] =	ssyncset.done $0x0  }
0x83: {  	[sflag:s24] =	ssyncadd.s32 $0xFFFFE000  }
0x84: {  	[spmem:s1] =	stream.indirect.scatter.add.f32 [tilespmem:s18], [sflag:$0x5], $0x40, s30, s17, $0xb8;
	[tilespmem:$0x19000] =	vst v63  }
0x85: {  	_ =	swait.ge [sflag:s15], $0x2000  }
0x86: {  	[sflag:s15] =	ssyncset.done $0x0  }
0x87: {  	[sflag:s15] =	ssyncadd.s32 $0xFFFFE000  }
0x88: {  	_ =	swait.ge [sflag:s26], $0x2000  }
0x89: {  	[sflag:s26] =	ssyncset.done $0x0  }
0x8a: {  	[sflag:s26] =	ssyncadd.s32 $0xFFFFE000  }
0x8b: {  	[spmem:s1] =	stream.indirect.scatter.add.f32 [tilespmem:s19], [sflag:$0x5], $0x40, s31, s17, $0xb8;
	[tilespmem:$0x19000] =	vst v63  }
0x8c: {  	_ =	swait.ge [sflag:s15], $0x2000  }
0x8d: {  	[sflag:s15] =	ssyncset.done $0x0  }
0x8e: {  	[sflag:s15] =	ssyncadd.s32 $0xFFFFE000  }
0x8f: {  	_ =	swait.ge [sflag:s28], $0x2000  }
0x90: {  	[sflag:s28] =	ssyncset.done $0x0  }
0x91: {  	[sflag:s28] =	ssyncadd.s32 $0xFFFFE000  }
0x92: {  	[spmem:s1] =	stream.indirect.scatter.add.f32 [tilespmem:s21], [sflag:$0x5], $0x40, s0, s17, $0xb8;
	[tilespmem:$0x19000] =	vst v63  }
0x93: {  	_ =	swait.ge [sflag:s15], $0x2000  }
0x94: {  	[sflag:s15] =	ssyncset.done $0x0  }
0x95: {  	[sflag:s15] =	ssyncadd.s32 $0xFFFFE000  }
0x96: {  	_ =	swait.ge [sflag:s29], $0x2000  }
0x97: {  	[sflag:s29] =	ssyncset.done $0x0  }
0x98: {  	[sflag:s29] =	ssyncadd.s32 $0xFFFFE000  }
0x99: {  	[spmem:s1] =	stream.indirect.scatter.add.f32 [tilespmem:s23], [sflag:$0x5], $0x40, s2, s17, $0xb8;
	[tilespmem:$0x19000] =	vst v63  }
0x9a: {  	_ =	swait.ge [sflag:s15], $0x2000  }
0x9b: {  	s16 =	stileid.u32;
	s3 =	sadd.s32 $0x1, s3;
	[sflag:s15] =	ssyncset.done $0x0  }
0x9c: {  	s16 =	sshll.u32 s16, $0x6;
	p0 =	sne.s32 s3, s9;
	[sflag:s15] =	ssyncadd.s32 $0xFFFFE000  }
.Ltmp2:
0x9d: {  	s16 =	sor.u32 $0x1C05, s16;
	[bflag:$0x0] =	sbarrier.arrive $0xFFFF;
	(pc) =	sbr.rel @p0 .LBB2_1-.Ltmp2, $4  }
0x9e: {  	[hbm:s8], [sflag:s16] =	dma.local [spmem:s25], $0x1400  }
0x9f: {  	_ =	swait.ge [sflag:s15], $0x1400  }
0xa0: {  	[sflag:s15] =	ssyncset.done $0x0  }
0xa1: {  	[sflag:s15] =	ssyncadd.s32 $0xFFFFEC00  }
0xa2: {  	_ =	sfence.sel $0x180000  }
0xa3: {  	[bflag:$0x0] =	sbarrier.arrive $0xFFFF  }
0xa4: {  	_ =	strace $0x9000004A  }
0xa5: {  	s0 =	stileid.u32;
	[bflag:$0x2] =	sbarrier.arrive $0xFFFF  }
0xa6: {  	p0 =	sne.s32 s0, $0x0;
	s0 =	rddreg [dreg:$0x2]  }
0xa7: {  	s0 =	sadd.s32 @!p0 $0x100000, s0  }
0xa8: {  	[sflag:s0] =	ssyncadd.tile.s32 @!p0 $0x1;
	_ =	shalt  }
.Lfunc_end2:
_tile_overlayer_lowered:
.L_overlay_start_2:
0xa9: {  	(tag) =	ssettag $0x2  }
0xaa: {  	s0 =	rddreg [dreg:$0x0];
	s2 =	stileid.u32  }
0xab: {  	s1 =	rddreg [dreg:$0x1];
	p0 =	sne.s32 s2, $0x0  }
0xac: {  	s3 =	rddreg [dreg:$0x2];
	[bflag:$0x3] =	sbarrier.arrive $0xFFFF;
	s2 =	simm.s32 @!p0 $0x1C05  }
0xad: {  	[timem:s3], [sflag:s2] =	dma.local @!p0 [hbm:s0], s1  }
0xae: {  	s0 =	simm.s32 @!p0 $0x5  }
0xaf: {  	_ =	swait.ge @!p0 [sflag:s0], s1  }
0xb0: {  	s1 =	ssub.s32 @!p0 $0x0, s1;
	[sflag:s0] =	ssyncset.done @!p0 $0x0  }
0xb1: {  	[sflag:s0] =	ssyncadd.s32 @!p0 s1  }
0xb2: {  	[bflag:$0x3] =	sbarrier.arrive $0xFFFF  }
0xb3: {  	_ =	shalt  }

// kernel: kernel.18.cloned.1.call-start
scs
__scs_entry_jumppad:
0x0: {  	(pc) =	sbr.rel $0x88, $3  }
0x1: {  	(tag) =	ssettag $0x0;
	lr =	simm.s32 $0x1  }
0x2: {  	[smem:$0x3F9B] =	sst lr;
	_ =	strace $0xD0000000  }
0x3: {  	_ = 	snop  }
0x4: {  	_ = 	snop  }
0x5: {  	_ = 	snop  }
0x6: {  	_ = 	snop  }
0x7: {  	_ = 	snop  }
__scs_overlays_trampoline_lowered:
0x8: {  	[smem:$0x3FAA] =	sst s0  }
0x9: {  	[smem:$0x3FAB] =	sst s1  }
0xa: {  	[smem:$0x3FAC] =	sst s2  }
0xb: {  	[smem:$0x3FAD] =	sst s3  }
0xc: {  	[smem:$0x3FAE] =	sst s4  }
0xd: {  	[smem:$0x3FAF] =	sst s5  }
0xe: {  	[smem:$0x3FB0] =	sst s6  }
0xf: {  	[smem:$0x3FB1] =	sst s7  }
0x10: {  	[smem:$0x3FB2] =	sst s8  }
0x11: {  	[smem:$0x3FB3] =	sst s9;
	s0 =	simm.s32 @!p0 $0x0  }
0x12: {  	s1 =	sld [smem:$0x3F99];
	s0 =	simm.s32 @p0 $0x1  }
0x13: {  	[smem:$0x3FB4] =	sst s0;
	s0 =	simm.s32 @!p1 $0x0  }
0x14: {  	s2 =	sld [smem:$0x3F98];
	s0 =	simm.s32 @p1 $0x1  }
0x15: {  	[smem:$0x3FB5] =	sst s0;
	s0 =	simm.s32 @!p2 $0x0  }
0x16: {  	s3 =	sld [smem:$0x3FDB];
	s0 =	simm.s32 @p2 $0x1  }
0x17: {  	s4 =	simm.s32 $0x1BF5;
	[smem:$0x3FB7] =	sst s0  }
0x18: {  	s0 =	sld [smem:$0x3F9A];
	_ =	swait.ge [sflag:s4], $0x0  }
0x19: {  	s7 =	sld [smem:$0x3F9B]  }
0x1a: {  	s8 =	sadd.s32 $0xFFFFE003, lr  }
0x1b: {  	s9 =	sadd.s32 $0xFFFFFEF7, lr;
	s5 =	simm.s32 $0xFFFFFFFF;
	p2 =	slt.u32 s8, $0xFFFFF086  }
0x1c: {  	p1 =	slt.u32 s9, $0xF7A;
	s5 =	simm.s32 @!p2 $0x0  }
0x1d: {  	s5 =	simm.s32 @p1 $0x1;
	p0 =	seq.s32 s7, s2  }
0x1e: {  	s7 =	smul.u32 @!p0 $0xF7A, s2;
	p2 =	seq.s32 @!p0 s5, $0x0  }
0x1f: {  	s9 =	smul.u32 $0xF7A, s1;
	s8 =	simm.s32 @!p0 $0x1BF5;
	p2 =	por !p2, p0  }
0x20: {  	[sflag:s8] =	ssyncset.s32 @!p0 $0xFFFFF086;
	s6 =	sadd.s32 @!p0 s3, s7;
	s7 =	simm.s32 @!p0 $0x108  }
0x21: {  	s3 =	sadd.s32 s3, s9;
	s6 =	sadd.s32 @!p0 $0x88, s6;
	s7 =	simm.s32 @p2 $0x1082  }
0x22: {  	[simem:s7], [sflag:s8] =	dma.local @!p0 [hbm:s6], $0xF7A  }
0x23: {  	s9 =	sor.u32 $0xD0000000, s2;
	s6 =	simm.s32 $0x108;
	_ =	swait.ge @!p0 [sflag:s8], $0x0  }
0x24: {  	s3 =	sadd.s32 $0x88, s3;
	s6 =	simm.s32 @!p1 $0x1082;
	[sflag:s4] =	ssyncset.s32 $0xFFFFF086  }
0x25: {  	[simem:s6], [sflag:s4] =	dma.local [hbm:s3], $0xF7A  }
0x26: {  	[smem:$0x3F9B] =	sst s1;
	(tag) =	ssettag s2;
	_ =	strace s9  }
0x27: {  	s1 =	sld [smem:$0x3FAB]  }
0x28: {  	s2 =	sld [smem:$0x3FAC]  }
0x29: {  	s4 =	sld [smem:$0x3FAE]  }
0x2a: {  	p0 =	seq.s32 s5, $0x0;
	s5 =	sld [smem:$0x3FAF]  }
0x2b: {  	s6 =	sld [smem:$0x3FB0]  }
0x2c: {  	s7 =	sld [smem:$0x3FB1]  }
0x2d: {  	s3 =	simm.s32 $0x108;
	s8 =	sld [smem:$0x3FB2]  }
0x2e: {  	s3 =	simm.s32 @!p0 $0x1082;
	s9 =	sld [smem:$0x3FB3]  }
0x2f: {  	lr =	sadd.s32 s0, s3;
	s0 =	sld [smem:$0x3FAA]  }
0x30: {  	s3 =	sld [smem:$0x3FAD]  }
0x31: {  	[smem:$0x3FB6] =	sst s10  }
0x32: {  	s10 =	sld [smem:$0x3FB4];
	_ =	sdelay $0x3  }
0x33: {  	p0 =	seq.s32 s10, $0x1;
	s10 =	sld [smem:$0x3FB6];
	_ =	sdelay $0x3  }
0x34: {  	[smem:$0x3FB6] =	sst s10  }
0x35: {  	s10 =	sld [smem:$0x3FB5];
	_ =	sdelay $0x3  }
0x36: {  	p1 =	seq.s32 s10, $0x1;
	s10 =	sld [smem:$0x3FB6];
	_ =	sdelay $0x3  }
0x37: {  	[smem:$0x3FB6] =	sst s10  }
0x38: {  	s10 =	sld [smem:$0x3FB7]  }
0x39: {  	_ = 	snop;
	(pc) =	sbr.ind lr, $3  }
0x3a: {  	_ = 	snop  }
0x3b: {  	_ = 	snop  }
0x3c: {  	p2 =	seq.s32 s10, $0x1;
	s10 =	sld [smem:$0x3FB6]  }
0x3d: {  	_ =	shalt  }
0x3e: {  	_ =	shalt  }
0x3f: {  	_ =	shalt  }
0x40: {  	_ =	shalt  }
0x41: {  	_ =	shalt  }
0x42: {  	_ =	shalt  }
0x43: {  	_ =	shalt  }
0x44: {  	_ =	shalt  }
0x45: {  	_ =	shalt  }
0x46: {  	_ =	shalt  }
0x47: {  	_ =	shalt  }
0x48: {  	_ =	shalt  }
0x49: {  	_ =	shalt  }
0x4a: {  	_ =	shalt  }
0x4b: {  	_ =	shalt  }
0x4c: {  	_ =	shalt  }
0x4d: {  	_ =	shalt  }
0x4e: {  	_ =	shalt  }
0x4f: {  	_ =	shalt  }
0x50: {  	_ =	shalt  }
0x51: {  	_ =	shalt  }
0x52: {  	_ =	shalt  }
0x53: {  	_ =	shalt  }
0x54: {  	_ =	shalt  }
0x55: {  	_ =	shalt  }
0x56: {  	_ =	shalt  }
0x57: {  	_ =	shalt  }
0x58: {  	_ =	shalt  }
0x59: {  	_ =	shalt  }
0x5a: {  	_ =	shalt  }
0x5b: {  	_ =	shalt  }
0x5c: {  	_ =	shalt  }
0x5d: {  	_ =	shalt  }
0x5e: {  	_ =	shalt  }
0x5f: {  	_ =	shalt  }
0x60: {  	_ =	shalt  }
0x61: {  	_ =	shalt  }
0x62: {  	_ =	shalt  }
0x63: {  	_ =	shalt  }
0x64: {  	_ =	shalt  }
0x65: {  	_ =	shalt  }
0x66: {  	_ =	shalt  }
0x67: {  	_ =	shalt  }
0x68: {  	_ =	shalt  }
0x69: {  	_ =	shalt  }
0x6a: {  	_ =	shalt  }
0x6b: {  	_ =	shalt  }
0x6c: {  	_ =	shalt  }
0x6d: {  	_ =	shalt  }
0x6e: {  	_ =	shalt  }
0x6f: {  	_ =	shalt  }
0x70: {  	_ =	shalt  }
0x71: {  	_ =	shalt  }
0x72: {  	_ =	shalt  }
0x73: {  	_ =	shalt  }
0x74: {  	_ =	shalt  }
0x75: {  	_ =	shalt  }
0x76: {  	_ =	shalt  }
0x77: {  	_ =	shalt  }
0x78: {  	_ =	shalt  }
0x79: {  	_ =	shalt  }
0x7a: {  	_ =	shalt  }
0x7b: {  	_ =	shalt  }
0x7c: {  	_ =	shalt  }
0x7d: {  	_ =	shalt  }
0x7e: {  	_ =	shalt  }
0x7f: {  	_ =	shalt  }
0x80: {  	_ =	shalt  }
0x81: {  	_ =	shalt  }
0x82: {  	_ =	shalt  }
0x83: {  	_ =	shalt  }
0x84: {  	_ =	shalt  }
0x85: {  	_ =	shalt  }
0x86: {  	_ =	shalt  }
0x87: {  	_ =	shalt  }
.Lfunc_end0:
.L_simem_size_0:
called_computation.3_lowered:
.L_overlay_start_0:
0x88: {  	s2 =	sld [smem:$0x3FD9]  }
0x89: {  	s3 =	sld [smem:$0x3FFE];
	_ =	sdelay $0x1  }
0x8a: {  	s1 =	srdreg.scid  }
0x8b: {  	s0 =	sand.u32 $0x1, s1  }
0x8c: {  	s16 =	sshll.u32 s0, $0xA;
	s2 =	sadd.s32 s3, s2  }
0x8d: {  	s2 =	sadd.s32 s2, s16  }
0x8e: {  	[smem:$0x3FC2] =	sst s2  }
0x8f: {  	_ = 	snop  }
0x90: {  	(tm) =	ssettm $0x1  }
0x91: {  	s17 =	sld [smem:$0x3FFB];
	_ =	sdelay $0x3  }
0x92: {  	_ =	strace s17  }
0x93: {  	s2 =	sld [smem:$0x3FFC];
	_ =	sdelay $0x3  }
0x94: {  	_ =	strace s2  }
0x95: {  	s2 =	sld [smem:$0x3FFD];
	_ =	sdelay $0x3  }
0x96: {  	_ =	strace s2  }
0x97: {  	_ =	strace $0x8FFFFFFF  }
0x98: {  	s18 =	sld [smem:$0x3FDB];
	_ =	sdelay $0x1  }
0x99: {  	s19 =	simm.s32 $_scs_section_size  }
0x9a: {  	s4 =	simm.s32 $_size__tile_overlayer_lowered;
	s5 =	simm.s32 $_tile_overlayer_lowered  }
0x9b: {  	s22 =	simm.s32 $0x1BFF;
	s21 =	sshll.u32 s5, $0x1;
	s2 =	sadd.s32 s19, s18  }
0x9c: {  	s6 =	simm.s32 $0x0;
	s20 =	sshll.u32 s4, $0x1;
	s4 =	sadd.s32 s21, s2  }
0x9d: {  	[timem:s6], [sflag:s22] =	dma.local [hbm:s4], s20  }
0x9e: {  	_ =	swait.ge [sflag:s22], s20  }
0x9f: {  	s3 =	ssub.s32 $0x0, s20;
	[sflag:s22] =	ssyncset.done $0x0  }
0xa0: {  	[sflag:s22] =	ssyncadd.s32 s3;
	_ =	sdelay $0x1  }
0xa1: {  	s23 =	simm.s32 $0x1B8B  }
0xa2: {  	_ =	swait.ge [sflag:s23], $0x1  }
0xa3: {  	[sflag:s23] =	ssyncset.done $0x0  }
0xa4: {  	s25 =	simm.s32 $0x1B8E;
	s24 =	sld [smem:$0x3FFE];
	[sflag:s23] =	ssyncadd.s32 $0xFFFFFFFF  }
0xa5: {  	s26 =	simm.s32 $execute0_lowered;
	[smem:$0x3FD2] =	sst s25  }
0xa6: {  	s4 =	sshll.u32 s26, $0x1;
	_ =	strace $0x8000004F;
	[dreg:$0x1] =	wrdreg $0xFFFFFFFF  }
0xa7: {  	s28 =	simm.s32 $_size_execute0_lowered;
	s2 =	sadd.s32 s2, s4;
	[dreg:$0x0] =	wrdreg $0x0  }
0xa8: {  	s4 =	sshll.u32 s28, $0x1;
	[dreg:$0x2] =	wrdreg s2  }
0xa9: {  	[dreg:$0x3] =	wrdreg s4  }
0xaa: {  	[dreg:$0x4] =	wrdreg $0xC0  }
0xab: {  	_ =	task [dreg:s6], $0x5FFFF  }
0xac: {  	[dreg:$0x1] =	wrdreg $0xFFFFFFFF  }
0xad: {  	[dreg:$0x0] =	wrdreg $0x60  }
0xae: {  	[dreg:$0x2] =	wrdreg s24  }
0xaf: {  	[dreg:$0x3] =	wrdreg $0x78000  }
0xb0: {  	[dreg:$0x4] =	wrdreg $0x9  }
0xb1: {  	_ =	task.clear_ibuf [dreg:s6], $0x5FFFF;
	_ =	strace $0x9000004F  }
0xb2: {  	s29 =	simm.s32 $0x9;
	_ =	strace $0x80000051  }
0xb3: {  	_ =	swait.ge [sflag:s29], $0x1  }
0xb4: {  	[sflag:s29] =	ssyncadd.s32 $0xFFFFFFFF  }
0xb5: {  	_ =	strace $0x90000051  }
0xb6: {  	_ =	sfence  }
0xb7: {  	s30 =	sld [smem:$0x0];
	_ =	sdelay $0x2  }
0xb8: {  	s31 =	sshll.u32 s1, $0xD;
	s1 =	sshrl.u32 s1, $0x2  }
0xb9: {  	s3 =	sand.u32 $0x4000, s31;
	s1 =	sadd.s32 s1, s30  }
0xba: {  	s0 =	sor.u32 s3, s0;
	s1 =	sshll.u32 s1, $0x11  }
0xbb: {  	s0 =	sor.u32 s1, s0  }
0xbc: {  	s0 =	sadd.s32 $0x8F2B, s0  }
0xbd: {  	[sflag:s0] =	ssyncadd.remote.s32 $0x1  }
0xbe: {  	_ =	sfence.sel $0xFFFF  }
0xbf: {  	[dreg:$0x0] =	wrdreg $0xFFFFFFFF;
	(pc) =	sbr.abs _section_cstart, $3  }
0xc0: {  	[dreg:$0x1] =	wrdreg $0xFFFFFFFF  }
0xc1: {  	_ =	task.clear_ibuf [dreg:s6], $0x2FFFF;
	_ =	strace $0x9FFFFFFF  }
0xc2: {  	(tm) =	ssettm $0x7FFFFFFF  }
0xc3: {  	_ =	shalt  }
tec
execute0_lowered:
.L_overlay_start_1:
0x0: {  	(tag) =	ssettag $0x1  }
0x1: {  	s0 =	rddreg [dreg:$0x0]  }
0x2: {  	s1 =	rddreg [dreg:$0x1];
	s2 =	srdreg.scid;
	s3 =	simm.s32 $0x0  }
0x3: {  	s7 =	stileid.u32;
	s14 =	simm.s32 $0x7000;
	s15 =	simm.s32 $0x5  }
0x4: {  	s17 =	simm.s32 $0x80;
	s18 =	simm.s32 $0x5000;
	s19 =	simm.s32 $0x5800  }
0x5: {  	s21 =	simm.s32 $0x6000;
	s23 =	simm.s32 $0x6800;
	s28 =	simm.s32 $0x3  }
0x6: {  	s29 =	simm.s32 $0x4;
	s30 =	simm.s32 $0x4E00;
	s31 =	simm.s32 $0x4E80  }
0x7: {  	s2 =	sand.u32 $0x1, s2;
	[smem:$0x7FF] =	sst s3;
	s9 =	smul.u32 $0x2800, s7  }
0x8: {  	s4 =	sshll.u32 s2, $0x4;
	s5 =	smul.u32 $0x28000, s2;
	_ =	strace $0x80000050  }
0x9: {  	s2 =	ssub.s32 $0x2, s2;
	s4 =	sor.u32 s7, s4;
	s7 =	smul.u32 $0xA000, s7  }
0xa: {  	s24 =	sshrl.u32 s2, $0x1;
	s26 =	sadd.s32 s9, s1;
	s6 =	smul.u32 $0x500, s4  }
0xb: {  	s4 =	sadd.s32 $0x16000, s0;
	s5 =	sadd.s32 s9, s5;
	s2 =	ssub.s32 s2, s24  }
0xc: {  	s24 =	simm.s32 $0x1;
	s5 =	sshrl.u32 s5, $0x3;
	s25 =	sshrl.u32 s7, $0x2  }
0xd: {  	s9 =	smax.u32 s2, $0x1;
	s2 =	simm.s32 $0x4F80;
	s8 =	sadd.s32 s6, s0  }
0xe: {  	s0 =	sadd.s32 s5, s0;
	s5 =	sadd.s32 s25, s1;
	s25 =	sshrl.u32 s26, $0x3  }
0xf: {  	s26 =	simm.s32 $0x2;
	s6 =	sadd.s32 $0xC000, s8;
	s7 =	sadd.s32 $0x2000, s8  }
0x10: {  	s8 =	sadd.s32 $0x1B000, s0;
	s10 =	sadd.s32 $0x800, s5;
	s11 =	sadd.s32 $0x1000, s5  }
0x11: {  	v0 =	vimm.f32 $0.0e+00;
	s12 =	sadd.s32 $0x1800, s5;
	s13 =	sadd.s32 $0x2000, s5;
	s0 =	simm.s32 $0x4F00  }
.LBB2_1:
0x12: {  	s16 =	simm.s32 $0x40;
	s20 =	simm.s32 $0x0  }
.LBB2_2:
0x13: {  	p0 =	sne.s32 s16, $0x1FC0;
	[tilespmem:s20+$0x7000] =	vst v0;
	s20 =	smov.u32 s16;
	s16 =	sadd.s32 $0x40, s16  }
.Ltmp0:
0x14: {  	(pc) =	sbr.rel @p0 .LBB2_2-.Ltmp0, $2  }
0x15: {  	_ =	sdelay $0x2  }
0x16: {  	s20 =	sshra.s32 s20, $0x2  }
0x17: {  	[tilespmem:s20+$0x7000] =	vst v0  }
0x18: {  	[spmem:s5] =	stream.linear.scatter [tilespmem:s14], [sflag:$0x5], $0x800, $0x38;
	[tilespmem:$0xA000] =	vst v63  }
0x19: {  	_ =	swait.ge [sflag:s15], $0x800  }
0x1a: {  	[sflag:s15] =	ssyncset.done $0x0  }
0x1b: {  	[sflag:s15] =	ssyncadd.s32 $0xFFFFF800  }
0x1c: {  	[spmem:s10] =	stream.linear.scatter [tilespmem:s14], [sflag:$0x5], $0x800, $0x38;
	[tilespmem:$0xA000] =	vst v63  }
0x1d: {  	_ =	swait.ge [sflag:s15], $0x800  }
0x1e: {  	[sflag:s15] =	ssyncset.done $0x0  }
0x1f: {  	[sflag:s15] =	ssyncadd.s32 $0xFFFFF800  }
0x20: {  	[spmem:s11] =	stream.linear.scatter [tilespmem:s14], [sflag:$0x5], $0x800, $0x38;
	[tilespmem:$0xA000] =	vst v63  }
0x21: {  	_ =	swait.ge [sflag:s15], $0x800  }
0x22: {  	[sflag:s15] =	ssyncset.done $0x0  }
0x23: {  	[sflag:s15] =	ssyncadd.s32 $0xFFFFF800  }
0x24: {  	[spmem:s12] =	stream.linear.scatter [tilespmem:s14], [sflag:$0x5], $0x800, $0x38;
	[tilespmem:$0xA000] =	vst v63  }
0x25: {  	_ =	swait.ge [sflag:s15], $0x800  }
0x26: {  	[sflag:s15] =	ssyncset.done $0x0  }
0x27: {  	[sflag:s15] =	ssyncadd.s32 $0xFFFFF800  }
0x28: {  	[spmem:s13] =	stream.linear.scatter [tilespmem:s14], [sflag:$0x5], $0x800, $0x38;
	[tilespmem:$0xA000] =	vst v63  }
0x29: {  	_ =	swait.ge [sflag:s15], $0x800  }
0x2a: {  	[sflag:s15] =	ssyncset.done $0x0  }
0x2b: {  	[sflag:s15] =	ssyncadd.s32 $0xFFFFF800  }
0x2c: {  	s16 =	simm.s32 $0x0;
	[bflag:$0x0] =	sbarrier.arrive $0xFFFF  }
0x2d: {  	[tilespmem:s16], [sflag:$0x5] =	stream.linear.gather [hbm4b:s6+s16], $0x2800, $0x38;
	[tilespmem:$0xA000] =	vst v63  }
0x2e: {  	_ =	swait.ge [sflag:s15], $0x2800  }
0x2f: {  	[sflag:s15] =	ssyncset.done $0x0  }
0x30: {  	s22 =	simm.s32 $0x2800;
	[sflag:s15] =	ssyncadd.s32 $0xFFFFD800  }
0x31: {  	[tilespmem:s22], [sflag:$0x5] =	stream.linear.gather [hbm4b:s7+s16], $0x2800, $0x38;
	[tilespmem:$0xA000] =	vst v63  }
0x32: {  	_ =	swait.ge [sflag:s15], $0x2800  }
0x33: {  	[sflag:s15] =	ssyncset.done $0x0  }
0x34: {  	[sflag:s15] =	ssyncadd.s32 $0xFFFFD800  }
0x35: {  	[tilespmem:s18], [sflag:$0x1] =	stream.indirect.gather [hbm4b:s4+s17], $0x10, s16, s17, $0xb8;
	[tilespmem:$0xA000] =	vst v63  }
0x36: {  	_ = 	snop  }
0x37: {  	[tilespmem:s19], [sflag:$0x2] =	stream.indirect.gather [hbm4b:s4+s17], $0x10, s17, s17, $0xb8;
	[tilespmem:$0xA000] =	vst v63  }
0x38: {  	s22 =	simm.s32 $0x100  }
0x39: {  	[tilespmem:s21], [sflag:$0x3] =	stream.indirect.gather [hbm4b:s4+s17], $0x10, s22, s17, $0xb8;
	[tilespmem:$0xA000] =	vst v63  }
0x3a: {  	s20 =	simm.s32 $0x180  }
0x3b: {  	[tilespmem:s23], [sflag:$0x4] =	stream.indirect.gather [hbm4b:s4+s17], $0x10, s20, s17, $0xb8;
	[tilespmem:$0xA000] =	vst v63  }
0x3c: {  	_ =	swait.ge [sflag:s24], $0x800  }
0x3d: {  	[sflag:s24] =	ssyncset.done $0x0  }
0x3e: {  	s22 =	simm.s32 $0x2800;
	[sflag:s24] =	ssyncadd.s32 $0xFFFFF800  }
0x3f: {  	[spmem:s1] =	stream.indirect.scatter.add.f32 [tilespmem:s18], [sflag:$0x5], $0x10, s22, s17, $0xb8;
	[tilespmem:$0xA000] =	vst v63  }
0x40: {  	_ =	swait.ge [sflag:s15], $0x800  }
0x41: {  	[sflag:s15] =	ssyncset.done $0x0  }
0x42: {  	s20 =	simm.s32 $0x200;
	[sflag:s15] =	ssyncadd.s32 $0xFFFFF800  }
0x43: {  	[tilespmem:s18], [sflag:$0x1] =	stream.indirect.gather [hbm4b:s4+s17], $0x10, s20, s17, $0xb8;
	[tilespmem:$0xA000] =	vst v63  }
0x44: {  	_ =	swait.ge [sflag:s26], $0x800  }
0x45: {  	[sflag:s26] =	ssyncset.done $0x0  }
0x46: {  	s22 =	simm.s32 $0x2880;
	[sflag:s26] =	ssyncadd.s32 $0xFFFFF800  }
0x47: {  	[spmem:s1] =	stream.indirect.scatter.add.f32 [tilespmem:s19], [sflag:$0x5], $0x10, s22, s17, $0xb8;
	[tilespmem:$0xA000] =	vst v63  }
0x48: {  	_ =	swait.ge [sflag:s15], $0x800  }
0x49: {  	[sflag:s15] =	ssyncset.done $0x0  }
0x4a: {  	s20 =	simm.s32 $0x280;
	[sflag:s15] =	ssyncadd.s32 $0xFFFFF800  }
0x4b: {  	[tilespmem:s19], [sflag:$0x2] =	stream.indirect.gather [hbm4b:s4+s17], $0x10, s20, s17, $0xb8;
	[tilespmem:$0xA000] =	vst v63  }
0x4c: {  	_ =	swait.ge [sflag:s28], $0x800  }
0x4d: {  	[sflag:s28] =	ssyncset.done $0x0  }
0x4e: {  	s22 =	simm.s32 $0x2900;
	[sflag:s28] =	ssyncadd.s32 $0xFFFFF800  }
0x4f: {  	[spmem:s1] =	stream.indirect.scatter.add.f32 [tilespmem:s21], [sflag:$0x5], $0x10, s22, s17, $0xb8;
	[tilespmem:$0xA000] =	vst v63  }
0x50: {  	_ =	swait.ge [sflag:s15], $0x800  }
0x51: {  	[sflag:s15] =	ssyncset.done $0x0  }
0x52: {  	s20 =	simm.s32 $0x300;
	[sflag:s15] =	ssyncadd.s32 $0xFFFFF800  }
0x53: {  	[tilespmem:s21], [sflag:$0x3] =	stream.indirect.gather [hbm4b:s4+s17], $0x10, s20, s17, $0xb8;
	[tilespmem:$0xA000] =	vst v63  }
0x54: {  	_ =	swait.ge [sflag:s29], $0x800  }
0x55: {  	[sflag:s29] =	ssyncset.done $0x0  }
0x56: {  	s22 =	simm.s32 $0x2980;
	[sflag:s29] =	ssyncadd.s32 $0xFFFFF800  }
0x57: {  	[spmem:s1] =	stream.indirect.scatter.add.f32 [tilespmem:s23], [sflag:$0x5], $0x10, s22, s17, $0xb8;
	[tilespmem:$0xA000] =	vst v63  }
0x58: {  	_ =	swait.ge [sflag:s15], $0x800  }
0x59: {  	[sflag:s15] =	ssyncset.done $0x0  }
0x5a: {  	s16 =	simm.s32 $0x800;
	s20 =	simm.s32 $0x380;
	[sflag:s15] =	ssyncadd.s32 $0xFFFFF800  }
.LBB2_4:
0x5b: {  	[tilespmem:s23], [sflag:$0x4] =	stream.indirect.gather [hbm4b:s4+s17], $0x10, s20, s17, $0xb8;
	[tilespmem:$0xA000] =	vst v63  }
0x5c: {  	s20 =	smov.u32 s16  }
0x5d: {  	p0 =	sne.s32 s16, $0x9000;
	s16 =	sadd.s32 $0x800, s16;
	_ =	swait.ge [sflag:s24], $0x800  }
0x5e: {  	s20 =	sshra.s32 s20, $0x2;
	[sflag:s24] =	ssyncset.done $0x0  }
0x5f: {  	s22 =	sadd.s32 $0x2800, s20;
	[sflag:s24] =	ssyncadd.s32 $0xFFFFF800  }
0x60: {  	[spmem:s1] =	stream.indirect.scatter.add.f32 [tilespmem:s18], [sflag:$0x5], $0x10, s22, s17, $0xb8;
	[tilespmem:$0xA000] =	vst v63  }
0x61: {  	_ =	swait.ge [sflag:s15], $0x800  }
0x62: {  	[sflag:s15] =	ssyncset.done $0x0  }
0x63: {  	s22 =	sadd.s32 $0x200, s20;
	[sflag:s15] =	ssyncadd.s32 $0xFFFFF800  }
0x64: {  	[tilespmem:s18], [sflag:$0x1] =	stream.indirect.gather [hbm4b:s4+s17], $0x10, s22, s17, $0xb8;
	[tilespmem:$0xA000] =	vst v63  }
0x65: {  	_ =	swait.ge [sflag:s26], $0x800  }
0x66: {  	[sflag:s26] =	ssyncset.done $0x0  }
0x67: {  	s22 =	sadd.s32 $0x2880, s20;
	[sflag:s26] =	ssyncadd.s32 $0xFFFFF800  }
0x68: {  	[spmem:s1] =	stream.indirect.scatter.add.f32 [tilespmem:s19], [sflag:$0x5], $0x10, s22, s17, $0xb8;
	[tilespmem:$0xA000] =	vst v63  }
0x69: {  	_ =	swait.ge [sflag:s15], $0x800  }
0x6a: {  	[sflag:s15] =	ssyncset.done $0x0  }
0x6b: {  	s22 =	sadd.s32 $0x280, s20;
	[sflag:s15] =	ssyncadd.s32 $0xFFFFF800  }
0x6c: {  	[tilespmem:s19], [sflag:$0x2] =	stream.indirect.gather [hbm4b:s4+s17], $0x10, s22, s17, $0xb8;
	[tilespmem:$0xA000] =	vst v63  }
0x6d: {  	_ =	swait.ge [sflag:s28], $0x800  }
0x6e: {  	[sflag:s28] =	ssyncset.done $0x0  }
0x6f: {  	s22 =	sadd.s32 $0x2900, s20;
	[sflag:s28] =	ssyncadd.s32 $0xFFFFF800  }
0x70: {  	[spmem:s1] =	stream.indirect.scatter.add.f32 [tilespmem:s21], [sflag:$0x5], $0x10, s22, s17, $0xb8;
	[tilespmem:$0xA000] =	vst v63  }
0x71: {  	_ =	swait.ge [sflag:s15], $0x800  }
0x72: {  	[sflag:s15] =	ssyncset.done $0x0  }
0x73: {  	s22 =	sadd.s32 $0x300, s20;
	[sflag:s15] =	ssyncadd.s32 $0xFFFFF800  }
0x74: {  	[tilespmem:s21], [sflag:$0x3] =	stream.indirect.gather [hbm4b:s4+s17], $0x10, s22, s17, $0xb8;
	[tilespmem:$0xA000] =	vst v63  }
0x75: {  	_ =	swait.ge [sflag:s29], $0x800  }
0x76: {  	[sflag:s29] =	ssyncset.done $0x0  }
.Ltmp1:
0x77: {  	s22 =	sadd.s32 $0x2980, s20;
	[sflag:s29] =	ssyncadd.s32 $0xFFFFF800;
	(pc) =	sbr.rel @p0 .LBB2_4-.Ltmp1, $4  }
0x78: {  	[spmem:s1] =	stream.indirect.scatter.add.f32 [tilespmem:s23], [sflag:$0x5], $0x10, s22, s17, $0xb8;
	[tilespmem:$0xA000] =	vst v63  }
0x79: {  	_ =	swait.ge [sflag:s15], $0x800  }
0x7a: {  	[sflag:s15] =	ssyncset.done $0x0  }
0x7b: {  	s20 =	sadd.s32 $0x380, s20;
	[sflag:s15] =	ssyncadd.s32 $0xFFFFF800  }
0x7c: {  	[tilespmem:s23], [sflag:$0x4] =	stream.indirect.gather [hbm4b:s4+s17], $0x10, s20, s17, $0xb8;
	[tilespmem:$0xA000] =	vst v63  }
0x7d: {  	_ =	swait.ge [sflag:s24], $0x800  }
0x7e: {  	[sflag:s24] =	ssyncset.done $0x0  }
0x7f: {  	[sflag:s24] =	ssyncadd.s32 $0xFFFFF800  }
0x80: {  	[spmem:s1] =	stream.indirect.scatter.add.f32 [tilespmem:s18], [sflag:$0x5], $0x10, s30, s17, $0xb8;
	[tilespmem:$0xA000] =	vst v63  }
0x81: {  	_ =	swait.ge [sflag:s15], $0x800  }
0x82: {  	[sflag:s15] =	ssyncset.done $0x0  }
0x83: {  	[sflag:s15] =	ssyncadd.s32 $0xFFFFF800  }
0x84: {  	_ =	swait.ge [sflag:s26], $0x800  }
0x85: {  	[sflag:s26] =	ssyncset.done $0x0  }
0x86: {  	[sflag:s26] =	ssyncadd.s32 $0xFFFFF800  }
0x87: {  	[spmem:s1] =	stream.indirect.scatter.add.f32 [tilespmem:s19], [sflag:$0x5], $0x10, s31, s17, $0xb8;
	[tilespmem:$0xA000] =	vst v63  }
0x88: {  	_ =	swait.ge [sflag:s15], $0x800  }
0x89: {  	[sflag:s15] =	ssyncset.done $0x0  }
0x8a: {  	[sflag:s15] =	ssyncadd.s32 $0xFFFFF800  }
0x8b: {  	_ =	swait.ge [sflag:s28], $0x800  }
0x8c: {  	[sflag:s28] =	ssyncset.done $0x0  }
0x8d: {  	[sflag:s28] =	ssyncadd.s32 $0xFFFFF800  }
0x8e: {  	[spmem:s1] =	stream.indirect.scatter.add.f32 [tilespmem:s21], [sflag:$0x5], $0x10, s0, s17, $0xb8;
	[tilespmem:$0xA000] =	vst v63  }
0x8f: {  	_ =	swait.ge [sflag:s15], $0x800  }
0x90: {  	[sflag:s15] =	ssyncset.done $0x0  }
0x91: {  	[sflag:s15] =	ssyncadd.s32 $0xFFFFF800  }
0x92: {  	_ =	swait.ge [sflag:s29], $0x800  }
0x93: {  	[sflag:s29] =	ssyncset.done $0x0  }
0x94: {  	[sflag:s29] =	ssyncadd.s32 $0xFFFFF800  }
0x95: {  	[spmem:s1] =	stream.indirect.scatter.add.f32 [tilespmem:s23], [sflag:$0x5], $0x10, s2, s17, $0xb8;
	[tilespmem:$0xA000] =	vst v63  }
0x96: {  	_ =	swait.ge [sflag:s15], $0x800  }
0x97: {  	s16 =	stileid.u32;
	s3 =	sadd.s32 $0x1, s3;
	[sflag:s15] =	ssyncset.done $0x0  }
0x98: {  	s16 =	sshll.u32 s16, $0x6;
	p0 =	sne.s32 s3, s9;
	[sflag:s15] =	ssyncadd.s32 $0xFFFFF800  }
.Ltmp2:
0x99: {  	s16 =	sor.u32 $0x1C05, s16;
	[bflag:$0x0] =	sbarrier.arrive $0xFFFF;
	(pc) =	sbr.rel @p0 .LBB2_1-.Ltmp2, $4  }
0x9a: {  	[hbm:s8], [sflag:s16] =	dma.local [spmem:s25], $0x500  }
0x9b: {  	_ =	swait.ge [sflag:s15], $0x500  }
0x9c: {  	[sflag:s15] =	ssyncset.done $0x0  }
0x9d: {  	[sflag:s15] =	ssyncadd.s32 $0xFFFFFB00  }
0x9e: {  	_ =	sfence.sel $0x180000  }
0x9f: {  	[bflag:$0x0] =	sbarrier.arrive $0xFFFF  }
0xa0: {  	_ =	strace $0x90000050  }
0xa1: {  	s0 =	stileid.u32;
	[bflag:$0x2] =	sbarrier.arrive $0xFFFF  }
0xa2: {  	p0 =	sne.s32 s0, $0x0;
	s0 =	rddreg [dreg:$0x2]  }
0xa3: {  	s0 =	sadd.s32 @!p0 $0x100000, s0  }
0xa4: {  	[sflag:s0] =	ssyncadd.tile.s32 @!p0 $0x1;
	_ =	shalt  }
.Lfunc_end2:
_tile_overlayer_lowered:
.L_overlay_start_2:
0xa5: {  	(tag) =	ssettag $0x2  }
0xa6: {  	s0 =	rddreg [dreg:$0x0];
	s2 =	stileid.u32  }
0xa7: {  	s1 =	rddreg [dreg:$0x1];
	p0 =	sne.s32 s2, $0x0  }
0xa8: {  	s3 =	rddreg [dreg:$0x2];
	[bflag:$0x3] =	sbarrier.arrive $0xFFFF;
	s2 =	simm.s32 @!p0 $0x1C05  }
0xa9: {  	[timem:s3], [sflag:s2] =	dma.local @!p0 [hbm:s0], s1  }
0xaa: {  	s0 =	simm.s32 @!p0 $0x5  }
0xab: {  	_ =	swait.ge @!p0 [sflag:s0], s1  }
0xac: {  	s1 =	ssub.s32 @!p0 $0x0, s1;
	[sflag:s0] =	ssyncset.done @!p0 $0x0  }
0xad: {  	[sflag:s0] =	ssyncadd.s32 @!p0 s1  }
0xae: {  	[bflag:$0x3] =	sbarrier.arrive $0xFFFF  }
0xaf: {  	_ =	shalt  }

// kernel: kernel.9.cloned.1.call-start
scs
__scs_entry_jumppad:
0x0: {  	(pc) =	sbr.rel $0x88, $3  }
0x1: {  	(tag) =	ssettag $0x0;
	lr =	simm.s32 $0x1  }
0x2: {  	[smem:$0x3F9B] =	sst lr;
	_ =	strace $0xD0000000  }
0x3: {  	_ = 	snop  }
0x4: {  	_ = 	snop  }
0x5: {  	_ = 	snop  }
0x6: {  	_ = 	snop  }
0x7: {  	_ = 	snop  }
__scs_overlays_trampoline_lowered:
0x8: {  	[smem:$0x3FAA] =	sst s0  }
0x9: {  	[smem:$0x3FAB] =	sst s1  }
0xa: {  	[smem:$0x3FAC] =	sst s2  }
0xb: {  	[smem:$0x3FAD] =	sst s3  }
0xc: {  	[smem:$0x3FAE] =	sst s4  }
0xd: {  	[smem:$0x3FAF] =	sst s5  }
0xe: {  	[smem:$0x3FB0] =	sst s6  }
0xf: {  	[smem:$0x3FB1] =	sst s7  }
0x10: {  	[smem:$0x3FB2] =	sst s8  }
0x11: {  	[smem:$0x3FB3] =	sst s9;
	s0 =	simm.s32 @!p0 $0x0  }
0x12: {  	s1 =	sld [smem:$0x3F99];
	s0 =	simm.s32 @p0 $0x1  }
0x13: {  	[smem:$0x3FB4] =	sst s0;
	s0 =	simm.s32 @!p1 $0x0  }
0x14: {  	s2 =	sld [smem:$0x3F98];
	s0 =	simm.s32 @p1 $0x1  }
0x15: {  	[smem:$0x3FB5] =	sst s0;
	s0 =	simm.s32 @!p2 $0x0  }
0x16: {  	s3 =	sld [smem:$0x3FDB];
	s0 =	simm.s32 @p2 $0x1  }
0x17: {  	s4 =	simm.s32 $0x1BF5;
	[smem:$0x3FB7] =	sst s0  }
0x18: {  	s0 =	sld [smem:$0x3F9A];
	_ =	swait.ge [sflag:s4], $0x0  }
0x19: {  	s7 =	sld [smem:$0x3F9B]  }
0x1a: {  	s8 =	sadd.s32 $0xFFFFE003, lr  }
0x1b: {  	s9 =	sadd.s32 $0xFFFFFEF7, lr;
	s5 =	simm.s32 $0xFFFFFFFF;
	p2 =	slt.u32 s8, $0xFFFFF086  }
0x1c: {  	p1 =	slt.u32 s9, $0xF7A;
	s5 =	simm.s32 @!p2 $0x0  }
0x1d: {  	s5 =	simm.s32 @p1 $0x1;
	p0 =	seq.s32 s7, s2  }
0x1e: {  	s7 =	smul.u32 @!p0 $0xF7A, s2;
	p2 =	seq.s32 @!p0 s5, $0x0  }
0x1f: {  	s9 =	smul.u32 $0xF7A, s1;
	s8 =	simm.s32 @!p0 $0x1BF5;
	p2 =	por !p2, p0  }
0x20: {  	[sflag:s8] =	ssyncset.s32 @!p0 $0xFFFFF086;
	s6 =	sadd.s32 @!p0 s3, s7;
	s7 =	simm.s32 @!p0 $0x108  }
0x21: {  	s3 =	sadd.s32 s3, s9;
	s6 =	sadd.s32 @!p0 $0x88, s6;
	s7 =	simm.s32 @p2 $0x1082  }
0x22: {  	[simem:s7], [sflag:s8] =	dma.local @!p0 [hbm:s6], $0xF7A  }
0x23: {  	s9 =	sor.u32 $0xD0000000, s2;
	s6 =	simm.s32 $0x108;
	_ =	swait.ge @!p0 [sflag:s8], $0x0  }
0x24: {  	s3 =	sadd.s32 $0x88, s3;
	s6 =	simm.s32 @!p1 $0x1082;
	[sflag:s4] =	ssyncset.s32 $0xFFFFF086  }
0x25: {  	[simem:s6], [sflag:s4] =	dma.local [hbm:s3], $0xF7A  }
0x26: {  	[smem:$0x3F9B] =	sst s1;
	(tag) =	ssettag s2;
	_ =	strace s9  }
0x27: {  	s1 =	sld [smem:$0x3FAB]  }
0x28: {  	s2 =	sld [smem:$0x3FAC]  }
0x29: {  	s4 =	sld [smem:$0x3FAE]  }
0x2a: {  	p0 =	seq.s32 s5, $0x0;
	s5 =	sld [smem:$0x3FAF]  }
0x2b: {  	s6 =	sld [smem:$0x3FB0]  }
0x2c: {  	s7 =	sld [smem:$0x3FB1]  }
0x2d: {  	s3 =	simm.s32 $0x108;
	s8 =	sld [smem:$0x3FB2]  }
0x2e: {  	s3 =	simm.s32 @!p0 $0x1082;
	s9 =	sld [smem:$0x3FB3]  }
0x2f: {  	lr =	sadd.s32 s0, s3;
	s0 =	sld [smem:$0x3FAA]  }
0x30: {  	s3 =	sld [smem:$0x3FAD]  }
0x31: {  	[smem:$0x3FB6] =	sst s10  }
0x32: {  	s10 =	sld [smem:$0x3FB4];
	_ =	sdelay $0x3  }
0x33: {  	p0 =	seq.s32 s10, $0x1;
	s10 =	sld [smem:$0x3FB6];
	_ =	sdelay $0x3  }
0x34: {  	[smem:$0x3FB6] =	sst s10  }
0x35: {  	s10 =	sld [smem:$0x3FB5];
	_ =	sdelay $0x3  }
0x36: {  	p1 =	seq.s32 s10, $0x1;
	s10 =	sld [smem:$0x3FB6];
	_ =	sdelay $0x3  }
0x37: {  	[smem:$0x3FB6] =	sst s10  }
0x38: {  	s10 =	sld [smem:$0x3FB7]  }
0x39: {  	_ = 	snop;
	(pc) =	sbr.ind lr, $3  }
0x3a: {  	_ = 	snop  }
0x3b: {  	_ = 	snop  }
0x3c: {  	p2 =	seq.s32 s10, $0x1;
	s10 =	sld [smem:$0x3FB6]  }
0x3d: {  	_ =	shalt  }
0x3e: {  	_ =	shalt  }
0x3f: {  	_ =	shalt  }
0x40: {  	_ =	shalt  }
0x41: {  	_ =	shalt  }
0x42: {  	_ =	shalt  }
0x43: {  	_ =	shalt  }
0x44: {  	_ =	shalt  }
0x45: {  	_ =	shalt  }
0x46: {  	_ =	shalt  }
0x47: {  	_ =	shalt  }
0x48: {  	_ =	shalt  }
0x49: {  	_ =	shalt  }
0x4a: {  	_ =	shalt  }
0x4b: {  	_ =	shalt  }
0x4c: {  	_ =	shalt  }
0x4d: {  	_ =	shalt  }
0x4e: {  	_ =	shalt  }
0x4f: {  	_ =	shalt  }
0x50: {  	_ =	shalt  }
0x51: {  	_ =	shalt  }
0x52: {  	_ =	shalt  }
0x53: {  	_ =	shalt  }
0x54: {  	_ =	shalt  }
0x55: {  	_ =	shalt  }
0x56: {  	_ =	shalt  }
0x57: {  	_ =	shalt  }
0x58: {  	_ =	shalt  }
0x59: {  	_ =	shalt  }
0x5a: {  	_ =	shalt  }
0x5b: {  	_ =	shalt  }
0x5c: {  	_ =	shalt  }
0x5d: {  	_ =	shalt  }
0x5e: {  	_ =	shalt  }
0x5f: {  	_ =	shalt  }
0x60: {  	_ =	shalt  }
0x61: {  	_ =	shalt  }
0x62: {  	_ =	shalt  }
0x63: {  	_ =	shalt  }
0x64: {  	_ =	shalt  }
0x65: {  	_ =	shalt  }
0x66: {  	_ =	shalt  }
0x67: {  	_ =	shalt  }
0x68: {  	_ =	shalt  }
0x69: {  	_ =	shalt  }
0x6a: {  	_ =	shalt  }
0x6b: {  	_ =	shalt  }
0x6c: {  	_ =	shalt  }
0x6d: {  	_ =	shalt  }
0x6e: {  	_ =	shalt  }
0x6f: {  	_ =	shalt  }
0x70: {  	_ =	shalt  }
0x71: {  	_ =	shalt  }
0x72: {  	_ =	shalt  }
0x73: {  	_ =	shalt  }
0x74: {  	_ =	shalt  }
0x75: {  	_ =	shalt  }
0x76: {  	_ =	shalt  }
0x77: {  	_ =	shalt  }
0x78: {  	_ =	shalt  }
0x79: {  	_ =	shalt  }
0x7a: {  	_ =	shalt  }
0x7b: {  	_ =	shalt  }
0x7c: {  	_ =	shalt  }
0x7d: {  	_ =	shalt  }
0x7e: {  	_ =	shalt  }
0x7f: {  	_ =	shalt  }
0x80: {  	_ =	shalt  }
0x81: {  	_ =	shalt  }
0x82: {  	_ =	shalt  }
0x83: {  	_ =	shalt  }
0x84: {  	_ =	shalt  }
0x85: {  	_ =	shalt  }
0x86: {  	_ =	shalt  }
0x87: {  	_ =	shalt  }
.Lfunc_end0:
.L_simem_size_0:
called_computation_lowered:
.L_overlay_start_0:
0x88: {  	s2 =	sld [smem:$0x3FD9]  }
0x89: {  	s3 =	sld [smem:$0x3FFE];
	_ =	sdelay $0x1  }
0x8a: {  	s1 =	srdreg.scid  }
0x8b: {  	s0 =	sand.u32 $0x1, s1  }
0x8c: {  	s16 =	sshll.u32 s0, $0xA;
	s2 =	sadd.s32 s3, s2  }
0x8d: {  	s2 =	sadd.s32 s2, s16  }
0x8e: {  	[smem:$0x3FC2] =	sst s2  }
0x8f: {  	_ = 	snop  }
0x90: {  	(tm) =	ssettm $0x1  }
0x91: {  	s17 =	sld [smem:$0x3FFB];
	_ =	sdelay $0x3  }
0x92: {  	_ =	strace s17  }
0x93: {  	s2 =	sld [smem:$0x3FFC];
	_ =	sdelay $0x3  }
0x94: {  	_ =	strace s2  }
0x95: {  	s2 =	sld [smem:$0x3FFD];
	_ =	sdelay $0x3  }
0x96: {  	_ =	strace s2  }
0x97: {  	_ =	strace $0x8FFFFFFF  }
0x98: {  	s18 =	sld [smem:$0x3FDB];
	_ =	sdelay $0x1  }
0x99: {  	s19 =	simm.s32 $_scs_section_size  }
0x9a: {  	s4 =	simm.s32 $_size__tile_overlayer_lowered;
	s5 =	simm.s32 $_tile_overlayer_lowered  }
0x9b: {  	s22 =	simm.s32 $0x1BFF;
	s21 =	sshll.u32 s5, $0x1;
	s2 =	sadd.s32 s19, s18  }
0x9c: {  	s6 =	simm.s32 $0x0;
	s20 =	sshll.u32 s4, $0x1;
	s4 =	sadd.s32 s21, s2  }
0x9d: {  	[timem:s6], [sflag:s22] =	dma.local [hbm:s4], s20  }
0x9e: {  	_ =	swait.ge [sflag:s22], s20  }
0x9f: {  	s3 =	ssub.s32 $0x0, s20;
	[sflag:s22] =	ssyncset.done $0x0  }
0xa0: {  	[sflag:s22] =	ssyncadd.s32 s3;
	_ =	sdelay $0x1  }
0xa1: {  	s23 =	simm.s32 $0x1B8B  }
0xa2: {  	_ =	swait.ge [sflag:s23], $0x1  }
0xa3: {  	[sflag:s23] =	ssyncset.done $0x0  }
0xa4: {  	s25 =	simm.s32 $0x1B8E;
	s24 =	sld [smem:$0x3FFE];
	[sflag:s23] =	ssyncadd.s32 $0xFFFFFFFF  }
0xa5: {  	s26 =	simm.s32 $execute0_lowered;
	[smem:$0x3FD2] =	sst s25  }
0xa6: {  	s4 =	sshll.u32 s26, $0x1;
	_ =	strace $0x80000046;
	[dreg:$0x1] =	wrdreg $0xFFFFFFFF  }
0xa7: {  	s28 =	simm.s32 $_size_execute0_lowered;
	s2 =	sadd.s32 s2, s4;
	[dreg:$0x0] =	wrdreg $0x0  }
0xa8: {  	s4 =	sshll.u32 s28, $0x1;
	[dreg:$0x2] =	wrdreg s2  }
0xa9: {  	[dreg:$0x3] =	wrdreg s4  }
0xaa: {  	[dreg:$0x4] =	wrdreg $0xC0  }
0xab: {  	_ =	task [dreg:s6], $0x5FFFF  }
0xac: {  	[dreg:$0x1] =	wrdreg $0xFFFFFFFF  }
0xad: {  	[dreg:$0x0] =	wrdreg $0x60  }
0xae: {  	[dreg:$0x2] =	wrdreg s24  }
0xaf: {  	[dreg:$0x3] =	wrdreg $0x38000  }
0xb0: {  	[dreg:$0x4] =	wrdreg $0x60000  }
0xb1: {  	[dreg:$0x5] =	wrdreg $0x9  }
0xb2: {  	_ =	task.clear_ibuf [dreg:s6], $0x6FFFF;
	_ =	strace $0x90000046  }
0xb3: {  	s29 =	simm.s32 $0x9;
	_ =	strace $0x80000048  }
0xb4: {  	_ =	swait.ge [sflag:s29], $0x1  }
0xb5: {  	[sflag:s29] =	ssyncadd.s32 $0xFFFFFFFF  }
0xb6: {  	_ =	strace $0x90000048  }
0xb7: {  	_ =	sfence  }
0xb8: {  	s30 =	sld [smem:$0x0];
	_ =	sdelay $0x2  }
0xb9: {  	s31 =	sshll.u32 s1, $0xD;
	s1 =	sshrl.u32 s1, $0x2  }
0xba: {  	s3 =	sand.u32 $0x4000, s31;
	s1 =	sadd.s32 s1, s30  }
0xbb: {  	s0 =	sor.u32 s3, s0;
	s1 =	sshll.u32 s1, $0x11  }
0xbc: {  	s0 =	sor.u32 s1, s0  }
0xbd: {  	s0 =	sadd.s32 $0x8F2B, s0  }
0xbe: {  	[sflag:s0] =	ssyncadd.remote.s32 $0x1  }
0xbf: {  	_ =	sfence.sel $0xFFFF  }
0xc0: {  	[dreg:$0x0] =	wrdreg $0xFFFFFFFF;
	(pc) =	sbr.abs _section_cstart, $3  }
0xc1: {  	[dreg:$0x1] =	wrdreg $0xFFFFFFFF  }
0xc2: {  	_ =	task.clear_ibuf [dreg:s6], $0x2FFFF;
	_ =	strace $0x9FFFFFFF  }
0xc3: {  	(tm) =	ssettm $0x7FFFFFFF  }
tec
execute0_lowered:
.L_overlay_start_1:
0x0: {  	(tag) =	ssettag $0x1  }
0x1: {  	s5 =	rddreg [dreg:$0x0]  }
0x2: {  	s1 =	srdreg.scid;
	s2 =	rddreg [dreg:$0x1]  }
0x3: {  	s0 =	stileid.u32;
	s3 =	rddreg [dreg:$0x2];
	s4 =	simm.s32 $0x0  }
0x4: {  	s20 =	simm.s32 $0x3000;
	s21 =	simm.s32 $0x1;
	s22 =	simm.s32 $0x80  }
0x5: {  	s23 =	simm.s32 $0x2800;
	s6 =	sand.u32 $0x1, s1;
	s1 =	rddreg [dreg:$0x3]  }
0x6: {  	s18 =	smul.u32 $0x2800, s0;
	[smem:$0x7FF] =	sst s4;
	s7 =	sshll.u32 s6, $0x4  }
0x7: {  	s8 =	smul.u32 $0x28000, s6;
	_ =	strace $0x80000047;
	s6 =	ssub.s32 $0x2, s6  }
0x8: {  	s7 =	sor.u32 s0, s7;
	s31 =	sshrl.u32 s6, $0x1;
	s10 =	sadd.s32 s18, s3  }
0x9: {  	s13 =	sadd.s32 $0x800, s18;
	s15 =	sadd.s32 $0x1000, s18;
	s17 =	sadd.s32 $0x1800, s18  }
0xa: {  	s19 =	sadd.s32 $0x2000, s18;
	s7 =	smul.u32 $0x500, s7;
	s8 =	sadd.s32 s18, s8  }
0xb: {  	s11 =	ssub.s32 s6, s31;
	s12 =	sadd.s32 s13, s2;
	s13 =	sadd.s32 s13, s3  }
0xc: {  	s14 =	sadd.s32 s15, s2;
	s15 =	sadd.s32 s15, s3;
	s16 =	sadd.s32 s17, s2  }
0xd: {  	s17 =	sadd.s32 s17, s3;
	s8 =	sshrl.u32 s8, $0x3;
	s11 =	smax.u32 s11, $0x1  }
0xe: {  	s7 =	sadd.s32 s7, s5;
	s9 =	sadd.s32 s8, s5;
	s8 =	sadd.s32 s18, s2  }
0xf: {  	s18 =	sadd.s32 s19, s2;
	s19 =	sadd.s32 s19, s3;
	s5 =	sadd.s32 $0xC000, s7  }
0x10: {  	v0 =	vimm.f32 $1.000000000e+00;
	v1 =	vimm.f32 $0.0e+00;
	s6 =	sadd.s32 $0x2000, s7;
	s7 =	sadd.s32 $0x16000, s9;
	s9 =	sadd.s32 $0x20000, s9  }
.LBB2_1:
0x11: {  	s24 =	simm.s32 $0x0  }
.LBB2_2:
0x12: {  	p0 =	sne.s32 s24, $0x1FC0  }
.Ltmp0:
0x13: {  	_ = 	snop;
	(pc) =	sbr.rel @p0 .LBB2_2-.Ltmp0, $3  }
0x14: {  	_ =	sdelay $0x1  }
0x15: {  	s25 =	sshra.s32 s24, $0x2  }
0x16: {  	s24 =	sadd.s32 $0x40, s24;
	[tilespmem:s25+$0x2800] =	vst v0  }
0x17: {  	s24 =	simm.s32 $0x40;
	s25 =	simm.s32 $0x0  }
.LBB2_4:
0x18: {  	p0 =	sne.s32 s24, $0x1FC0;
	[tilespmem:s25+$0x3000] =	vst v1;
	s25 =	smov.u32 s24;
	s24 =	sadd.s32 $0x40, s24  }
.Ltmp1:
0x19: {  	(pc) =	sbr.rel @p0 .LBB2_4-.Ltmp1, $2  }
0x1a: {  	_ =	sdelay $0x2  }
0x1b: {  	s25 =	sshra.s32 s25, $0x2  }
0x1c: {  	[tilespmem:s25+$0x3000] =	vst v1  }
0x1d: {  	[spmem:s8] =	stream.linear.scatter [tilespmem:s20], [sflag:$0x1], $0x800, $0x38;
	[tilespmem:$0x8800] =	vst v63  }
0x1e: {  	_ =	swait.ge [sflag:s21], $0x800  }
0x1f: {  	[sflag:s21] =	ssyncset.done $0x0  }
0x20: {  	[sflag:s21] =	ssyncadd.s32 $0xFFFFF800  }
0x21: {  	[spmem:s10] =	stream.linear.scatter [tilespmem:s20], [sflag:$0x1], $0x800, $0x38;
	[tilespmem:$0x8800] =	vst v63  }
0x22: {  	_ =	swait.ge [sflag:s21], $0x800  }
0x23: {  	[sflag:s21] =	ssyncset.done $0x0  }
0x24: {  	[sflag:s21] =	ssyncadd.s32 $0xFFFFF800  }
0x25: {  	[spmem:s12] =	stream.linear.scatter [tilespmem:s20], [sflag:$0x1], $0x800, $0x38;
	[tilespmem:$0x8800] =	vst v63  }
0x26: {  	_ =	swait.ge [sflag:s21], $0x800  }
0x27: {  	[sflag:s21] =	ssyncset.done $0x0  }
0x28: {  	[sflag:s21] =	ssyncadd.s32 $0xFFFFF800  }
0x29: {  	[spmem:s13] =	stream.linear.scatter [tilespmem:s20], [sflag:$0x1], $0x800, $0x38;
	[tilespmem:$0x8800] =	vst v63  }
0x2a: {  	_ =	swait.ge [sflag:s21], $0x800  }
0x2b: {  	[sflag:s21] =	ssyncset.done $0x0  }
0x2c: {  	[sflag:s21] =	ssyncadd.s32 $0xFFFFF800  }
0x2d: {  	[spmem:s14] =	stream.linear.scatter [tilespmem:s20], [sflag:$0x1], $0x800, $0x38;
	[tilespmem:$0x8800] =	vst v63  }
0x2e: {  	_ =	swait.ge [sflag:s21], $0x800  }
0x2f: {  	[sflag:s21] =	ssyncset.done $0x0  }
0x30: {  	[sflag:s21] =	ssyncadd.s32 $0xFFFFF800  }
0x31: {  	[spmem:s15] =	stream.linear.scatter [tilespmem:s20], [sflag:$0x1], $0x800, $0x38;
	[tilespmem:$0x8800] =	vst v63  }
0x32: {  	_ =	swait.ge [sflag:s21], $0x800  }
0x33: {  	[sflag:s21] =	ssyncset.done $0x0  }
0x34: {  	[sflag:s21] =	ssyncadd.s32 $0xFFFFF800  }
0x35: {  	[spmem:s16] =	stream.linear.scatter [tilespmem:s20], [sflag:$0x1], $0x800, $0x38;
	[tilespmem:$0x8800] =	vst v63  }
0x36: {  	_ =	swait.ge [sflag:s21], $0x800  }
0x37: {  	[sflag:s21] =	ssyncset.done $0x0  }
0x38: {  	[sflag:s21] =	ssyncadd.s32 $0xFFFFF800  }
0x39: {  	[spmem:s17] =	stream.linear.scatter [tilespmem:s20], [sflag:$0x1], $0x800, $0x38;
	[tilespmem:$0x8800] =	vst v63  }
0x3a: {  	_ =	swait.ge [sflag:s21], $0x800  }
0x3b: {  	[sflag:s21] =	ssyncset.done $0x0  }
0x3c: {  	[sflag:s21] =	ssyncadd.s32 $0xFFFFF800  }
0x3d: {  	[spmem:s18] =	stream.linear.scatter [tilespmem:s20], [sflag:$0x1], $0x800, $0x38;
	[tilespmem:$0x8800] =	vst v63  }
0x3e: {  	_ =	swait.ge [sflag:s21], $0x800  }
0x3f: {  	[sflag:s21] =	ssyncset.done $0x0  }
0x40: {  	[sflag:s21] =	ssyncadd.s32 $0xFFFFF800  }
0x41: {  	[spmem:s19] =	stream.linear.scatter [tilespmem:s20], [sflag:$0x1], $0x800, $0x38;
	[tilespmem:$0x8800] =	vst v63  }
0x42: {  	_ =	swait.ge [sflag:s21], $0x800  }
0x43: {  	[sflag:s21] =	ssyncset.done $0x0  }
0x44: {  	[sflag:s21] =	ssyncadd.s32 $0xFFFFF800  }
0x45: {  	s24 =	simm.s32 $0x0;
	[bflag:$0x0] =	sbarrier.arrive $0xFFFF  }
0x46: {  	[tilespmem:s24], [sflag:$0x1] =	stream.linear.gather [hbm4b:s5+s24], $0x2800, $0x38;
	[tilespmem:$0x8800] =	vst v63  }
0x47: {  	_ =	swait.ge [sflag:s21], $0x2800  }
0x48: {  	[sflag:s21] =	ssyncset.done $0x0  }
0x49: {  	s31 =	simm.s32 $0x0;
	[sflag:s21] =	ssyncadd.s32 $0xFFFFD800  }
0x4a: {  	[spmem:s2] =	stream.indirect.scatter.add.f32 [tilespmem:s23], [sflag:$0x1], $0x10, s31, s22, $0xb8;
	[tilespmem:$0x8800] =	vst v63  }
0x4b: {  	_ =	swait.ge [sflag:s21], $0x800  }
0x4c: {  	s24 =	simm.s32 $0x200;
	[sflag:s21] =	ssyncset.done $0x0  }
.LBB2_6:
0x4d: {  	s25 =	sshra.s32 s24, $0x2;
	[sflag:s21] =	ssyncadd.s32 $0xFFFFF800;
	p0 =	sne.s32 s24, $0x9E00  }
0x4e: {  	[spmem:s2] =	stream.indirect.scatter.add.f32 [tilespmem:s23], [sflag:$0x1], $0x10, s25, s22, $0xb8;
	[tilespmem:$0x8800] =	vst v63  }
.Ltmp2:
0x4f: {  	_ = 	snop;
	(pc) =	sbr.rel @p0 .LBB2_6-.Ltmp2, $4  }
0x50: {  	_ = 	snop  }
0x51: {  	s24 =	sadd.s32 $0x200, s24  }
0x52: {  	_ =	swait.ge [sflag:s21], $0x800  }
0x53: {  	[sflag:s21] =	ssyncset.done $0x0  }
0x54: {  	[sflag:s21] =	ssyncadd.s32 $0xFFFFF800;
	s24 =	simm.s32 $0x0  }
0x55: {  	[tilespmem:s24], [sflag:$0x1] =	stream.linear.gather [hbm4b:s6+s24], $0x2800, $0x38;
	[tilespmem:$0x8800] =	vst v63  }
0x56: {  	_ =	swait.ge [sflag:s21], $0x2800  }
0x57: {  	[sflag:s21] =	ssyncset.done $0x0  }
0x58: {  	s31 =	simm.s32 $0x0;
	[sflag:s21] =	ssyncadd.s32 $0xFFFFD800  }
0x59: {  	[spmem:s3] =	stream.indirect.scatter.add.f32 [tilespmem:s23], [sflag:$0x1], $0x10, s31, s22, $0xb8;
	[tilespmem:$0x8800] =	vst v63  }
0x5a: {  	_ =	swait.ge [sflag:s21], $0x800  }
0x5b: {  	s24 =	simm.s32 $0x200;
	[sflag:s21] =	ssyncset.done $0x0  }
.LBB2_8:
0x5c: {  	s25 =	sshra.s32 s24, $0x2;
	[sflag:s21] =	ssyncadd.s32 $0xFFFFF800;
	p0 =	sne.s32 s24, $0x9E00  }
0x5d: {  	[spmem:s3] =	stream.indirect.scatter.add.f32 [tilespmem:s23], [sflag:$0x1], $0x10, s25, s22, $0xb8;
	[tilespmem:$0x8800] =	vst v63  }
.Ltmp3:
0x5e: {  	_ = 	snop;
	(pc) =	sbr.rel @p0 .LBB2_8-.Ltmp3, $4  }
0x5f: {  	_ = 	snop  }
0x60: {  	s24 =	sadd.s32 $0x200, s24  }
0x61: {  	_ =	swait.ge [sflag:s21], $0x800  }
0x62: {  	[sflag:s21] =	ssyncset.done $0x0  }
0x63: {  	[sflag:s21] =	ssyncadd.s32 $0xFFFFF800;
	s24 =	sshll.u32 s0, $0x6  }
0x64: {  	s25 =	sshrl.u32 s8, $0x3;
	[bflag:$0x0] =	sbarrier.arrive $0xFFFF;
	s24 =	sor.u32 $0x1C01, s24  }
0x65: {  	[hbm:s7], [sflag:s24] =	dma.local [spmem:s25], $0x500  }
0x66: {  	s4 =	sadd.s32 $0x1, s4;
	_ =	swait.ge [sflag:s21], $0x500  }
0x67: {  	p0 =	sne.s32 s4, s11;
	[sflag:s21] =	ssyncset.done $0x0  }
.Ltmp4:
0x68: {  	s31 =	sshrl.u32 s10, $0x3;
	[sflag:s21] =	ssyncadd.s32 $0xFFFFFB00;
	(pc) =	sbr.rel @p0 .LBB2_1-.Ltmp4, $4  }
0x69: {  	[hbm:s9], [sflag:s24] =	dma.local [spmem:s31], $0x500  }
0x6a: {  	_ =	swait.ge [sflag:s21], $0x500  }
0x6b: {  	[sflag:s21] =	ssyncset.done $0x0  }
0x6c: {  	[sflag:s21] =	ssyncadd.s32 $0xFFFFFB00  }
0x6d: {  	_ =	sfence.sel $0x180000  }
0x6e: {  	[bflag:$0x0] =	sbarrier.arrive $0xFFFF  }
0x6f: {  	p0 =	sne.s32 s0, $0x0;
	_ =	strace $0x90000047  }
0x70: {  	s0 =	sadd.s32 @!p0 $0x100000, s1;
	[bflag:$0x2] =	sbarrier.arrive $0xFFFF  }
0x71: {  	[sflag:s0] =	ssyncadd.tile.s32 @!p0 $0x1;
	_ =	shalt  }
.Lfunc_end2:
_tile_overlayer_lowered:
.L_overlay_start_2:
0x72: {  	(tag) =	ssettag $0x2  }
0x73: {  	s0 =	rddreg [dreg:$0x0];
	s2 =	stileid.u32  }
0x74: {  	s1 =	rddreg [dreg:$0x1];
	p0 =	sne.s32 s2, $0x0  }
0x75: {  	s3 =	rddreg [dreg:$0x2];
	[bflag:$0x3] =	sbarrier.arrive $0xFFFF;
	s2 =	simm.s32 @!p0 $0x1C01  }
0x76: {  	[timem:s3], [sflag:s2] =	dma.local @!p0 [hbm:s0], s1  }
0x77: {  	s0 =	simm.s32 @!p0 $0x1  }
0x78: {  	_ =	swait.ge @!p0 [sflag:s0], s1  }
0x79: {  	s1 =	ssub.s32 @!p0 $0x0, s1;
	[sflag:s0] =	ssyncset.done @!p0 $0x0  }
0x7a: {  	[sflag:s0] =	ssyncadd.s32 @!p0 s1  }
0x7b: {  	[bflag:$0x3] =	sbarrier.arrive $0xFFFF  }
0x7c: {  	_ =	shalt  }

</sc_bundles>
